<compile_context>
chip_gen: v7x
topology: tpu7x:2x2x1
jax: 0.10.2.dev20260603
libtpu: 0.0.44.dev20260713+nightly
codegen_flags: <defaults>
</compile_context>

<pallas_src>
import functools

import jax
import jax.numpy as jnp
from jax import lax
from jax.experimental import pallas as pl
from jax.experimental.pallas import tpu as pltpu
from jax.experimental.pallas import tpu_sc as plsc

E = 160000
T = 320000
H = 128
NB = 8
NRAD = 6
NSPH = 42


_BE = 2000


def _pre_body(x_ref, rbf_ref, wr_ref, wk_ref, bk_ref, m_ref):
    xk = jnp.dot(x_ref[...].astype(jnp.bfloat16), wk_ref[...],
                 preferred_element_type=jnp.float32)
    xk = xk + bk_ref[...]
    rh = jnp.dot(rbf_ref[...], wr_ref[...], preferred_element_type=jnp.float32)
    m_ref[...] = jax.nn.silu(xk) * rh


def _edge_pre(x, rbf, W_rbf, W_kj, b_kj):
    grid = (E // _BE,)
    return pl.pallas_call(
        _pre_body,
        grid=grid,
        in_specs=[
            pl.BlockSpec((_BE, H), lambda i: (i, 0)),
            pl.BlockSpec((_BE, NRAD), lambda i: (i, 0)),
            pl.BlockSpec((NRAD, H), lambda i: (0, 0)),
            pl.BlockSpec((H, H), lambda i: (0, 0)),
            pl.BlockSpec((1, H), lambda i: (0, 0)),
        ],
        out_specs=pl.BlockSpec((_BE, H), lambda i: (i, 0)),
        out_shape=jax.ShapeDtypeStruct((E, H), jnp.float32),
    )(x, rbf, W_rbf, W_kj.astype(jnp.bfloat16), b_kj.reshape(1, H))



_NW = 32
_GPW = T // _NW
_GC = 128
_GFULL = _GPW // _GC
_GTAIL = _GPW - _GFULL * _GC


_NBUF = 6


def _gather_sc(m, idx_kj):
    mesh = plsc.VectorSubcoreMesh(core_axis_name="c", subcore_axis_name="s")

    @functools.partial(
        pl.kernel, mesh=mesh,
        out_type=jax.ShapeDtypeStruct((T, H), jnp.float32),
        compiler_params=pltpu.CompilerParams(needs_layout_passes=False),
        scratch_types=[
            pltpu.VMEM((_NBUF, _GC), jnp.int32),
            pltpu.VMEM((_NBUF, _GC, H), jnp.float32),
            pltpu.SemaphoreType.DMA,
            pltpu.SemaphoreType.DMA,
        ],
    )
    def k(m_hbm, idx_hbm, out_hbm, idx_v, rows_v, gsem, osem):
        c = lax.axis_index("c")
        s = lax.axis_index("s")
        wid = s * 2 + c
        base = wid * _GPW

        def start(j):
            b = lax.rem(j, _NBUF)
            off = base + j * _GC
            pltpu.sync_copy(idx_hbm.at[pl.ds(off, _GC)], idx_v.at[b])
            pltpu.async_copy(m_hbm.at[idx_v.at[b]], rows_v.at[b], gsem)

        def finish(j):
            b = lax.rem(j, _NBUF)
            off = base + j * _GC
            pltpu.make_async_copy(m_hbm.at[idx_v.at[b]], rows_v.at[b],
                                  gsem).wait()
            pltpu.async_copy(rows_v.at[b], out_hbm.at[pl.ds(off, _GC)], osem)

        def drain_out(j):
            b = lax.rem(j, _NBUF)
            off = base + j * _GC
            pltpu.make_async_copy(rows_v.at[b], out_hbm.at[pl.ds(off, _GC)],
                                  osem).wait()

        for j in range(_NBUF - 1):
            start(j)
        finish(0)
        start(_NBUF - 1)

        def chunk(j, _):
            finish(j)
            drain_out(j - 1)
            start(j + _NBUF - 1)
            return 0

        lax.fori_loop(1, _GFULL - (_NBUF - 1), chunk, 0)
        for j in range(_GFULL - (_NBUF - 1), _GFULL):
            finish(j)
            drain_out(j - 1)
        drain_out(_GFULL - 1)
        off = base + _GFULL * _GC
        pltpu.sync_copy(idx_hbm.at[pl.ds(off, _GTAIL)],
                        idx_v.at[0, pl.ds(0, _GTAIL)])
        pltpu.async_copy(m_hbm.at[idx_v.at[0, pl.ds(0, _GTAIL)]],
                         rows_v.at[0, pl.ds(0, _GTAIL)], gsem).wait()
        pltpu.sync_copy(rows_v.at[0, pl.ds(0, _GTAIL)],
                        out_hbm.at[pl.ds(off, _GTAIL)])

    return k(m, idx_kj)



_BT = 3200


def _bil_body(g_ref, sbf_ref, ws_ref, w2_ref, out_ref):
    shb = jnp.dot(sbf_ref[...].astype(jnp.bfloat16), ws_ref[...],
                  preferred_element_type=jnp.float32)
    gb = g_ref[...].astype(jnp.bfloat16)
    tmp = jnp.dot(gb, w2_ref[...], preferred_element_type=jnp.float32)
    y = shb * tmp
    acc = y[:, 0:H]
    for j in range(1, NB):
        acc = acc + y[:, j * H:(j + 1) * H]
    out_ref[...] = acc


def _bilinear(g, sbf, W_sbf_wide, W2r):
    grid = (T // _BT,)
    return pl.pallas_call(
        _bil_body,
        grid=grid,
        in_specs=[
            pl.BlockSpec((_BT, H), lambda i: (i, 0)),
            pl.BlockSpec((_BT, NSPH), lambda i: (i, 0)),
            pl.BlockSpec((NSPH, NB * H), lambda i: (0, 0)),
            pl.BlockSpec((H, NB * H), lambda i: (0, 0)),
        ],
        out_specs=pl.BlockSpec((_BT, H), lambda i: (i, 0)),
        out_shape=jax.ShapeDtypeStruct((T, H), jnp.float32),
    )(g, sbf, W_sbf_wide, W2r)



_RANGE = 9600
_NPASS = 9
_LASTR = (E // 2) - (_NPASS - 1) * _RANGE
_TPT = T // 16
_IDXC = 2000
_ROWS_PT = _RANGE // 16
_LROWS_PT = _LASTR // 16
_LIST = 4480
_FLUSH_HI = _LIST - 208


def _scatter_sc(msg, idx_ji):
    mesh = plsc.VectorSubcoreMesh(core_axis_name="c", subcore_axis_name="s")

    @functools.partial(
        pl.kernel, mesh=mesh,
        out_type=jax.ShapeDtypeStruct((E, H), jnp.float32),
        compiler_params=pltpu.CompilerParams(needs_layout_passes=False),
        scratch_types=[
            pltpu.VMEM((_IDXC,), jnp.int32),
            pltpu.VMEM((_LIST,), jnp.int32),
            pltpu.VMEM((_LIST,), jnp.int32),
            pltpu.VMEM((2, _GC, H), jnp.float32),
            pltpu.VMEM((75, H), jnp.float32),
            pltpu.VMEM_SHARED((_RANGE + 16, H), jnp.float32),
            pltpu.SemaphoreType.DMA,
            pltpu.SemaphoreType.DMA,
        ],
    )
    def k(msg_hbm, idx_hbm, out_hbm, idxb, widl, dstl, rows, zbuf,
          acc, sem, asem):
        c = lax.axis_index("c")
        s = lax.axis_index("s")
        half = c * (E // 2)
        half_end = half + E // 2
        tbase = s * _TPT
        lanes = lax.iota(jnp.int32, 16)

        def zrow(i, _):
            def zcol(kk, __):
                zbuf[i, pl.ds(kk * 16, 16)] = jnp.zeros((16,), jnp.float32)
                return 0
            lax.fori_loop(0, H // 16, zcol, 0)
            return 0
        lax.fori_loop(0, 75, zrow, 0)

        def _if(pred, fn, j):
            lax.cond(pred, lambda _: (fn(j), 0)[1], lambda _: 0, 0)

        def g_start(j):
            b = lax.rem(j, 2)
            pltpu.async_copy(msg_hbm.at[widl.at[pl.ds(j * _GC, _GC)]],
                             rows.at[b], sem)

        def g_wait(j):
            b = lax.rem(j, 2)
            pltpu.make_async_copy(msg_hbm.at[widl.at[pl.ds(j * _GC, _GC)]],
                                  rows.at[b], sem).wait()

        def a_start(j):
            b = lax.rem(j, 2)
            pltpu.async_copy(rows.at[b],
                             acc.at[dstl.at[pl.ds(j * _GC, _GC)]],
                             asem, add=True)

        def a_wait(j):
            b = lax.rem(j, 2)
            pltpu.make_async_copy(rows.at[b],
                                  acc.at[dstl.at[pl.ds(j * _GC, _GC)]],
                                  asem).wait()

        def drain(cnt):
            s_ = lax.axis_index("s")
            lanes_ = lax.iota(jnp.int32, 16)

            def pad(kk, _):
                ppos = cnt + kk * 16 + lanes_
                plsc.store_scatter(widl, [ppos],
                                   s_ * _TPT + kk * 16 + lanes_)
                plsc.store_scatter(dstl, [ppos],
                                   jnp.full((16,), _RANGE + s_, jnp.int32))
                return 0
            lax.fori_loop(0, _GC // 16, pad, 0)
            nch = (cnt + _GC - 1) // _GC
            _if(nch > 0, g_start, 0)

            def proc(k2, _):
                _if(k2 >= 1, a_wait, k2 - 1)
                _if(k2 + 1 < nch, g_start, k2 + 1)
                g_wait(k2)
                a_start(k2)
                return 0
            lax.fori_loop(0, nch, proc, 0)
            _if(nch >= 1, a_wait, nch - 1)
            return jnp.int32(0)

        def one_pass(p, _):
            base = half + p * _RANGE
            def zacc(q, __):
                pltpu.sync_copy(zbuf, acc.at[pl.ds(s * _ROWS_PT + q * 75, 75)])
                return 0
            lax.fori_loop(0, _ROWS_PT // 75, zacc, 0)
            plsc.subcore_barrier()

            def chunk(j, cnt):
                pltpu.sync_copy(idx_hbm.at[pl.ds(tbase + j * _IDXC, _IDXC)], idxb)

                def vec(i, cnt):
                    for u in range(5):
                        v = idxb[pl.ds((i * 5 + u) * 16, 16)]
                        rel = v - base
                        msk = (rel >= 0) & (rel < _RANGE) & (v < half_end)
                        w = tbase + j * _IDXC + (i * 5 + u) * 16 + lanes
                        plsc.store_compressed(widl.at[pl.ds(cnt, 16)], w,
                                              mask=msk)
                        plsc.store_compressed(dstl.at[pl.ds(cnt, 16)], rel,
                                              mask=msk)
                        pc = plsc.all_reduce_population_count(msk)
                        cnt = cnt + lax.squeeze(lax.slice(pc, (0,), (1,)), (0,))
                    cnt = lax.cond(cnt > _FLUSH_HI, drain, lambda cc: cc, cnt)
                    return cnt

                return lax.fori_loop(0, _IDXC // 80, vec, cnt)

            cnt = lax.fori_loop(0, _TPT // _IDXC, chunk, jnp.int32(0))
            drain(cnt)
            plsc.subcore_barrier()

            def flush_full(_):
                pltpu.sync_copy(acc.at[pl.ds(s * _ROWS_PT, _ROWS_PT)],
                                out_hbm.at[pl.ds(base + s * _ROWS_PT, _ROWS_PT)])
                return 0

            def flush_last(_):
                pltpu.sync_copy(acc.at[pl.ds(s * _LROWS_PT, _LROWS_PT)],
                                out_hbm.at[pl.ds(base + s * _LROWS_PT, _LROWS_PT)])
                return 0

            lax.cond(p < _NPASS - 1, flush_full, flush_last, 0)
            plsc.subcore_barrier()
            return 0

        lax.fori_loop(0, _NPASS, one_pass, 0)

    return k(msg, idx_ji)



def _final_body(x_ref, agg_ref, wji_ref, bji_ref,
                b0w1_ref, b0b1_ref, b0w2_ref, b0b2_ref,
                wl_ref, bl_ref,
                a0w1_ref, a0b1_ref, a0w2_ref, a0b2_ref,
                a1w1_ref, a1b1_ref, a1w2_ref, a1b2_ref, out_ref):
    act = jax.nn.silu

    def mm(a, w_ref, b_ref):
        return jnp.dot(a.astype(jnp.bfloat16), w_ref[...],
                       preferred_element_type=jnp.float32) + b_ref[...]

    xb = x_ref[...]
    h = act(mm(xb, wji_ref, bji_ref)) + agg_ref[...]
    h = h + act(mm(act(mm(h, b0w1_ref, b0b1_ref)), b0w2_ref, b0b2_ref))
    h = act(mm(h, wl_ref, bl_ref)) + xb
    h = h + act(mm(act(mm(h, a0w1_ref, a0b1_ref)), a0w2_ref, a0b2_ref))
    h = h + act(mm(act(mm(h, a1w1_ref, a1b1_ref)), a1w2_ref, a1b2_ref))
    out_ref[...] = h


def _final(x, agg, W_ji, b_ji, bs0_W1, bs0_b1, bs0_W2, bs0_b2,
           W_lin, b_lin, as0_W1, as0_b1, as0_W2, as0_b2,
           as1_W1, as1_b1, as1_W2, as1_b2):
    grid = (E // _BE,)
    row = pl.BlockSpec((_BE, H), lambda i: (i, 0))
    wsp = pl.BlockSpec((H, H), lambda i: (0, 0))
    bsp = pl.BlockSpec((1, H), lambda i: (0, 0))
    ws = [W_ji, b_ji, bs0_W1, bs0_b1, bs0_W2, bs0_b2, W_lin, b_lin,
          as0_W1, as0_b1, as0_W2, as0_b2, as1_W1, as1_b1, as1_W2, as1_b2]
    specs = []
    wargs = []
    for w in ws:
        if w.ndim == 1:
            specs.append(bsp)
            wargs.append(w.reshape(1, H))
        else:
            specs.append(wsp)
            wargs.append(w.astype(jnp.bfloat16))
    return pl.pallas_call(
        _final_body,
        grid=grid,
        in_specs=[row, row] + specs,
        out_specs=row,
        out_shape=jax.ShapeDtypeStruct((E, H), jnp.float32),
    )(x, agg, *wargs)



def kernel(x, rbf, sbf, idx_kj, idx_ji, angle,
           W_rbf, W_sbf, W_kj, b_kj, W_ji, b_ji, W_bil,
           bs0_W1, bs0_b1, bs0_W2, bs0_b2,
           W_lin, b_lin,
           as0_W1, as0_b1, as0_W2, as0_b2,
           as1_W1, as1_b1, as1_W2, as1_b2):
    idx_kj = idx_kj.astype(jnp.int32)
    idx_ji = idx_ji.astype(jnp.int32)
    W2r = jnp.transpose(W_bil, (2, 1, 0)).reshape(H, NB * H).astype(jnp.bfloat16)
    W_sbf_wide = jnp.kron(W_sbf, jnp.ones((1, H), jnp.float32)).astype(jnp.bfloat16)

    m = _edge_pre(x, rbf, W_rbf, W_kj, b_kj)
    g = _gather_sc(m, idx_kj)
    msg = _bilinear(g, sbf, W_sbf_wide, W2r)
    agg = _scatter_sc(msg, idx_ji)
    return _final(x, agg, W_ji, b_ji, bs0_W1, bs0_b1, bs0_W2, bs0_b2,
                  W_lin, b_lin, as0_W1, as0_b1, as0_W2, as0_b2,
                  as1_W1, as1_b1, as1_W2, as1_b2)

# --- scband reference (transcript-rebuilt; emitter-appended) ---
"""Pipeline reference for scband-interaction-block-47115791237972 (READ-ONLY COPY).

The authoritative reference and input builder live on the scoring server;
editing this copy changes nothing except your own understanding.
"""

import jax, jax.numpy as jnp
import numpy as np

E = 160000
T = 320000
H = 128
B = 8
NS = 7
NR = 6


def setup_inputs(seed: int = 0) -> dict:
    key = jax.random.key(seed)
    ks = jax.random.split(key, 24)

    def nrm(k, shape, scale):
        return (jax.random.normal(k, shape, dtype=jnp.float32) * scale).astype(jnp.float32)

    inp = {}
    inp["x"] = jax.random.normal(ks[0], (E, H), dtype=jnp.float32)
    inp["rbf"] = jax.random.uniform(ks[1], (E, NR), dtype=jnp.float32)
    inp["sbf"] = jax.random.normal(ks[2], (T, NS * NR), dtype=jnp.float32)
    inp["idx_kj"] = jax.random.randint(ks[3], (T,), 0, E)
    inp["idx_ji"] = jax.random.randint(ks[4], (T,), 0, E)
    inp["angle"] = jax.random.uniform(ks[5], (T,), dtype=jnp.float32) * np.pi
    inp["W_rbf"] = nrm(ks[6], (NR, H), 1.0 / np.sqrt(NR))
    inp["W_sbf"] = nrm(ks[7], (NS * NR, B), 1.0 / np.sqrt(NS * NR))
    inp["W_kj"] = nrm(ks[8], (H, H), 1.0 / np.sqrt(H))
    inp["b_kj"] = jnp.zeros((H,), jnp.float32)
    inp["W_ji"] = nrm(ks[9], (H, H), 1.0 / np.sqrt(H))
    inp["b_ji"] = jnp.zeros((H,), jnp.float32)
    inp["W_bil"] = nrm(ks[10], (H, B, H), 2.0 / H)
    inp["bs0_W1"] = nrm(ks[11], (H, H), 1.0 / np.sqrt(H))
    inp["bs0_b1"] = jnp.zeros((H,), jnp.float32)
    inp["bs0_W2"] = nrm(ks[12], (H, H), 1.0 / np.sqrt(H))
    inp["bs0_b2"] = jnp.zeros((H,), jnp.float32)
    inp["W_lin"] = nrm(ks[13], (H, H), 1.0 / np.sqrt(H))
    inp["b_lin"] = jnp.zeros((H,), jnp.float32)
    inp["as0_W1"] = nrm(ks[14], (H, H), 1.0 / np.sqrt(H))
    inp["as0_b1"] = jnp.zeros((H,), jnp.float32)
    inp["as0_W2"] = nrm(ks[15], (H, H), 1.0 / np.sqrt(H))
    inp["as0_b2"] = jnp.zeros((H,), jnp.float32)
    inp["as1_W1"] = nrm(ks[16], (H, H), 1.0 / np.sqrt(H))
    inp["as1_b1"] = jnp.zeros((H,), jnp.float32)
    inp["as1_W2"] = nrm(ks[17], (H, H), 1.0 / np.sqrt(H))
    inp["as1_b2"] = jnp.zeros((H,), jnp.float32)
    return inp


def reference(x, rbf, sbf, idx_kj, idx_ji, angle,
              W_rbf, W_sbf, W_kj, b_kj, W_ji, b_ji, W_bil,
              bs0_W1, bs0_b1, bs0_W2, bs0_b2,
              W_lin, b_lin,
              as0_W1, as0_b1, as0_W2, as0_b2,
              as1_W1, as1_b1, as1_W2, as1_b2):
    act = jax.nn.silu
    rbf_h = rbf @ W_rbf
    sbf_h = sbf @ W_sbf
    x_ji = act(x @ W_ji + b_ji)
    x_kj = act(x @ W_kj + b_kj)
    x_kj = x_kj * rbf_h
    x_kj = jnp.take(x_kj, idx_kj, axis=0)
    # selection_count == 0, so the angle-based selection branch is skipped
    x_kj = jnp.einsum('wj,wl,ijl->wi', sbf_h, x_kj, W_bil)
    x_kj = jax.ops.segment_sum(x_kj, idx_ji, num_segments=x.shape[0])
    h = x_ji + x_kj

    def res(hh, W1, b1, W2, b2):
        return hh + act((act(hh @ W1 + b1)) @ W2 + b2)

    h = res(h, bs0_W1, bs0_b1, bs0_W2, bs0_b2)
    h = act(h @ W_lin + b_lin) + x
    h = res(h, as0_W1, as0_b1, as0_W2, as0_b2)
    h = res(h, as1_W1, as1_b1, as1_W2, as1_b2)
    return h

if __name__ == "__main__":
    import jax
    _d = setup_inputs()
    print(jax.jit(kernel)(*tuple(_d.values())))

</pallas_src>

<mosaic_0001>
#map = affine_map<(d0, d1) -> (0, 0)>
#map1 = affine_map<(d0, d1) -> (0)>
module attributes {stable_mosaic.version = 14 : i64} {
  func.func @k(%arg0: i32, %arg1: i32, %arg2: memref<320000x128xf32, #tpu.memory_space<hbm>>, %arg3: memref<320000xi32, #tpu.memory_space<hbm>>, %arg4: memref<160000x128xf32, #tpu.memory_space<hbm>>, %arg5: memref<2000xi32, #tpu.memory_space<vmem>>, %arg6: memref<4480xi32, #tpu.memory_space<vmem>>, %arg7: memref<4480xi32, #tpu.memory_space<vmem>>, %arg8: memref<2x128x128xf32, #tpu.memory_space<vmem>>, %arg9: memref<75x128xf32, #tpu.memory_space<vmem>>, %arg10: memref<9616x128xf32, #tpu.memory_space<vmem_shared>>, %arg11: memref<!tpu.dma_semaphore, #tpu.memory_space<semaphore_mem>>, %arg12: memref<!tpu.dma_semaphore, #tpu.memory_space<semaphore_mem>>) attributes {dimension_semantics = [#tpu.dimension_semantics<core_parallel>, #tpu.dimension_semantics<subcore_parallel>], iteration_bounds = array<i64: 2, 16>, scalar_prefetch = 0 : i64, scratch_operands = 8 : i64, tpu.core_type = #tpu.core_type<sc_vector_subcore>, window_params = [{transform_indices = #map}, {transform_indices = #map1}, {transform_indices = #map}]} {
    %mul3A = arith.constant 80000 : i32
    %mul3A_0 = arith.muli %arg0, %mul3A : i32
    %add3A = arith.constant 80000 : i32
    %add3A_1 = arith.addi %mul3A_0, %add3A : i32
    %mul3A_2 = arith.constant 20000 : i32
    %mul3A_3 = arith.muli %arg1, %mul3A_2 : i32
    %iota3A = tpu.iota {dimensions = array<i32: 0>} : vector<16xi32>
    %scan3A = arith.constant 0 : i32
    %scan3A_4 = arith.constant 0 : i32
    %scan3A_5 = arith.constant 75 : i32
    %scan3A_6 = arith.addi %scan3A_4, %scan3A_5 : i32
    %scan3A_7 = arith.constant 1 : i32
    %scan3A_8 = scf.for %scan3A_17 = %scan3A_4 to %scan3A_6 step %scan3A_7 iter_args(%scan3A_18 = %scan3A) -> (i32)  : i32 {
      %scan3A_19 = arith.constant 0 : i32
      %scan3A_20 = arith.constant 0 : i32
      %scan3A_21 = arith.constant 8 : i32
      %scan3A_22 = arith.addi %scan3A_20, %scan3A_21 : i32
      %scan3A_23 = arith.constant 1 : i32
      %scan3A_24 = scf.for %scan3A_27 = %scan3A_20 to %scan3A_22 step %scan3A_23 iter_args(%scan3A_28 = %scan3A_19) -> (i32)  : i32 {
        %broadcast_in_dim3A = arith.constant 0.000000e+00 : f32
        %broadcast_in_dim3A_29 = vector.broadcast %broadcast_in_dim3A : f32 to vector<16xf32>
        %mul3A_30 = arith.constant 16 : i32
        %mul3A_31 = arith.muli %scan3A_27, %mul3A_30 : i32
        %swap3A = arith.index_cast %scan3A_17 : i32 to index
        %swap3A_32 = arith.index_cast %mul3A_31 : i32 to index
        %swap3A_33 = tpu.vector_load %arg9[%swap3A, %swap3A_32] {strides = array<i32>} : memref<75x128xf32, #tpu.memory_space<vmem>>, vector<16xf32>,
        tpu.vector_store %arg9[%swap3A, %swap3A_32], %broadcast_in_dim3A_29 {strides = array<i32>} : memref<75x128xf32, #tpu.memory_space<vmem>>, vector<16xf32>,
        %scan3A_34 = arith.constant 0 : i32
        scf.yield %scan3A_34 : i32
      }
      %scan3A_25 = arith.constant 8 : i32
      %scan3A_26 = arith.constant 0 : i32
      scf.yield %scan3A_26 : i32
    }
    %scan3A_9 = arith.constant 75 : i32
    %scan3A_10 = arith.constant 0 : i32
    %scan3A_11 = arith.constant 0 : i32
    %scan3A_12 = arith.constant 9 : i32
    %scan3A_13 = arith.addi %scan3A_11, %scan3A_12 : i32
    %scan3A_14 = arith.constant 1 : i32
    %scan3A_15 = scf.for %scan3A_17 = %scan3A_11 to %scan3A_13 step %scan3A_14 iter_args(%scan3A_18 = %scan3A_10) -> (i32)  : i32 {
      %mul3A_19 = arith.constant 9600 : i32
      %mul3A_20 = arith.muli %scan3A_17, %mul3A_19 : i32
      %add3A_21 = arith.addi %mul3A_0, %mul3A_20 : i32
      %scan3A_22 = arith.constant 0 : i32
      %scan3A_23 = arith.constant 0 : i32
      %scan3A_24 = arith.constant 8 : i32
      %scan3A_25 = arith.addi %scan3A_23, %scan3A_24 : i32
      %scan3A_26 = arith.constant 1 : i32
      %scan3A_27 = scf.for %scan3A_96 = %scan3A_23 to %scan3A_25 step %scan3A_26 iter_args(%scan3A_97 = %scan3A_22) -> (i32)  : i32 {
        %mul3A_98 = arith.constant 600 : i32
        %mul3A_99 = arith.muli %arg1, %mul3A_98 : i32
        %mul3A_100 = arith.constant 75 : i32
        %mul3A_101 = arith.muli %scan3A_96, %mul3A_100 : i32
        %add3A_102 = arith.addi %mul3A_99, %mul3A_101 : i32
        "tpu.region"() ({
          %run_scoped3A = tpu.sem_alloc : memref<!tpu.dma_semaphore, #tpu.memory_space<semaphore_mem>>
          %dma_start3A = arith.constant 0 : i32
          %dma_start3A_104 = tpu.memref_slice %arg10[%add3A_102, %dma_start3A] : memref<9616x128xf32, #tpu.memory_space<vmem_shared>> -> memref<75x128xf32, #tpu.memory_space<vmem_shared>>
          %dma_start3A_105 = arith.constant 0 : i32
          %dma_start3A_106 = tpu.memref_slice %arg10[%add3A_102, %dma_start3A_105] : memref<9616x128xf32, #tpu.memory_space<vmem_shared>> -> memref<75x128xf32, #tpu.memory_space<vmem_shared>>
          tpu.enqueue_dma source(%arg9 : memref<75x128xf32, #tpu.memory_space<vmem>>) target(%dma_start3A_106 : memref<75x128xf32, #tpu.memory_space<vmem_shared>>) target_semaphore(%run_scoped3A : memref<!tpu.dma_semaphore, #tpu.memory_space<semaphore_mem>>)
          %dma_wait3A = arith.constant 0 : i32
          %dma_wait3A_107 = tpu.memref_slice %arg10[%add3A_102, %dma_wait3A] : memref<9616x128xf32, #tpu.memory_space<vmem_shared>> -> memref<75x128xf32, #tpu.memory_space<vmem_shared>>
          %dma_wait3A_108 = arith.constant 0 : i32
          %dma_wait3A_109 = tpu.memref_slice %arg10[%add3A_102, %dma_wait3A_108] : memref<9616x128xf32, #tpu.memory_space<vmem_shared>> -> memref<75x128xf32, #tpu.memory_space<vmem_shared>>
          tpu.wait_dma2 semaphore(%run_scoped3A : memref<!tpu.dma_semaphore, #tpu.memory_space<semaphore_mem>>) src(%arg9 : memref<75x128xf32, #tpu.memory_space<vmem>>) dst(%dma_wait3A_109 : memref<75x128xf32, #tpu.memory_space<vmem_shared>>)
          tpu.yield
        }) : () -> ()
        %scan3A_103 = arith.constant 0 : i32
        scf.yield %scan3A_103 : i32
      }
      %scan3A_28 = arith.constant 8 : i32
      %barrier3A = arith.constant 0 : index
      tpu.barrier barrier_id(%barrier3A)
      %scan3A_29 = arith.constant 0 : i32
      %scan3A_30 = arith.constant 0 : i32
      %scan3A_31 = arith.constant 10 : i32
      %scan3A_32 = arith.addi %scan3A_30, %scan3A_31 : i32
      %scan3A_33 = arith.constant 1 : i32
      %scan3A_34 = scf.for %scan3A_96 = %scan3A_30 to %scan3A_32 step %scan3A_33 iter_args(%scan3A_97 = %scan3A_29) -> (i32)  : i32 {
        %mul3A_98 = arith.constant 2000 : i32
        %mul3A_99 = arith.muli %scan3A_96, %mul3A_98 : i32
        %add3A_100 = arith.addi %mul3A_3, %mul3A_99 : i32
        "tpu.region"() ({
          %run_scoped3A = tpu.sem_alloc : memref<!tpu.dma_semaphore, #tpu.memory_space<semaphore_mem>>
          %dma_start3A = tpu.memref_slice %arg3[%add3A_100] : memref<320000xi32, #tpu.memory_space<hbm>> -> memref<2000xi32, #tpu.memory_space<hbm>>
          %dma_start3A_107 = tpu.memref_slice %arg3[%add3A_100] : memref<320000xi32, #tpu.memory_space<hbm>> -> memref<2000xi32, #tpu.memory_space<hbm>>
          tpu.enqueue_dma source(%dma_start3A_107 : memref<2000xi32, #tpu.memory_space<hbm>>) target(%arg5 : memref<2000xi32, #tpu.memory_space<vmem>>) target_semaphore(%run_scoped3A : memref<!tpu.dma_semaphore, #tpu.memory_space<semaphore_mem>>)
          %dma_wait3A = tpu.memref_slice %arg3[%add3A_100] : memref<320000xi32, #tpu.memory_space<hbm>> -> memref<2000xi32, #tpu.memory_space<hbm>>
          %dma_wait3A_108 = tpu.memref_slice %arg3[%add3A_100] : memref<320000xi32, #tpu.memory_space<hbm>> -> memref<2000xi32, #tpu.memory_space<hbm>>
          tpu.wait_dma2 semaphore(%run_scoped3A : memref<!tpu.dma_semaphore, #tpu.memory_space<semaphore_mem>>) src(%dma_wait3A_108 : memref<2000xi32, #tpu.memory_space<hbm>>) dst(%arg5 : memref<2000xi32, #tpu.memory_space<vmem>>)
          tpu.yield
        }) : () -> ()
        %scan3A_101 = arith.constant 0 : i32
        %scan3A_102 = arith.constant 25 : i32
        %scan3A_103 = arith.addi %scan3A_101, %scan3A_102 : i32
        %scan3A_104 = arith.constant 1 : i32
        %scan3A_105 = scf.for %scan3A_107 = %scan3A_101 to %scan3A_103 step %scan3A_104 iter_args(%scan3A_108 = %scan3A_97) -> (i32)  : i32 {
          %mul3A_109 = arith.constant 5 : i32
          %mul3A_110 = arith.muli %scan3A_107, %mul3A_109 : i32
          %add3A_111 = arith.constant 0 : i32
          %add3A_112 = arith.addi %mul3A_110, %add3A_111 : i32
          %mul3A_113 = arith.constant 16 : i32
          %mul3A_114 = arith.muli %add3A_112, %mul3A_113 : i32
          %get3A = arith.index_cast %mul3A_114 : i32 to index
          %get3A_115 = tpu.vector_load %arg5[%get3A] {strides = array<i32>} : memref<2000xi32, #tpu.memory_space<vmem>>, vector<16xi32>,
          %sub3A_116 = vector.broadcast %add3A_21 : i32 to vector<16xi32>
          %sub3A_117 = arith.subi %get3A_115, %sub3A_116 : vector<16xi32>
          %ge3A_118 = arith.constant 0 : i32
          %ge3A_119 = vector.broadcast %ge3A_118 : i32 to vector<16xi32>
          %ge3A_120 = arith.cmpi sge, %sub3A_117, %ge3A_119 : vector<16xi32>
          %lt3A_121 = arith.constant 9600 : i32
          %lt3A_122 = vector.broadcast %lt3A_121 : i32 to vector<16xi32>
          %lt3A_123 = arith.cmpi slt, %sub3A_117, %lt3A_122 : vector<16xi32>
          %and3A_124 = arith.andi %ge3A_120, %lt3A_123 : vector<16xi1>
          %lt3A_125 = vector.broadcast %add3A_1 : i32 to vector<16xi32>
          %lt3A_126 = arith.cmpi slt, %get3A_115, %lt3A_125 : vector<16xi32>
          %and3A_127 = arith.andi %and3A_124, %lt3A_126 : vector<16xi1>
          %mul3A_128 = arith.constant 2000 : i32
          %mul3A_129 = arith.muli %scan3A_96, %mul3A_128 : i32
          %add3A_130 = arith.addi %mul3A_3, %mul3A_129 : i32
          %mul3A_131 = arith.constant 5 : i32
          %mul3A_132 = arith.muli %scan3A_107, %mul3A_131 : i32
          %add3A_133 = arith.constant 0 : i32
          %add3A_134 = arith.addi %mul3A_132, %add3A_133 : i32
          %mul3A_135 = arith.constant 16 : i32
          %mul3A_136 = arith.muli %add3A_134, %mul3A_135 : i32
          %add3A_137 = arith.addi %add3A_130, %mul3A_136 : i32
          %add3A_138 = vector.broadcast %add3A_137 : i32 to vector<16xi32>
          %add3A_139 = arith.addi %add3A_138, %iota3A : vector<16xi32>
          %swap3A = arith.index_cast %scan3A_108 : i32 to index
          %swap3A_140 = tpu.vector_load %arg6[%swap3A] masked %and3A_127 {strides = array<i32>} : memref<4480xi32, #tpu.memory_space<vmem>>, vector<16xi32>, vector<16xi1>
          tpu.vector_store %arg6[%swap3A], %add3A_139 masked %and3A_127 {strides = array<i32>} : memref<4480xi32, #tpu.memory_space<vmem>>, vector<16xi32>, vector<16xi1>
          %swap3A_141 = arith.index_cast %scan3A_108 : i32 to index
          %swap3A_142 = tpu.vector_load %arg7[%swap3A_141] masked %and3A_127 {strides = array<i32>} : memref<4480xi32, #tpu.memory_space<vmem>>, vector<16xi32>, vector<16xi1>
          tpu.vector_store %arg7[%swap3A_141], %sub3A_117 masked %and3A_127 {strides = array<i32>} : memref<4480xi32, #tpu.memory_space<vmem>>, vector<16xi32>, vector<16xi1>
          %all_reduce_population_count3A = tpu.all_reduce %and3A_127 {dim = 0 : i64, kind = #tpu.reduction_kind<sum>} : vector<16xi1> -> vector<16xi32>
          %slice3A = vector.extract_strided_slice %all_reduce_population_count3A {offsets = [0], sizes = [1], strides = [1]} : vector<16xi32> to vector<1xi32>
          %squeeze3A = vector.extract %slice3A[0] : i32 from vector<1xi32>
          %add3A_143 = arith.addi %scan3A_108, %squeeze3A : i32
          %mul3A_144 = arith.constant 5 : i32
          %mul3A_145 = arith.muli %scan3A_107, %mul3A_144 : i32
          %add3A_146 = arith.constant 1 : i32
          %add3A_147 = arith.addi %mul3A_145, %add3A_146 : i32
          %mul3A_148 = arith.constant 16 : i32
          %mul3A_149 = arith.muli %add3A_147, %mul3A_148 : i32
          %get3A_150 = arith.index_cast %mul3A_149 : i32 to index
          %get3A_151 = tpu.vector_load %arg5[%get3A_150] {strides = array<i32>} : memref<2000xi32, #tpu.memory_space<vmem>>, vector<16xi32>,
          %sub3A_152 = vector.broadcast %add3A_21 : i32 to vector<16xi32>
          %sub3A_153 = arith.subi %get3A_151, %sub3A_152 : vector<16xi32>
          %ge3A_154 = arith.constant 0 : i32
          %ge3A_155 = vector.broadcast %ge3A_154 : i32 to vector<16xi32>
          %ge3A_156 = arith.cmpi sge, %sub3A_153, %ge3A_155 : vector<16xi32>
          %lt3A_157 = arith.constant 9600 : i32
          %lt3A_158 = vector.broadcast %lt3A_157 : i32 to vector<16xi32>
          %lt3A_159 = arith.cmpi slt, %sub3A_153, %lt3A_158 : vector<16xi32>
          %and3A_160 = arith.andi %ge3A_156, %lt3A_159 : vector<16xi1>
          %lt3A_161 = vector.broadcast %add3A_1 : i32 to vector<16xi32>
          %lt3A_162 = arith.cmpi slt, %get3A_151, %lt3A_161 : vector<16xi32>
          %and3A_163 = arith.andi %and3A_160, %lt3A_162 : vector<16xi1>
          %mul3A_164 = arith.constant 2000 : i32
          %mul3A_165 = arith.muli %scan3A_96, %mul3A_164 : i32
          %add3A_166 = arith.addi %mul3A_3, %mul3A_165 : i32
          %mul3A_167 = arith.constant 5 : i32
          %mul3A_168 = arith.muli %scan3A_107, %mul3A_167 : i32
          %add3A_169 = arith.constant 1 : i32
          %add3A_170 = arith.addi %mul3A_168, %add3A_169 : i32
          %mul3A_171 = arith.constant 16 : i32
          %mul3A_172 = arith.muli %add3A_170, %mul3A_171 : i32
          %add3A_173 = arith.addi %add3A_166, %mul3A_172 : i32
          %add3A_174 = vector.broadcast %add3A_173 : i32 to vector<16xi32>
          %add3A_175 = arith.addi %add3A_174, %iota3A : vector<16xi32>
          %swap3A_176 = arith.index_cast %add3A_143 : i32 to index
          %swap3A_177 = tpu.vector_load %arg6[%swap3A_176] masked %and3A_163 {strides = array<i32>} : memref<4480xi32, #tpu.memory_space<vmem>>, vector<16xi32>, vector<16xi1>
          tpu.vector_store %arg6[%swap3A_176], %add3A_175 masked %and3A_163 {strides = array<i32>} : memref<4480xi32, #tpu.memory_space<vmem>>, vector<16xi32>, vector<16xi1>
          %swap3A_178 = arith.index_cast %add3A_143 : i32 to index
          %swap3A_179 = tpu.vector_load %arg7[%swap3A_178] masked %and3A_163 {strides = array<i32>} : memref<4480xi32, #tpu.memory_space<vmem>>, vector<16xi32>, vector<16xi1>
          tpu.vector_store %arg7[%swap3A_178], %sub3A_153 masked %and3A_163 {strides = array<i32>} : memref<4480xi32, #tpu.memory_space<vmem>>, vector<16xi32>, vector<16xi1>
          %all_reduce_population_count3A_180 = tpu.all_reduce %and3A_163 {dim = 0 : i64, kind = #tpu.reduction_kind<sum>} : vector<16xi1> -> vector<16xi32>
          %slice3A_181 = vector.extract_strided_slice %all_reduce_population_count3A_180 {offsets = [0], sizes = [1], strides = [1]} : vector<16xi32> to vector<1xi32>
          %squeeze3A_182 = vector.extract %slice3A_181[0] : i32 from vector<1xi32>
          %add3A_183 = arith.addi %add3A_143, %squeeze3A_182 : i32
          %mul3A_184 = arith.constant 5 : i32
          %mul3A_185 = arith.muli %scan3A_107, %mul3A_184 : i32
          %add3A_186 = arith.constant 2 : i32
          %add3A_187 = arith.addi %mul3A_185, %add3A_186 : i32
          %mul3A_188 = arith.constant 16 : i32
          %mul3A_189 = arith.muli %add3A_187, %mul3A_188 : i32
          %get3A_190 = arith.index_cast %mul3A_189 : i32 to index
          %get3A_191 = tpu.vector_load %arg5[%get3A_190] {strides = array<i32>} : memref<2000xi32, #tpu.memory_space<vmem>>, vector<16xi32>,
          %sub3A_192 = vector.broadcast %add3A_21 : i32 to vector<16xi32>
          %sub3A_193 = arith.subi %get3A_191, %sub3A_192 : vector<16xi32>
          %ge3A_194 = arith.constant 0 : i32
          %ge3A_195 = vector.broadcast %ge3A_194 : i32 to vector<16xi32>
          %ge3A_196 = arith.cmpi sge, %sub3A_193, %ge3A_195 : vector<16xi32>
          %lt3A_197 = arith.constant 9600 : i32
          %lt3A_198 = vector.broadcast %lt3A_197 : i32 to vector<16xi32>
          %lt3A_199 = arith.cmpi slt, %sub3A_193, %lt3A_198 : vector<16xi32>
          %and3A_200 = arith.andi %ge3A_196, %lt3A_199 : vector<16xi1>
          %lt3A_201 = vector.broadcast %add3A_1 : i32 to vector<16xi32>
          %lt3A_202 = arith.cmpi slt, %get3A_191, %lt3A_201 : vector<16xi32>
          %and3A_203 = arith.andi %and3A_200, %lt3A_202 : vector<16xi1>
          %mul3A_204 = arith.constant 2000 : i32
          %mul3A_205 = arith.muli %scan3A_96, %mul3A_204 : i32
          %add3A_206 = arith.addi %mul3A_3, %mul3A_205 : i32
          %mul3A_207 = arith.constant 5 : i32
          %mul3A_208 = arith.muli %scan3A_107, %mul3A_207 : i32
          %add3A_209 = arith.constant 2 : i32
          %add3A_210 = arith.addi %mul3A_208, %add3A_209 : i32
          %mul3A_211 = arith.constant 16 : i32
          %mul3A_212 = arith.muli %add3A_210, %mul3A_211 : i32
          %add3A_213 = arith.addi %add3A_206, %mul3A_212 : i32
          %add3A_214 = vector.broadcast %add3A_213 : i32 to vector<16xi32>
          %add3A_215 = arith.addi %add3A_214, %iota3A : vector<16xi32>
          %swap3A_216 = arith.index_cast %add3A_183 : i32 to index
          %swap3A_217 = tpu.vector_load %arg6[%swap3A_216] masked %and3A_203 {strides = array<i32>} : memref<4480xi32, #tpu.memory_space<vmem>>, vector<16xi32>, vector<16xi1>
          tpu.vector_store %arg6[%swap3A_216], %add3A_215 masked %and3A_203 {strides = array<i32>} : memref<4480xi32, #tpu.memory_space<vmem>>, vector<16xi32>, vector<16xi1>
          %swap3A_218 = arith.index_cast %add3A_183 : i32 to index
          %swap3A_219 = tpu.vector_load %arg7[%swap3A_218] masked %and3A_203 {strides = array<i32>} : memref<4480xi32, #tpu.memory_space<vmem>>, vector<16xi32>, vector<16xi1>
          tpu.vector_store %arg7[%swap3A_218], %sub3A_193 masked %and3A_203 {strides = array<i32>} : memref<4480xi32, #tpu.memory_space<vmem>>, vector<16xi32>, vector<16xi1>
          %all_reduce_population_count3A_220 = tpu.all_reduce %and3A_203 {dim = 0 : i64, kind = #tpu.reduction_kind<sum>} : vector<16xi1> -> vector<16xi32>
          %slice3A_221 = vector.extract_strided_slice %all_reduce_population_count3A_220 {offsets = [0], sizes = [1], strides = [1]} : vector<16xi32> to vector<1xi32>
          %squeeze3A_222 = vector.extract %slice3A_221[0] : i32 from vector<1xi32>
          %add3A_223 = arith.addi %add3A_183, %squeeze3A_222 : i32
          %mul3A_224 = arith.constant 5 : i32
          %mul3A_225 = arith.muli %scan3A_107, %mul3A_224 : i32
          %add3A_226 = arith.constant 3 : i32
          %add3A_227 = arith.addi %mul3A_225, %add3A_226 : i32
          %mul3A_228 = arith.constant 16 : i32
          %mul3A_229 = arith.muli %add3A_227, %mul3A_228 : i32
          %get3A_230 = arith.index_cast %mul3A_229 : i32 to index
          %get3A_231 = tpu.vector_load %arg5[%get3A_230] {strides = array<i32>} : memref<2000xi32, #tpu.memory_space<vmem>>, vector<16xi32>,
          %sub3A_232 = vector.broadcast %add3A_21 : i32 to vector<16xi32>
          %sub3A_233 = arith.subi %get3A_231, %sub3A_232 : vector<16xi32>
          %ge3A_234 = arith.constant 0 : i32
          %ge3A_235 = vector.broadcast %ge3A_234 : i32 to vector<16xi32>
          %ge3A_236 = arith.cmpi sge, %sub3A_233, %ge3A_235 : vector<16xi32>
          %lt3A_237 = arith.constant 9600 : i32
          %lt3A_238 = vector.broadcast %lt3A_237 : i32 to vector<16xi32>
          %lt3A_239 = arith.cmpi slt, %sub3A_233, %lt3A_238 : vector<16xi32>
          %and3A_240 = arith.andi %ge3A_236, %lt3A_239 : vector<16xi1>
          %lt3A_241 = vector.broadcast %add3A_1 : i32 to vector<16xi32>
          %lt3A_242 = arith.cmpi slt, %get3A_231, %lt3A_241 : vector<16xi32>
          %and3A_243 = arith.andi %and3A_240, %lt3A_242 : vector<16xi1>
          %mul3A_244 = arith.constant 2000 : i32
          %mul3A_245 = arith.muli %scan3A_96, %mul3A_244 : i32
          %add3A_246 = arith.addi %mul3A_3, %mul3A_245 : i32
          %mul3A_247 = arith.constant 5 : i32
          %mul3A_248 = arith.muli %scan3A_107, %mul3A_247 : i32
          %add3A_249 = arith.constant 3 : i32
          %add3A_250 = arith.addi %mul3A_248, %add3A_249 : i32
          %mul3A_251 = arith.constant 16 : i32
          %mul3A_252 = arith.muli %add3A_250, %mul3A_251 : i32
          %add3A_253 = arith.addi %add3A_246, %mul3A_252 : i32
          %add3A_254 = vector.broadcast %add3A_253 : i32 to vector<16xi32>
          %add3A_255 = arith.addi %add3A_254, %iota3A : vector<16xi32>
          %swap3A_256 = arith.index_cast %add3A_223 : i32 to index
          %swap3A_257 = tpu.vector_load %arg6[%swap3A_256] masked %and3A_243 {strides = array<i32>} : memref<4480xi32, #tpu.memory_space<vmem>>, vector<16xi32>, vector<16xi1>
          tpu.vector_store %arg6[%swap3A_256], %add3A_255 masked %and3A_243 {strides = array<i32>} : memref<4480xi32, #tpu.memory_space<vmem>>, vector<16xi32>, vector<16xi1>
          %swap3A_258 = arith.index_cast %add3A_223 : i32 to index
          %swap3A_259 = tpu.vector_load %arg7[%swap3A_258] masked %and3A_243 {strides = array<i32>} : memref<4480xi32, #tpu.memory_space<vmem>>, vector<16xi32>, vector<16xi1>
          tpu.vector_store %arg7[%swap3A_258], %sub3A_233 masked %and3A_243 {strides = array<i32>} : memref<4480xi32, #tpu.memory_space<vmem>>, vector<16xi32>, vector<16xi1>
          %all_reduce_population_count3A_260 = tpu.all_reduce %and3A_243 {dim = 0 : i64, kind = #tpu.reduction_kind<sum>} : vector<16xi1> -> vector<16xi32>
          %slice3A_261 = vector.extract_strided_slice %all_reduce_population_count3A_260 {offsets = [0], sizes = [1], strides = [1]} : vector<16xi32> to vector<1xi32>
          %squeeze3A_262 = vector.extract %slice3A_261[0] : i32 from vector<1xi32>
          %add3A_263 = arith.addi %add3A_223, %squeeze3A_262 : i32
          %mul3A_264 = arith.constant 5 : i32
          %mul3A_265 = arith.muli %scan3A_107, %mul3A_264 : i32
          %add3A_266 = arith.constant 4 : i32
          %add3A_267 = arith.addi %mul3A_265, %add3A_266 : i32
          %mul3A_268 = arith.constant 16 : i32
          %mul3A_269 = arith.muli %add3A_267, %mul3A_268 : i32
          %get3A_270 = arith.index_cast %mul3A_269 : i32 to index
          %get3A_271 = tpu.vector_load %arg5[%get3A_270] {strides = array<i32>} : memref<2000xi32, #tpu.memory_space<vmem>>, vector<16xi32>,
          %sub3A_272 = vector.broadcast %add3A_21 : i32 to vector<16xi32>
          %sub3A_273 = arith.subi %get3A_271, %sub3A_272 : vector<16xi32>
          %ge3A_274 = arith.constant 0 : i32
          %ge3A_275 = vector.broadcast %ge3A_274 : i32 to vector<16xi32>
          %ge3A_276 = arith.cmpi sge, %sub3A_273, %ge3A_275 : vector<16xi32>
          %lt3A_277 = arith.constant 9600 : i32
          %lt3A_278 = vector.broadcast %lt3A_277 : i32 to vector<16xi32>
          %lt3A_279 = arith.cmpi slt, %sub3A_273, %lt3A_278 : vector<16xi32>
          %and3A_280 = arith.andi %ge3A_276, %lt3A_279 : vector<16xi1>
          %lt3A_281 = vector.broadcast %add3A_1 : i32 to vector<16xi32>
          %lt3A_282 = arith.cmpi slt, %get3A_271, %lt3A_281 : vector<16xi32>
          %and3A_283 = arith.andi %and3A_280, %lt3A_282 : vector<16xi1>
          %mul3A_284 = arith.constant 2000 : i32
          %mul3A_285 = arith.muli %scan3A_96, %mul3A_284 : i32
          %add3A_286 = arith.addi %mul3A_3, %mul3A_285 : i32
          %mul3A_287 = arith.constant 5 : i32
          %mul3A_288 = arith.muli %scan3A_107, %mul3A_287 : i32
          %add3A_289 = arith.constant 4 : i32
          %add3A_290 = arith.addi %mul3A_288, %add3A_289 : i32
          %mul3A_291 = arith.constant 16 : i32
          %mul3A_292 = arith.muli %add3A_290, %mul3A_291 : i32
          %add3A_293 = arith.addi %add3A_286, %mul3A_292 : i32
          %add3A_294 = vector.broadcast %add3A_293 : i32 to vector<16xi32>
          %add3A_295 = arith.addi %add3A_294, %iota3A : vector<16xi32>
          %swap3A_296 = arith.index_cast %add3A_263 : i32 to index
          %swap3A_297 = tpu.vector_load %arg6[%swap3A_296] masked %and3A_283 {strides = array<i32>} : memref<4480xi32, #tpu.memory_space<vmem>>, vector<16xi32>, vector<16xi1>
          tpu.vector_store %arg6[%swap3A_296], %add3A_295 masked %and3A_283 {strides = array<i32>} : memref<4480xi32, #tpu.memory_space<vmem>>, vector<16xi32>, vector<16xi1>
          %swap3A_298 = arith.index_cast %add3A_263 : i32 to index
          %swap3A_299 = tpu.vector_load %arg7[%swap3A_298] masked %and3A_283 {strides = array<i32>} : memref<4480xi32, #tpu.memory_space<vmem>>, vector<16xi32>, vector<16xi1>
          tpu.vector_store %arg7[%swap3A_298], %sub3A_273 masked %and3A_283 {strides = array<i32>} : memref<4480xi32, #tpu.memory_space<vmem>>, vector<16xi32>, vector<16xi1>
          %all_reduce_population_count3A_300 = tpu.all_reduce %and3A_283 {dim = 0 : i64, kind = #tpu.reduction_kind<sum>} : vector<16xi1> -> vector<16xi32>
          %slice3A_301 = vector.extract_strided_slice %all_reduce_population_count3A_300 {offsets = [0], sizes = [1], strides = [1]} : vector<16xi32> to vector<1xi32>
          %squeeze3A_302 = vector.extract %slice3A_301[0] : i32 from vector<1xi32>
          %add3A_303 = arith.addi %add3A_263, %squeeze3A_302 : i32
          %gt3A_304 = arith.constant 4272 : i32
          %gt3A_305 = arith.cmpi sgt, %add3A_303, %gt3A_304 : i32
          %convert_element_type3A_306 = arith.extui %gt3A_305 : i1 to i32
          %cond3A_307 = arith.constant 0 : i32
          %cond3A_308 = arith.cmpi ne, %convert_element_type3A_306, %cond3A_307 : i32
          %cond3A_309 = scf.if %cond3A_308 -> (i32) {
            %iota3A_310 = tpu.iota {dimensions = array<i32: 0>} : vector<16xi32>
            %scan3A_311 = arith.constant 0 : i32
            %scan3A_312 = arith.constant 0 : i32
            %scan3A_313 = arith.constant 8 : i32
            %scan3A_314 = arith.addi %scan3A_312, %scan3A_313 : i32
            %scan3A_315 = arith.constant 1 : i32
            %scan3A_316 = scf.for %scan3A_375 = %scan3A_312 to %scan3A_314 step %scan3A_315 iter_args(%scan3A_376 = %scan3A_311) -> (i32)  : i32 {
              %mul3A_377 = arith.constant 16 : i32
              %mul3A_378 = arith.muli %scan3A_375, %mul3A_377 : i32
              %add3A_379 = arith.addi %add3A_303, %mul3A_378 : i32
              %add3A_380 = vector.broadcast %add3A_379 : i32 to vector<16xi32>
              %add3A_381 = arith.addi %add3A_380, %iota3A_310 : vector<16xi32>
              %mul3A_382 = arith.constant 20000 : i32
              %mul3A_383 = arith.muli %arg1, %mul3A_382 : i32
              %mul3A_384 = arith.constant 16 : i32
              %mul3A_385 = arith.muli %scan3A_375, %mul3A_384 : i32
              %add3A_386 = arith.addi %mul3A_383, %mul3A_385 : i32
              %add3A_387 = vector.broadcast %add3A_386 : i32 to vector<16xi32>
              %add3A_388 = arith.addi %add3A_387, %iota3A_310 : vector<16xi32>
              tpu.vector_store_idx %arg6[%add3A_381], %add3A_388 : memref<4480xi32, #tpu.memory_space<vmem>>[vector<16xi32>], vector<16xi32>,
              %add3A_389 = arith.constant 9600 : i32
              %add3A_390 = arith.addi %add3A_389, %arg1 : i32
              %broadcast_in_dim3A = vector.broadcast %add3A_390 : i32 to vector<16xi32>
              tpu.vector_store_idx %arg7[%add3A_381], %broadcast_in_dim3A : memref<4480xi32, #tpu.memory_space<vmem>>[vector<16xi32>], vector<16xi32>,
              %scan3A_391 = arith.constant 0 : i32
              scf.yield %scan3A_391 : i32
            }
            %scan3A_317 = arith.constant 8 : i32
            %add3A_318 = arith.constant 128 : i32
            %add3A_319 = arith.addi %add3A_303, %add3A_318 : i32
            %sub3A_320 = arith.constant 1 : i32
            %sub3A_321 = arith.subi %add3A_319, %sub3A_320 : i32
            %jit3A_322 = arith.constant 128 : i32
            %div3A_323 = arith.divsi %sub3A_321, %jit3A_322 : i32
            %sign3A_324 = arith.constant 0 : i32
            %sign3A_325 = arith.cmpi sgt, %sub3A_321, %sign3A_324 : i32
            %sign3A_326 = arith.extui %sign3A_325 : i1 to i32
            %sign3A_327 = arith.constant 0 : i32
            %sign3A_328 = arith.cmpi slt, %sub3A_321, %sign3A_327 : i32
            %sign3A_329 = arith.extui %sign3A_328 : i1 to i32
            %sign3A_330 = arith.subi %sign3A_326, %sign3A_329 : i32
            %sign3A_331 = arith.constant 0 : i32
            %sign3A_332 = arith.cmpi sgt, %jit3A_322, %sign3A_331 : i32
            %sign3A_333 = arith.extui %sign3A_332 : i1 to i32
            %sign3A_334 = arith.constant 0 : i32
            %sign3A_335 = arith.cmpi slt, %jit3A_322, %sign3A_334 : i32
            %sign3A_336 = arith.extui %sign3A_335 : i1 to i32
            %sign3A_337 = arith.subi %sign3A_333, %sign3A_336 : i32
            %ne3A_338 = arith.cmpi ne, %sign3A_330, %sign3A_337 : i32
            %rem3A_339 = arith.remsi %sub3A_321, %jit3A_322 : i32
            %ne3A_340 = arith.constant 0 : i32
            %ne3A_341 = arith.cmpi ne, %rem3A_339, %ne3A_340 : i32
            %and3A_342 = arith.andi %ne3A_338, %ne3A_341 : i1
            %sub3A_343 = arith.constant 1 : i32
            %sub3A_344 = arith.subi %div3A_323, %sub3A_343 : i32
            %select_n3A_345 = arith.select %and3A_342, %sub3A_344, %div3A_323 : i32
            %gt3A_346 = arith.constant 0 : i32
            %gt3A_347 = arith.cmpi sgt, %select_n3A_345, %gt3A_346 : i32
            %convert_element_type3A_348 = arith.extui %gt3A_347 : i1 to i32
            %cond3A_349 = arith.constant 0 : i32
            %cond3A_350 = arith.constant 0 : i32
            %cond3A_351 = arith.cmpi ne, %convert_element_type3A_348, %cond3A_350 : i32
            %cond3A_352 = scf.if %cond3A_351 -> (i32) {
              %rem3A_375 = arith.constant 0 : i32
              %rem3A_376 = arith.constant 2 : i32
              %rem3A_377 = arith.remsi %rem3A_375, %rem3A_376 : i32
              %dma_start3A = arith.constant 0 : i32
              %dma_start3A_378 = arith.constant 0 : i32
              %dma_start3A_379 = tpu.memref_slice %arg8[%rem3A_377, %dma_start3A, %dma_start3A_378] : memref<2x128x128xf32, #tpu.memory_space<vmem>> -> memref<1x128x128xf32, #tpu.memory_space<vmem>>
              %dma_start3A_380 = tpu.memref_squeeze %dma_start3A_379 : memref<1x128x128xf32, #tpu.memory_space<vmem>> -> memref<128x128xf32, #tpu.memory_space<vmem>>
              %dma_start3A_381 = arith.constant 0 : i32
              %dma_start3A_382 = tpu.memref_slice %arg6[%dma_start3A_381] : memref<4480xi32, #tpu.memory_space<vmem>> -> memref<128xi32, #tpu.memory_space<vmem>>
              %dma_start3A_383 = arith.constant 0 : i32
              %dma_start3A_384 = arith.constant 0 : i32
              %dma_start3A_385 = tpu.memref_slice %arg2[%dma_start3A_383, %dma_start3A_384] : memref<320000x128xf32, #tpu.memory_space<hbm>> -> memref<320000x128xf32, #tpu.memory_space<hbm>>
              tpu.enqueue_indirect_dma source(%dma_start3A_385 : memref<320000x128xf32, #tpu.memory_space<hbm>>) target(%dma_start3A_380 : memref<128x128xf32, #tpu.memory_space<vmem>>) offsets(%dma_start3A_382 : memref<128xi32, #tpu.memory_space<vmem>>) semaphore(%arg11 : memref<!tpu.dma_semaphore, #tpu.memory_space<semaphore_mem>>)
              %cond3A_386 = arith.constant 0 : i32
              scf.yield %cond3A_386 : i32
            } else {
              %cond3A_375 = arith.constant 0 : i32
              scf.yield %cond3A_375 : i32
            }
            %while3A_353 = arith.constant 0 : i32
            %while3A_354 = arith.constant 0 : i32
            %while3A_355 = arith.subi %select_n3A_345, %while3A_353 : i32
            %while3A_356 = arith.addi %while3A_353, %while3A_355 : i32
            %while3A_357 = arith.constant 1 : i32
            %while3A_358 = arith.divsi %while3A_355, %while3A_357 : i32
            %while3A_359 = arith.muli %while3A_358, %while3A_357 : i32
            %while3A_360 = arith.addi %while3A_353, %while3A_359 : i32
            %while3A_361 = arith.constant 1 : i32
            %while3A_362 = scf.for %while3A_375 = %while3A_353 to %while3A_360 step %while3A_361 iter_args(%while3A_376 = %while3A_354) -> (i32)  : i32 {
              %ge3A_377 = arith.constant 1 : i32
              %ge3A_378 = arith.cmpi sge, %while3A_375, %ge3A_377 : i32
              %sub3A_379 = arith.constant 1 : i32
              %sub3A_380 = arith.subi %while3A_375, %sub3A_379 : i32
              %convert_element_type3A_381 = arith.extui %ge3A_378 : i1 to i32
              %cond3A_382 = arith.constant 0 : i32
              %cond3A_383 = arith.constant 0 : i32
              %cond3A_384 = arith.cmpi ne, %convert_element_type3A_381, %cond3A_383 : i32
              %cond3A_385 = scf.if %cond3A_384 -> (i32) {
                %rem3A_419 = arith.constant 2 : i32
                %rem3A_420 = arith.remsi %sub3A_380, %rem3A_419 : i32
                %mul3A_421 = arith.constant 128 : i32
                %mul3A_422 = arith.muli %sub3A_380, %mul3A_421 : i32
                %dma_wait3A_423 = arith.constant 0 : i32
                %dma_wait3A_424 = arith.constant 0 : i32
                %dma_wait3A_425 = tpu.memref_slice %arg8[%rem3A_420, %dma_wait3A_423, %dma_wait3A_424] : memref<2x128x128xf32, #tpu.memory_space<vmem>> -> memref<1x128x128xf32, #tpu.memory_space<vmem>>
                %dma_wait3A_426 = tpu.memref_squeeze %dma_wait3A_425 : memref<1x128x128xf32, #tpu.memory_space<vmem>> -> memref<128x128xf32, #tpu.memory_space<vmem>>
                %dma_wait3A_427 = tpu.memref_slice %arg7[%mul3A_422] : memref<4480xi32, #tpu.memory_space<vmem>> -> memref<128xi32, #tpu.memory_space<vmem>>
                %dma_wait3A_428 = arith.constant 0 : i32
                %dma_wait3A_429 = arith.constant 0 : i32
                %dma_wait3A_430 = tpu.memref_slice %arg10[%dma_wait3A_428, %dma_wait3A_429] : memref<9616x128xf32, #tpu.memory_space<vmem_shared>> -> memref<9616x128xf32, #tpu.memory_space<vmem_shared>>
                tpu.wait_indirect_dma semaphore(%arg12 : memref<!tpu.dma_semaphore, #tpu.memory_space<semaphore_mem>>) src(%dma_wait3A_426 : memref<128x128xf32, #tpu.memory_space<vmem>>) dst(%dma_wait3A_430 : memref<9616x128xf32, #tpu.memory_space<vmem_shared>>)
                %cond3A_431 = arith.constant 0 : i32
                scf.yield %cond3A_431 : i32
              } else {
                %cond3A_419 = arith.constant 0 : i32
                scf.yield %cond3A_419 : i32
              }
              %add3A_386 = arith.constant 1 : i32
              %add3A_387 = arith.addi %while3A_375, %add3A_386 : i32
              %lt3A_388 = arith.cmpi slt, %add3A_387, %select_n3A_345 : i32
              %add3A_389 = arith.constant 1 : i32
              %add3A_390 = arith.addi %while3A_375, %add3A_389 : i32
              %convert_element_type3A_391 = arith.extui %lt3A_388 : i1 to i32
              %cond3A_392 = arith.constant 0 : i32
              %cond3A_393 = arith.constant 0 : i32
              %cond3A_394 = arith.cmpi ne, %convert_element_type3A_391, %cond3A_393 : i32
              %cond3A_395 = scf.if %cond3A_394 -> (i32) {
                %rem3A_419 = arith.constant 2 : i32
                %rem3A_420 = arith.remsi %add3A_390, %rem3A_419 : i32
                %mul3A_421 = arith.constant 128 : i32
                %mul3A_422 = arith.muli %add3A_390, %mul3A_421 : i32
                %dma_start3A_423 = arith.constant 0 : i32
                %dma_start3A_424 = arith.constant 0 : i32
                %dma_start3A_425 = tpu.memref_slice %arg8[%rem3A_420, %dma_start3A_423, %dma_start3A_424] : memref<2x128x128xf32, #tpu.memory_space<vmem>> -> memref<1x128x128xf32, #tpu.memory_space<vmem>>
                %dma_start3A_426 = tpu.memref_squeeze %dma_start3A_425 : memref<1x128x128xf32, #tpu.memory_space<vmem>> -> memref<128x128xf32, #tpu.memory_space<vmem>>
                %dma_start3A_427 = tpu.memref_slice %arg6[%mul3A_422] : memref<4480xi32, #tpu.memory_space<vmem>> -> memref<128xi32, #tpu.memory_space<vmem>>
                %dma_start3A_428 = arith.constant 0 : i32
                %dma_start3A_429 = arith.constant 0 : i32
                %dma_start3A_430 = tpu.memref_slice %arg2[%dma_start3A_428, %dma_start3A_429] : memref<320000x128xf32, #tpu.memory_space<hbm>> -> memref<320000x128xf32, #tpu.memory_space<hbm>>
                tpu.enqueue_indirect_dma source(%dma_start3A_430 : memref<320000x128xf32, #tpu.memory_space<hbm>>) target(%dma_start3A_426 : memref<128x128xf32, #tpu.memory_space<vmem>>) offsets(%dma_start3A_427 : memref<128xi32, #tpu.memory_space<vmem>>) semaphore(%arg11 : memref<!tpu.dma_semaphore, #tpu.memory_space<semaphore_mem>>)
                %cond3A_431 = arith.constant 0 : i32
                scf.yield %cond3A_431 : i32
              } else {
                %cond3A_419 = arith.constant 0 : i32
                scf.yield %cond3A_419 : i32
              }
              %rem3A_396 = arith.constant 2 : i32
              %rem3A_397 = arith.remsi %while3A_375, %rem3A_396 : i32
              %mul3A_398 = arith.constant 128 : i32
              %mul3A_399 = arith.muli %while3A_375, %mul3A_398 : i32
              %dma_wait3A = arith.constant 0 : i32
              %dma_wait3A_400 = arith.constant 0 : i32
              %dma_wait3A_401 = tpu.memref_slice %arg8[%rem3A_397, %dma_wait3A, %dma_wait3A_400] : memref<2x128x128xf32, #tpu.memory_space<vmem>> -> memref<1x128x128xf32, #tpu.memory_space<vmem>>
              %dma_wait3A_402 = tpu.memref_squeeze %dma_wait3A_401 : memref<1x128x128xf32, #tpu.memory_space<vmem>> -> memref<128x128xf32, #tpu.memory_space<vmem>>
              %dma_wait3A_403 = tpu.memref_slice %arg6[%mul3A_399] : memref<4480xi32, #tpu.memory_space<vmem>> -> memref<128xi32, #tpu.memory_space<vmem>>
              %dma_wait3A_404 = arith.constant 0 : i32
              %dma_wait3A_405 = arith.constant 0 : i32
              %dma_wait3A_406 = tpu.memref_slice %arg2[%dma_wait3A_404, %dma_wait3A_405] : memref<320000x128xf32, #tpu.memory_space<hbm>> -> memref<320000x128xf32, #tpu.memory_space<hbm>>
              tpu.wait_indirect_dma semaphore(%arg11 : memref<!tpu.dma_semaphore, #tpu.memory_space<semaphore_mem>>) src(%dma_wait3A_406 : memref<320000x128xf32, #tpu.memory_space<hbm>>) dst(%dma_wait3A_402 : memref<128x128xf32, #tpu.memory_space<vmem>>)
              %rem3A_407 = arith.constant 2 : i32
              %rem3A_408 = arith.remsi %while3A_375, %rem3A_407 : i32
              %mul3A_409 = arith.constant 128 : i32
              %mul3A_410 = arith.muli %while3A_375, %mul3A_409 : i32
              %dma_start3A = arith.constant 0 : i32
              %dma_start3A_411 = arith.constant 0 : i32
              %dma_start3A_412 = tpu.memref_slice %arg8[%rem3A_408, %dma_start3A, %dma_start3A_411] : memref<2x128x128xf32, #tpu.memory_space<vmem>> -> memref<1x128x128xf32, #tpu.memory_space<vmem>>
              %dma_start3A_413 = tpu.memref_squeeze %dma_start3A_412 : memref<1x128x128xf32, #tpu.memory_space<vmem>> -> memref<128x128xf32, #tpu.memory_space<vmem>>
              %dma_start3A_414 = tpu.memref_slice %arg7[%mul3A_410] : memref<4480xi32, #tpu.memory_space<vmem>> -> memref<128xi32, #tpu.memory_space<vmem>>
              %dma_start3A_415 = arith.constant 0 : i32
              %dma_start3A_416 = arith.constant 0 : i32
              %dma_start3A_417 = tpu.memref_slice %arg10[%dma_start3A_415, %dma_start3A_416] : memref<9616x128xf32, #tpu.memory_space<vmem_shared>> -> memref<9616x128xf32, #tpu.memory_space<vmem_shared>>
              tpu.enqueue_indirect_dma source(%dma_start3A_413 : memref<128x128xf32, #tpu.memory_space<vmem>>) target(%dma_start3A_417 : memref<9616x128xf32, #tpu.memory_space<vmem_shared>>) offsets(%dma_start3A_414 : memref<128xi32, #tpu.memory_space<vmem>>) semaphore(%arg12 : memref<!tpu.dma_semaphore, #tpu.memory_space<semaphore_mem>>) {add = true}
              %while3A_418 = arith.constant 0 : i32
              scf.yield %while3A_418 : i32
            }
            %while3A_363 = arith.constant 1 : i32
            %while3A_364 = scf.for %while3A_375 = %while3A_360 to %while3A_356 step %while3A_363 iter_args(%while3A_376 = %while3A_362) -> (i32)  : i32 {
              %ge3A_377 = arith.constant 1 : i32
              %ge3A_378 = arith.cmpi sge, %while3A_375, %ge3A_377 : i32
              %sub3A_379 = arith.constant 1 : i32
              %sub3A_380 = arith.subi %while3A_375, %sub3A_379 : i32
              %convert_element_type3A_381 = arith.extui %ge3A_378 : i1 to i32
              %cond3A_382 = arith.constant 0 : i32
              %cond3A_383 = arith.constant 0 : i32
              %cond3A_384 = arith.cmpi ne, %convert_element_type3A_381, %cond3A_383 : i32
              %cond3A_385 = scf.if %cond3A_384 -> (i32) {
                %rem3A_419 = arith.constant 2 : i32
                %rem3A_420 = arith.remsi %sub3A_380, %rem3A_419 : i32
                %mul3A_421 = arith.constant 128 : i32
                %mul3A_422 = arith.muli %sub3A_380, %mul3A_421 : i32
                %dma_wait3A_423 = arith.constant 0 : i32
                %dma_wait3A_424 = arith.constant 0 : i32
                %dma_wait3A_425 = tpu.memref_slice %arg8[%rem3A_420, %dma_wait3A_423, %dma_wait3A_424] : memref<2x128x128xf32, #tpu.memory_space<vmem>> -> memref<1x128x128xf32, #tpu.memory_space<vmem>>
                %dma_wait3A_426 = tpu.memref_squeeze %dma_wait3A_425 : memref<1x128x128xf32, #tpu.memory_space<vmem>> -> memref<128x128xf32, #tpu.memory_space<vmem>>
                %dma_wait3A_427 = tpu.memref_slice %arg7[%mul3A_422] : memref<4480xi32, #tpu.memory_space<vmem>> -> memref<128xi32, #tpu.memory_space<vmem>>
                %dma_wait3A_428 = arith.constant 0 : i32
                %dma_wait3A_429 = arith.constant 0 : i32
                %dma_wait3A_430 = tpu.memref_slice %arg10[%dma_wait3A_428, %dma_wait3A_429] : memref<9616x128xf32, #tpu.memory_space<vmem_shared>> -> memref<9616x128xf32, #tpu.memory_space<vmem_shared>>
                tpu.wait_indirect_dma semaphore(%arg12 : memref<!tpu.dma_semaphore, #tpu.memory_space<semaphore_mem>>) src(%dma_wait3A_426 : memref<128x128xf32, #tpu.memory_space<vmem>>) dst(%dma_wait3A_430 : memref<9616x128xf32, #tpu.memory_space<vmem_shared>>)
                %cond3A_431 = arith.constant 0 : i32
                scf.yield %cond3A_431 : i32
              } else {
                %cond3A_419 = arith.constant 0 : i32
                scf.yield %cond3A_419 : i32
              }
              %add3A_386 = arith.constant 1 : i32
              %add3A_387 = arith.addi %while3A_375, %add3A_386 : i32
              %lt3A_388 = arith.cmpi slt, %add3A_387, %select_n3A_345 : i32
              %add3A_389 = arith.constant 1 : i32
              %add3A_390 = arith.addi %while3A_375, %add3A_389 : i32
              %convert_element_type3A_391 = arith.extui %lt3A_388 : i1 to i32
              %cond3A_392 = arith.constant 0 : i32
              %cond3A_393 = arith.constant 0 : i32
              %cond3A_394 = arith.cmpi ne, %convert_element_type3A_391, %cond3A_393 : i32
              %cond3A_395 = scf.if %cond3A_394 -> (i32) {
                %rem3A_419 = arith.constant 2 : i32
                %rem3A_420 = arith.remsi %add3A_390, %rem3A_419 : i32
                %mul3A_421 = arith.constant 128 : i32
                %mul3A_422 = arith.muli %add3A_390, %mul3A_421 : i32
                %dma_start3A_423 = arith.constant 0 : i32
                %dma_start3A_424 = arith.constant 0 : i32
                %dma_start3A_425 = tpu.memref_slice %arg8[%rem3A_420, %dma_start3A_423, %dma_start3A_424] : memref<2x128x128xf32, #tpu.memory_space<vmem>> -> memref<1x128x128xf32, #tpu.memory_space<vmem>>
                %dma_start3A_426 = tpu.memref_squeeze %dma_start3A_425 : memref<1x128x128xf32, #tpu.memory_space<vmem>> -> memref<128x128xf32, #tpu.memory_space<vmem>>
                %dma_start3A_427 = tpu.memref_slice %arg6[%mul3A_422] : memref<4480xi32, #tpu.memory_space<vmem>> -> memref<128xi32, #tpu.memory_space<vmem>>
                %dma_start3A_428 = arith.constant 0 : i32
                %dma_start3A_429 = arith.constant 0 : i32
                %dma_start3A_430 = tpu.memref_slice %arg2[%dma_start3A_428, %dma_start3A_429] : memref<320000x128xf32, #tpu.memory_space<hbm>> -> memref<320000x128xf32, #tpu.memory_space<hbm>>
                tpu.enqueue_indirect_dma source(%dma_start3A_430 : memref<320000x128xf32, #tpu.memory_space<hbm>>) target(%dma_start3A_426 : memref<128x128xf32, #tpu.memory_space<vmem>>) offsets(%dma_start3A_427 : memref<128xi32, #tpu.memory_space<vmem>>) semaphore(%arg11 : memref<!tpu.dma_semaphore, #tpu.memory_space<semaphore_mem>>)
                %cond3A_431 = arith.constant 0 : i32
                scf.yield %cond3A_431 : i32
              } else {
                %cond3A_419 = arith.constant 0 : i32
                scf.yield %cond3A_419 : i32
              }
              %rem3A_396 = arith.constant 2 : i32
              %rem3A_397 = arith.remsi %while3A_375, %rem3A_396 : i32
              %mul3A_398 = arith.constant 128 : i32
              %mul3A_399 = arith.muli %while3A_375, %mul3A_398 : i32
              %dma_wait3A = arith.constant 0 : i32
              %dma_wait3A_400 = arith.constant 0 : i32
              %dma_wait3A_401 = tpu.memref_slice %arg8[%rem3A_397, %dma_wait3A, %dma_wait3A_400] : memref<2x128x128xf32, #tpu.memory_space<vmem>> -> memref<1x128x128xf32, #tpu.memory_space<vmem>>
              %dma_wait3A_402 = tpu.memref_squeeze %dma_wait3A_401 : memref<1x128x128xf32, #tpu.memory_space<vmem>> -> memref<128x128xf32, #tpu.memory_space<vmem>>
              %dma_wait3A_403 = tpu.memref_slice %arg6[%mul3A_399] : memref<4480xi32, #tpu.memory_space<vmem>> -> memref<128xi32, #tpu.memory_space<vmem>>
              %dma_wait3A_404 = arith.constant 0 : i32
              %dma_wait3A_405 = arith.constant 0 : i32
              %dma_wait3A_406 = tpu.memref_slice %arg2[%dma_wait3A_404, %dma_wait3A_405] : memref<320000x128xf32, #tpu.memory_space<hbm>> -> memref<320000x128xf32, #tpu.memory_space<hbm>>
              tpu.wait_indirect_dma semaphore(%arg11 : memref<!tpu.dma_semaphore, #tpu.memory_space<semaphore_mem>>) src(%dma_wait3A_406 : memref<320000x128xf32, #tpu.memory_space<hbm>>) dst(%dma_wait3A_402 : memref<128x128xf32, #tpu.memory_space<vmem>>)
              %rem3A_407 = arith.constant 2 : i32
              %rem3A_408 = arith.remsi %while3A_375, %rem3A_407 : i32
              %mul3A_409 = arith.constant 128 : i32
              %mul3A_410 = arith.muli %while3A_375, %mul3A_409 : i32
              %dma_start3A = arith.constant 0 : i32
              %dma_start3A_411 = arith.constant 0 : i32
              %dma_start3A_412 = tpu.memref_slice %arg8[%rem3A_408, %dma_start3A, %dma_start3A_411] : memref<2x128x128xf32, #tpu.memory_space<vmem>> -> memref<1x128x128xf32, #tpu.memory_space<vmem>>
              %dma_start3A_413 = tpu.memref_squeeze %dma_start3A_412 : memref<1x128x128xf32, #tpu.memory_space<vmem>> -> memref<128x128xf32, #tpu.memory_space<vmem>>
              %dma_start3A_414 = tpu.memref_slice %arg7[%mul3A_410] : memref<4480xi32, #tpu.memory_space<vmem>> -> memref<128xi32, #tpu.memory_space<vmem>>
              %dma_start3A_415 = arith.constant 0 : i32
              %dma_start3A_416 = arith.constant 0 : i32
              %dma_start3A_417 = tpu.memref_slice %arg10[%dma_start3A_415, %dma_start3A_416] : memref<9616x128xf32, #tpu.memory_space<vmem_shared>> -> memref<9616x128xf32, #tpu.memory_space<vmem_shared>>
              tpu.enqueue_indirect_dma source(%dma_start3A_413 : memref<128x128xf32, #tpu.memory_space<vmem>>) target(%dma_start3A_417 : memref<9616x128xf32, #tpu.memory_space<vmem_shared>>) offsets(%dma_start3A_414 : memref<128xi32, #tpu.memory_space<vmem>>) semaphore(%arg12 : memref<!tpu.dma_semaphore, #tpu.memory_space<semaphore_mem>>) {add = true}
              %while3A_418 = arith.constant 0 : i32
              scf.yield %while3A_418 : i32
            }
            %ge3A_365 = arith.constant 1 : i32
            %ge3A_366 = arith.cmpi sge, %select_n3A_345, %ge3A_365 : i32
            %sub3A_367 = arith.constant 1 : i32
            %sub3A_368 = arith.subi %select_n3A_345, %sub3A_367 : i32
            %convert_element_type3A_369 = arith.extui %ge3A_366 : i1 to i32
            %cond3A_370 = arith.constant 0 : i32
            %cond3A_371 = arith.constant 0 : i32
            %cond3A_372 = arith.cmpi ne, %convert_element_type3A_369, %cond3A_371 : i32
            %cond3A_373 = scf.if %cond3A_372 -> (i32) {
              %rem3A_375 = arith.constant 2 : i32
              %rem3A_376 = arith.remsi %sub3A_368, %rem3A_375 : i32
              %mul3A_377 = arith.constant 128 : i32
              %mul3A_378 = arith.muli %sub3A_368, %mul3A_377 : i32
              %dma_wait3A = arith.constant 0 : i32
              %dma_wait3A_379 = arith.constant 0 : i32
              %dma_wait3A_380 = tpu.memref_slice %arg8[%rem3A_376, %dma_wait3A, %dma_wait3A_379] : memref<2x128x128xf32, #tpu.memory_space<vmem>> -> memref<1x128x128xf32, #tpu.memory_space<vmem>>
              %dma_wait3A_381 = tpu.memref_squeeze %dma_wait3A_380 : memref<1x128x128xf32, #tpu.memory_space<vmem>> -> memref<128x128xf32, #tpu.memory_space<vmem>>
              %dma_wait3A_382 = tpu.memref_slice %arg7[%mul3A_378] : memref<4480xi32, #tpu.memory_space<vmem>> -> memref<128xi32, #tpu.memory_space<vmem>>
              %dma_wait3A_383 = arith.constant 0 : i32
              %dma_wait3A_384 = arith.constant 0 : i32
              %dma_wait3A_385 = tpu.memref_slice %arg10[%dma_wait3A_383, %dma_wait3A_384] : memref<9616x128xf32, #tpu.memory_space<vmem_shared>> -> memref<9616x128xf32, #tpu.memory_space<vmem_shared>>
              tpu.wait_indirect_dma semaphore(%arg12 : memref<!tpu.dma_semaphore, #tpu.memory_space<semaphore_mem>>) src(%dma_wait3A_381 : memref<128x128xf32, #tpu.memory_space<vmem>>) dst(%dma_wait3A_385 : memref<9616x128xf32, #tpu.memory_space<vmem_shared>>)
              %cond3A_386 = arith.constant 0 : i32
              scf.yield %cond3A_386 : i32
            } else {
              %cond3A_375 = arith.constant 0 : i32
              scf.yield %cond3A_375 : i32
            }
            %cond3A_374 = arith.constant 0 : i32
            scf.yield %cond3A_374 : i32
          } else {
            scf.yield %add3A_303 : i32
          }
          scf.yield %cond3A_309 : i32
        }
        %scan3A_106 = arith.constant 25 : i32
        scf.yield %scan3A_105 : i32
      }
      %scan3A_35 = arith.constant 10 : i32
      %iota3A_36 = tpu.iota {dimensions = array<i32: 0>} : vector<16xi32>
      %scan3A_37 = arith.constant 0 : i32
      %scan3A_38 = arith.constant 0 : i32
      %scan3A_39 = arith.constant 8 : i32
      %scan3A_40 = arith.addi %scan3A_38, %scan3A_39 : i32
      %scan3A_41 = arith.constant 1 : i32
      %scan3A_42 = scf.for %scan3A_96 = %scan3A_38 to %scan3A_40 step %scan3A_41 iter_args(%scan3A_97 = %scan3A_37) -> (i32)  : i32 {
        %mul3A_98 = arith.constant 16 : i32
        %mul3A_99 = arith.muli %scan3A_96, %mul3A_98 : i32
        %add3A_100 = arith.addi %scan3A_34, %mul3A_99 : i32
        %add3A_101 = vector.broadcast %add3A_100 : i32 to vector<16xi32>
        %add3A_102 = arith.addi %add3A_101, %iota3A_36 : vector<16xi32>
        %mul3A_103 = arith.constant 20000 : i32
        %mul3A_104 = arith.muli %arg1, %mul3A_103 : i32
        %mul3A_105 = arith.constant 16 : i32
        %mul3A_106 = arith.muli %scan3A_96, %mul3A_105 : i32
        %add3A_107 = arith.addi %mul3A_104, %mul3A_106 : i32
        %add3A_108 = vector.broadcast %add3A_107 : i32 to vector<16xi32>
        %add3A_109 = arith.addi %add3A_108, %iota3A_36 : vector<16xi32>
        tpu.vector_store_idx %arg6[%add3A_102], %add3A_109 : memref<4480xi32, #tpu.memory_space<vmem>>[vector<16xi32>], vector<16xi32>,
        %add3A_110 = arith.constant 9600 : i32
        %add3A_111 = arith.addi %add3A_110, %arg1 : i32
        %broadcast_in_dim3A = vector.broadcast %add3A_111 : i32 to vector<16xi32>
        tpu.vector_store_idx %arg7[%add3A_102], %broadcast_in_dim3A : memref<4480xi32, #tpu.memory_space<vmem>>[vector<16xi32>], vector<16xi32>,
        %scan3A_112 = arith.constant 0 : i32
        scf.yield %scan3A_112 : i32
      }
      %scan3A_43 = arith.constant 8 : i32
      %add3A_44 = arith.constant 128 : i32
      %add3A_45 = arith.addi %scan3A_34, %add3A_44 : i32
      %sub3A = arith.constant 1 : i32
      %sub3A_46 = arith.subi %add3A_45, %sub3A : i32
      %jit3A = arith.constant 128 : i32
      %div3A = arith.divsi %sub3A_46, %jit3A : i32
      %sign3A = arith.constant 0 : i32
      %sign3A_47 = arith.cmpi sgt, %sub3A_46, %sign3A : i32
      %sign3A_48 = arith.extui %sign3A_47 : i1 to i32
      %sign3A_49 = arith.constant 0 : i32
      %sign3A_50 = arith.cmpi slt, %sub3A_46, %sign3A_49 : i32
      %sign3A_51 = arith.extui %sign3A_50 : i1 to i32
      %sign3A_52 = arith.subi %sign3A_48, %sign3A_51 : i32
      %sign3A_53 = arith.constant 0 : i32
      %sign3A_54 = arith.cmpi sgt, %jit3A, %sign3A_53 : i32
      %sign3A_55 = arith.extui %sign3A_54 : i1 to i32
      %sign3A_56 = arith.constant 0 : i32
      %sign3A_57 = arith.cmpi slt, %jit3A, %sign3A_56 : i32
      %sign3A_58 = arith.extui %sign3A_57 : i1 to i32
      %sign3A_59 = arith.subi %sign3A_55, %sign3A_58 : i32
      %ne3A = arith.cmpi ne, %sign3A_52, %sign3A_59 : i32
      %rem3A = arith.remsi %sub3A_46, %jit3A : i32
      %ne3A_60 = arith.constant 0 : i32
      %ne3A_61 = arith.cmpi ne, %rem3A, %ne3A_60 : i32
      %and3A = arith.andi %ne3A, %ne3A_61 : i1
      %sub3A_62 = arith.constant 1 : i32
      %sub3A_63 = arith.subi %div3A, %sub3A_62 : i32
      %select_n3A = arith.select %and3A, %sub3A_63, %div3A : i32
      %gt3A = arith.constant 0 : i32
      %gt3A_64 = arith.cmpi sgt, %select_n3A, %gt3A : i32
      %convert_element_type3A = arith.extui %gt3A_64 : i1 to i32
      %cond3A = arith.constant 0 : i32
      %cond3A_65 = arith.constant 0 : i32
      %cond3A_66 = arith.cmpi ne, %convert_element_type3A, %cond3A_65 : i32
      %cond3A_67 = scf.if %cond3A_66 -> (i32) {
        %rem3A_96 = arith.constant 0 : i32
        %rem3A_97 = arith.constant 2 : i32
        %rem3A_98 = arith.remsi %rem3A_96, %rem3A_97 : i32
        %dma_start3A = arith.constant 0 : i32
        %dma_start3A_99 = arith.constant 0 : i32
        %dma_start3A_100 = tpu.memref_slice %arg8[%rem3A_98, %dma_start3A, %dma_start3A_99] : memref<2x128x128xf32, #tpu.memory_space<vmem>> -> memref<1x128x128xf32, #tpu.memory_space<vmem>>
        %dma_start3A_101 = tpu.memref_squeeze %dma_start3A_100 : memref<1x128x128xf32, #tpu.memory_space<vmem>> -> memref<128x128xf32, #tpu.memory_space<vmem>>
        %dma_start3A_102 = arith.constant 0 : i32
        %dma_start3A_103 = tpu.memref_slice %arg6[%dma_start3A_102] : memref<4480xi32, #tpu.memory_space<vmem>> -> memref<128xi32, #tpu.memory_space<vmem>>
        %dma_start3A_104 = arith.constant 0 : i32
        %dma_start3A_105 = arith.constant 0 : i32
        %dma_start3A_106 = tpu.memref_slice %arg2[%dma_start3A_104, %dma_start3A_105] : memref<320000x128xf32, #tpu.memory_space<hbm>> -> memref<320000x128xf32, #tpu.memory_space<hbm>>
        tpu.enqueue_indirect_dma source(%dma_start3A_106 : memref<320000x128xf32, #tpu.memory_space<hbm>>) target(%dma_start3A_101 : memref<128x128xf32, #tpu.memory_space<vmem>>) offsets(%dma_start3A_103 : memref<128xi32, #tpu.memory_space<vmem>>) semaphore(%arg11 : memref<!tpu.dma_semaphore, #tpu.memory_space<semaphore_mem>>)
        %cond3A_107 = arith.constant 0 : i32
        scf.yield %cond3A_107 : i32
      } else {
        %cond3A_96 = arith.constant 0 : i32
        scf.yield %cond3A_96 : i32
      }
      %while3A = arith.constant 0 : i32
      %while3A_68 = arith.constant 0 : i32
      %while3A_69 = arith.subi %select_n3A, %while3A : i32
      %while3A_70 = arith.addi %while3A, %while3A_69 : i32
      %while3A_71 = arith.constant 1 : i32
      %while3A_72 = arith.divsi %while3A_69, %while3A_71 : i32
      %while3A_73 = arith.muli %while3A_72, %while3A_71 : i32
      %while3A_74 = arith.addi %while3A, %while3A_73 : i32
      %while3A_75 = arith.constant 1 : i32
      %while3A_76 = scf.for %while3A_96 = %while3A to %while3A_74 step %while3A_75 iter_args(%while3A_97 = %while3A_68) -> (i32)  : i32 {
        %ge3A_98 = arith.constant 1 : i32
        %ge3A_99 = arith.cmpi sge, %while3A_96, %ge3A_98 : i32
        %sub3A_100 = arith.constant 1 : i32
        %sub3A_101 = arith.subi %while3A_96, %sub3A_100 : i32
        %convert_element_type3A_102 = arith.extui %ge3A_99 : i1 to i32
        %cond3A_103 = arith.constant 0 : i32
        %cond3A_104 = arith.constant 0 : i32
        %cond3A_105 = arith.cmpi ne, %convert_element_type3A_102, %cond3A_104 : i32
        %cond3A_106 = scf.if %cond3A_105 -> (i32) {
          %rem3A_140 = arith.constant 2 : i32
          %rem3A_141 = arith.remsi %sub3A_101, %rem3A_140 : i32
          %mul3A_142 = arith.constant 128 : i32
          %mul3A_143 = arith.muli %sub3A_101, %mul3A_142 : i32
          %dma_wait3A_144 = arith.constant 0 : i32
          %dma_wait3A_145 = arith.constant 0 : i32
          %dma_wait3A_146 = tpu.memref_slice %arg8[%rem3A_141, %dma_wait3A_144, %dma_wait3A_145] : memref<2x128x128xf32, #tpu.memory_space<vmem>> -> memref<1x128x128xf32, #tpu.memory_space<vmem>>
          %dma_wait3A_147 = tpu.memref_squeeze %dma_wait3A_146 : memref<1x128x128xf32, #tpu.memory_space<vmem>> -> memref<128x128xf32, #tpu.memory_space<vmem>>
          %dma_wait3A_148 = tpu.memref_slice %arg7[%mul3A_143] : memref<4480xi32, #tpu.memory_space<vmem>> -> memref<128xi32, #tpu.memory_space<vmem>>
          %dma_wait3A_149 = arith.constant 0 : i32
          %dma_wait3A_150 = arith.constant 0 : i32
          %dma_wait3A_151 = tpu.memref_slice %arg10[%dma_wait3A_149, %dma_wait3A_150] : memref<9616x128xf32, #tpu.memory_space<vmem_shared>> -> memref<9616x128xf32, #tpu.memory_space<vmem_shared>>
          tpu.wait_indirect_dma semaphore(%arg12 : memref<!tpu.dma_semaphore, #tpu.memory_space<semaphore_mem>>) src(%dma_wait3A_147 : memref<128x128xf32, #tpu.memory_space<vmem>>) dst(%dma_wait3A_151 : memref<9616x128xf32, #tpu.memory_space<vmem_shared>>)
          %cond3A_152 = arith.constant 0 : i32
          scf.yield %cond3A_152 : i32
        } else {
          %cond3A_140 = arith.constant 0 : i32
          scf.yield %cond3A_140 : i32
        }
        %add3A_107 = arith.constant 1 : i32
        %add3A_108 = arith.addi %while3A_96, %add3A_107 : i32
        %lt3A_109 = arith.cmpi slt, %add3A_108, %select_n3A : i32
        %add3A_110 = arith.constant 1 : i32
        %add3A_111 = arith.addi %while3A_96, %add3A_110 : i32
        %convert_element_type3A_112 = arith.extui %lt3A_109 : i1 to i32
        %cond3A_113 = arith.constant 0 : i32
        %cond3A_114 = arith.constant 0 : i32
        %cond3A_115 = arith.cmpi ne, %convert_element_type3A_112, %cond3A_114 : i32
        %cond3A_116 = scf.if %cond3A_115 -> (i32) {
          %rem3A_140 = arith.constant 2 : i32
          %rem3A_141 = arith.remsi %add3A_111, %rem3A_140 : i32
          %mul3A_142 = arith.constant 128 : i32
          %mul3A_143 = arith.muli %add3A_111, %mul3A_142 : i32
          %dma_start3A_144 = arith.constant 0 : i32
          %dma_start3A_145 = arith.constant 0 : i32
          %dma_start3A_146 = tpu.memref_slice %arg8[%rem3A_141, %dma_start3A_144, %dma_start3A_145] : memref<2x128x128xf32, #tpu.memory_space<vmem>> -> memref<1x128x128xf32, #tpu.memory_space<vmem>>
          %dma_start3A_147 = tpu.memref_squeeze %dma_start3A_146 : memref<1x128x128xf32, #tpu.memory_space<vmem>> -> memref<128x128xf32, #tpu.memory_space<vmem>>
          %dma_start3A_148 = tpu.memref_slice %arg6[%mul3A_143] : memref<4480xi32, #tpu.memory_space<vmem>> -> memref<128xi32, #tpu.memory_space<vmem>>
          %dma_start3A_149 = arith.constant 0 : i32
          %dma_start3A_150 = arith.constant 0 : i32
          %dma_start3A_151 = tpu.memref_slice %arg2[%dma_start3A_149, %dma_start3A_150] : memref<320000x128xf32, #tpu.memory_space<hbm>> -> memref<320000x128xf32, #tpu.memory_space<hbm>>
          tpu.enqueue_indirect_dma source(%dma_start3A_151 : memref<320000x128xf32, #tpu.memory_space<hbm>>) target(%dma_start3A_147 : memref<128x128xf32, #tpu.memory_space<vmem>>) offsets(%dma_start3A_148 : memref<128xi32, #tpu.memory_space<vmem>>) semaphore(%arg11 : memref<!tpu.dma_semaphore, #tpu.memory_space<semaphore_mem>>)
          %cond3A_152 = arith.constant 0 : i32
          scf.yield %cond3A_152 : i32
        } else {
          %cond3A_140 = arith.constant 0 : i32
          scf.yield %cond3A_140 : i32
        }
        %rem3A_117 = arith.constant 2 : i32
        %rem3A_118 = arith.remsi %while3A_96, %rem3A_117 : i32
        %mul3A_119 = arith.constant 128 : i32
        %mul3A_120 = arith.muli %while3A_96, %mul3A_119 : i32
        %dma_wait3A = arith.constant 0 : i32
        %dma_wait3A_121 = arith.constant 0 : i32
        %dma_wait3A_122 = tpu.memref_slice %arg8[%rem3A_118, %dma_wait3A, %dma_wait3A_121] : memref<2x128x128xf32, #tpu.memory_space<vmem>> -> memref<1x128x128xf32, #tpu.memory_space<vmem>>
        %dma_wait3A_123 = tpu.memref_squeeze %dma_wait3A_122 : memref<1x128x128xf32, #tpu.memory_space<vmem>> -> memref<128x128xf32, #tpu.memory_space<vmem>>
        %dma_wait3A_124 = tpu.memref_slice %arg6[%mul3A_120] : memref<4480xi32, #tpu.memory_space<vmem>> -> memref<128xi32, #tpu.memory_space<vmem>>
        %dma_wait3A_125 = arith.constant 0 : i32
        %dma_wait3A_126 = arith.constant 0 : i32
        %dma_wait3A_127 = tpu.memref_slice %arg2[%dma_wait3A_125, %dma_wait3A_126] : memref<320000x128xf32, #tpu.memory_space<hbm>> -> memref<320000x128xf32, #tpu.memory_space<hbm>>
        tpu.wait_indirect_dma semaphore(%arg11 : memref<!tpu.dma_semaphore, #tpu.memory_space<semaphore_mem>>) src(%dma_wait3A_127 : memref<320000x128xf32, #tpu.memory_space<hbm>>) dst(%dma_wait3A_123 : memref<128x128xf32, #tpu.memory_space<vmem>>)
        %rem3A_128 = arith.constant 2 : i32
        %rem3A_129 = arith.remsi %while3A_96, %rem3A_128 : i32
        %mul3A_130 = arith.constant 128 : i32
        %mul3A_131 = arith.muli %while3A_96, %mul3A_130 : i32
        %dma_start3A = arith.constant 0 : i32
        %dma_start3A_132 = arith.constant 0 : i32
        %dma_start3A_133 = tpu.memref_slice %arg8[%rem3A_129, %dma_start3A, %dma_start3A_132] : memref<2x128x128xf32, #tpu.memory_space<vmem>> -> memref<1x128x128xf32, #tpu.memory_space<vmem>>
        %dma_start3A_134 = tpu.memref_squeeze %dma_start3A_133 : memref<1x128x128xf32, #tpu.memory_space<vmem>> -> memref<128x128xf32, #tpu.memory_space<vmem>>
        %dma_start3A_135 = tpu.memref_slice %arg7[%mul3A_131] : memref<4480xi32, #tpu.memory_space<vmem>> -> memref<128xi32, #tpu.memory_space<vmem>>
        %dma_start3A_136 = arith.constant 0 : i32
        %dma_start3A_137 = arith.constant 0 : i32
        %dma_start3A_138 = tpu.memref_slice %arg10[%dma_start3A_136, %dma_start3A_137] : memref<9616x128xf32, #tpu.memory_space<vmem_shared>> -> memref<9616x128xf32, #tpu.memory_space<vmem_shared>>
        tpu.enqueue_indirect_dma source(%dma_start3A_134 : memref<128x128xf32, #tpu.memory_space<vmem>>) target(%dma_start3A_138 : memref<9616x128xf32, #tpu.memory_space<vmem_shared>>) offsets(%dma_start3A_135 : memref<128xi32, #tpu.memory_space<vmem>>) semaphore(%arg12 : memref<!tpu.dma_semaphore, #tpu.memory_space<semaphore_mem>>) {add = true}
        %while3A_139 = arith.constant 0 : i32
        scf.yield %while3A_139 : i32
      }
      %while3A_77 = arith.constant 1 : i32
      %while3A_78 = scf.for %while3A_96 = %while3A_74 to %while3A_70 step %while3A_77 iter_args(%while3A_97 = %while3A_76) -> (i32)  : i32 {
        %ge3A_98 = arith.constant 1 : i32
        %ge3A_99 = arith.cmpi sge, %while3A_96, %ge3A_98 : i32
        %sub3A_100 = arith.constant 1 : i32
        %sub3A_101 = arith.subi %while3A_96, %sub3A_100 : i32
        %convert_element_type3A_102 = arith.extui %ge3A_99 : i1 to i32
        %cond3A_103 = arith.constant 0 : i32
        %cond3A_104 = arith.constant 0 : i32
        %cond3A_105 = arith.cmpi ne, %convert_element_type3A_102, %cond3A_104 : i32
        %cond3A_106 = scf.if %cond3A_105 -> (i32) {
          %rem3A_140 = arith.constant 2 : i32
          %rem3A_141 = arith.remsi %sub3A_101, %rem3A_140 : i32
          %mul3A_142 = arith.constant 128 : i32
          %mul3A_143 = arith.muli %sub3A_101, %mul3A_142 : i32
          %dma_wait3A_144 = arith.constant 0 : i32
          %dma_wait3A_145 = arith.constant 0 : i32
          %dma_wait3A_146 = tpu.memref_slice %arg8[%rem3A_141, %dma_wait3A_144, %dma_wait3A_145] : memref<2x128x128xf32, #tpu.memory_space<vmem>> -> memref<1x128x128xf32, #tpu.memory_space<vmem>>
          %dma_wait3A_147 = tpu.memref_squeeze %dma_wait3A_146 : memref<1x128x128xf32, #tpu.memory_space<vmem>> -> memref<128x128xf32, #tpu.memory_space<vmem>>
          %dma_wait3A_148 = tpu.memref_slice %arg7[%mul3A_143] : memref<4480xi32, #tpu.memory_space<vmem>> -> memref<128xi32, #tpu.memory_space<vmem>>
          %dma_wait3A_149 = arith.constant 0 : i32
          %dma_wait3A_150 = arith.constant 0 : i32
          %dma_wait3A_151 = tpu.memref_slice %arg10[%dma_wait3A_149, %dma_wait3A_150] : memref<9616x128xf32, #tpu.memory_space<vmem_shared>> -> memref<9616x128xf32, #tpu.memory_space<vmem_shared>>
          tpu.wait_indirect_dma semaphore(%arg12 : memref<!tpu.dma_semaphore, #tpu.memory_space<semaphore_mem>>) src(%dma_wait3A_147 : memref<128x128xf32, #tpu.memory_space<vmem>>) dst(%dma_wait3A_151 : memref<9616x128xf32, #tpu.memory_space<vmem_shared>>)
          %cond3A_152 = arith.constant 0 : i32
          scf.yield %cond3A_152 : i32
        } else {
          %cond3A_140 = arith.constant 0 : i32
          scf.yield %cond3A_140 : i32
        }
        %add3A_107 = arith.constant 1 : i32
        %add3A_108 = arith.addi %while3A_96, %add3A_107 : i32
        %lt3A_109 = arith.cmpi slt, %add3A_108, %select_n3A : i32
        %add3A_110 = arith.constant 1 : i32
        %add3A_111 = arith.addi %while3A_96, %add3A_110 : i32
        %convert_element_type3A_112 = arith.extui %lt3A_109 : i1 to i32
        %cond3A_113 = arith.constant 0 : i32
        %cond3A_114 = arith.constant 0 : i32
        %cond3A_115 = arith.cmpi ne, %convert_element_type3A_112, %cond3A_114 : i32
        %cond3A_116 = scf.if %cond3A_115 -> (i32) {
          %rem3A_140 = arith.constant 2 : i32
          %rem3A_141 = arith.remsi %add3A_111, %rem3A_140 : i32
          %mul3A_142 = arith.constant 128 : i32
          %mul3A_143 = arith.muli %add3A_111, %mul3A_142 : i32
          %dma_start3A_144 = arith.constant 0 : i32
          %dma_start3A_145 = arith.constant 0 : i32
          %dma_start3A_146 = tpu.memref_slice %arg8[%rem3A_141, %dma_start3A_144, %dma_start3A_145] : memref<2x128x128xf32, #tpu.memory_space<vmem>> -> memref<1x128x128xf32, #tpu.memory_space<vmem>>
          %dma_start3A_147 = tpu.memref_squeeze %dma_start3A_146 : memref<1x128x128xf32, #tpu.memory_space<vmem>> -> memref<128x128xf32, #tpu.memory_space<vmem>>
          %dma_start3A_148 = tpu.memref_slice %arg6[%mul3A_143] : memref<4480xi32, #tpu.memory_space<vmem>> -> memref<128xi32, #tpu.memory_space<vmem>>
          %dma_start3A_149 = arith.constant 0 : i32
          %dma_start3A_150 = arith.constant 0 : i32
          %dma_start3A_151 = tpu.memref_slice %arg2[%dma_start3A_149, %dma_start3A_150] : memref<320000x128xf32, #tpu.memory_space<hbm>> -> memref<320000x128xf32, #tpu.memory_space<hbm>>
          tpu.enqueue_indirect_dma source(%dma_start3A_151 : memref<320000x128xf32, #tpu.memory_space<hbm>>) target(%dma_start3A_147 : memref<128x128xf32, #tpu.memory_space<vmem>>) offsets(%dma_start3A_148 : memref<128xi32, #tpu.memory_space<vmem>>) semaphore(%arg11 : memref<!tpu.dma_semaphore, #tpu.memory_space<semaphore_mem>>)
          %cond3A_152 = arith.constant 0 : i32
          scf.yield %cond3A_152 : i32
        } else {
          %cond3A_140 = arith.constant 0 : i32
          scf.yield %cond3A_140 : i32
        }
        %rem3A_117 = arith.constant 2 : i32
        %rem3A_118 = arith.remsi %while3A_96, %rem3A_117 : i32
        %mul3A_119 = arith.constant 128 : i32
        %mul3A_120 = arith.muli %while3A_96, %mul3A_119 : i32
        %dma_wait3A = arith.constant 0 : i32
        %dma_wait3A_121 = arith.constant 0 : i32
        %dma_wait3A_122 = tpu.memref_slice %arg8[%rem3A_118, %dma_wait3A, %dma_wait3A_121] : memref<2x128x128xf32, #tpu.memory_space<vmem>> -> memref<1x128x128xf32, #tpu.memory_space<vmem>>
        %dma_wait3A_123 = tpu.memref_squeeze %dma_wait3A_122 : memref<1x128x128xf32, #tpu.memory_space<vmem>> -> memref<128x128xf32, #tpu.memory_space<vmem>>
        %dma_wait3A_124 = tpu.memref_slice %arg6[%mul3A_120] : memref<4480xi32, #tpu.memory_space<vmem>> -> memref<128xi32, #tpu.memory_space<vmem>>
        %dma_wait3A_125 = arith.constant 0 : i32
        %dma_wait3A_126 = arith.constant 0 : i32
        %dma_wait3A_127 = tpu.memref_slice %arg2[%dma_wait3A_125, %dma_wait3A_126] : memref<320000x128xf32, #tpu.memory_space<hbm>> -> memref<320000x128xf32, #tpu.memory_space<hbm>>
        tpu.wait_indirect_dma semaphore(%arg11 : memref<!tpu.dma_semaphore, #tpu.memory_space<semaphore_mem>>) src(%dma_wait3A_127 : memref<320000x128xf32, #tpu.memory_space<hbm>>) dst(%dma_wait3A_123 : memref<128x128xf32, #tpu.memory_space<vmem>>)
        %rem3A_128 = arith.constant 2 : i32
        %rem3A_129 = arith.remsi %while3A_96, %rem3A_128 : i32
        %mul3A_130 = arith.constant 128 : i32
        %mul3A_131 = arith.muli %while3A_96, %mul3A_130 : i32
        %dma_start3A = arith.constant 0 : i32
        %dma_start3A_132 = arith.constant 0 : i32
        %dma_start3A_133 = tpu.memref_slice %arg8[%rem3A_129, %dma_start3A, %dma_start3A_132] : memref<2x128x128xf32, #tpu.memory_space<vmem>> -> memref<1x128x128xf32, #tpu.memory_space<vmem>>
        %dma_start3A_134 = tpu.memref_squeeze %dma_start3A_133 : memref<1x128x128xf32, #tpu.memory_space<vmem>> -> memref<128x128xf32, #tpu.memory_space<vmem>>
        %dma_start3A_135 = tpu.memref_slice %arg7[%mul3A_131] : memref<4480xi32, #tpu.memory_space<vmem>> -> memref<128xi32, #tpu.memory_space<vmem>>
        %dma_start3A_136 = arith.constant 0 : i32
        %dma_start3A_137 = arith.constant 0 : i32
        %dma_start3A_138 = tpu.memref_slice %arg10[%dma_start3A_136, %dma_start3A_137] : memref<9616x128xf32, #tpu.memory_space<vmem_shared>> -> memref<9616x128xf32, #tpu.memory_space<vmem_shared>>
        tpu.enqueue_indirect_dma source(%dma_start3A_134 : memref<128x128xf32, #tpu.memory_space<vmem>>) target(%dma_start3A_138 : memref<9616x128xf32, #tpu.memory_space<vmem_shared>>) offsets(%dma_start3A_135 : memref<128xi32, #tpu.memory_space<vmem>>) semaphore(%arg12 : memref<!tpu.dma_semaphore, #tpu.memory_space<semaphore_mem>>) {add = true}
        %while3A_139 = arith.constant 0 : i32
        scf.yield %while3A_139 : i32
      }
      %ge3A = arith.constant 1 : i32
      %ge3A_79 = arith.cmpi sge, %select_n3A, %ge3A : i32
      %sub3A_80 = arith.constant 1 : i32
      %sub3A_81 = arith.subi %select_n3A, %sub3A_80 : i32
      %convert_element_type3A_82 = arith.extui %ge3A_79 : i1 to i32
      %cond3A_83 = arith.constant 0 : i32
      %cond3A_84 = arith.constant 0 : i32
      %cond3A_85 = arith.cmpi ne, %convert_element_type3A_82, %cond3A_84 : i32
      %cond3A_86 = scf.if %cond3A_85 -> (i32) {
        %rem3A_96 = arith.constant 2 : i32
        %rem3A_97 = arith.remsi %sub3A_81, %rem3A_96 : i32
        %mul3A_98 = arith.constant 128 : i32
        %mul3A_99 = arith.muli %sub3A_81, %mul3A_98 : i32
        %dma_wait3A = arith.constant 0 : i32
        %dma_wait3A_100 = arith.constant 0 : i32
        %dma_wait3A_101 = tpu.memref_slice %arg8[%rem3A_97, %dma_wait3A, %dma_wait3A_100] : memref<2x128x128xf32, #tpu.memory_space<vmem>> -> memref<1x128x128xf32, #tpu.memory_space<vmem>>
        %dma_wait3A_102 = tpu.memref_squeeze %dma_wait3A_101 : memref<1x128x128xf32, #tpu.memory_space<vmem>> -> memref<128x128xf32, #tpu.memory_space<vmem>>
        %dma_wait3A_103 = tpu.memref_slice %arg7[%mul3A_99] : memref<4480xi32, #tpu.memory_space<vmem>> -> memref<128xi32, #tpu.memory_space<vmem>>
        %dma_wait3A_104 = arith.constant 0 : i32
        %dma_wait3A_105 = arith.constant 0 : i32
        %dma_wait3A_106 = tpu.memref_slice %arg10[%dma_wait3A_104, %dma_wait3A_105] : memref<9616x128xf32, #tpu.memory_space<vmem_shared>> -> memref<9616x128xf32, #tpu.memory_space<vmem_shared>>
        tpu.wait_indirect_dma semaphore(%arg12 : memref<!tpu.dma_semaphore, #tpu.memory_space<semaphore_mem>>) src(%dma_wait3A_102 : memref<128x128xf32, #tpu.memory_space<vmem>>) dst(%dma_wait3A_106 : memref<9616x128xf32, #tpu.memory_space<vmem_shared>>)
        %cond3A_107 = arith.constant 0 : i32
        scf.yield %cond3A_107 : i32
      } else {
        %cond3A_96 = arith.constant 0 : i32
        scf.yield %cond3A_96 : i32
      }
      %barrier3A_87 = arith.constant 0 : index
      tpu.barrier barrier_id(%barrier3A_87)
      %lt3A = arith.constant 8 : i32
      %lt3A_88 = arith.cmpi slt, %scan3A_17, %lt3A : i32
      %convert_element_type3A_89 = arith.extui %lt3A_88 : i1 to i32
      %cond3A_90 = arith.constant 0 : i32
      %cond3A_91 = arith.constant 0 : i32
      %cond3A_92 = arith.cmpi ne, %convert_element_type3A_89, %cond3A_91 : i32
      %cond3A_93 = scf.if %cond3A_92 -> (i32) {
        %mul3A_96 = arith.constant 600 : i32
        %mul3A_97 = arith.muli %arg1, %mul3A_96 : i32
        %mul3A_98 = arith.constant 600 : i32
        %mul3A_99 = arith.muli %arg1, %mul3A_98 : i32
        %add3A_100 = arith.addi %add3A_21, %mul3A_99 : i32
        "tpu.region"() ({
          %run_scoped3A = tpu.sem_alloc : memref<!tpu.dma_semaphore, #tpu.memory_space<semaphore_mem>>
          %dma_start3A = arith.constant 0 : i32
          %dma_start3A_102 = tpu.memref_slice %arg4[%add3A_100, %dma_start3A] : memref<160000x128xf32, #tpu.memory_space<hbm>> -> memref<600x128xf32, #tpu.memory_space<hbm>>
          %dma_start3A_103 = arith.constant 0 : i32
          %dma_start3A_104 = tpu.memref_slice %arg10[%mul3A_97, %dma_start3A_103] : memref<9616x128xf32, #tpu.memory_space<vmem_shared>> -> memref<600x128xf32, #tpu.memory_space<vmem_shared>>
          tpu.enqueue_dma source(%dma_start3A_104 : memref<600x128xf32, #tpu.memory_space<vmem_shared>>) target(%dma_start3A_102 : memref<600x128xf32, #tpu.memory_space<hbm>>) target_semaphore(%run_scoped3A : memref<!tpu.dma_semaphore, #tpu.memory_space<semaphore_mem>>)
          %dma_wait3A = arith.constant 0 : i32
          %dma_wait3A_105 = tpu.memref_slice %arg4[%add3A_100, %dma_wait3A] : memref<160000x128xf32, #tpu.memory_space<hbm>> -> memref<600x128xf32, #tpu.memory_space<hbm>>
          %dma_wait3A_106 = arith.constant 0 : i32
          %dma_wait3A_107 = tpu.memref_slice %arg10[%mul3A_97, %dma_wait3A_106] : memref<9616x128xf32, #tpu.memory_space<vmem_shared>> -> memref<600x128xf32, #tpu.memory_space<vmem_shared>>
          tpu.wait_dma2 semaphore(%run_scoped3A : memref<!tpu.dma_semaphore, #tpu.memory_space<semaphore_mem>>) src(%dma_wait3A_107 : memref<600x128xf32, #tpu.memory_space<vmem_shared>>) dst(%dma_wait3A_105 : memref<600x128xf32, #tpu.memory_space<hbm>>)
          tpu.yield
        }) : () -> ()
        %cond3A_101 = arith.constant 0 : i32
        scf.yield %cond3A_101 : i32
      } else {
        %mul3A_96 = arith.constant 200 : i32
        %mul3A_97 = arith.muli %arg1, %mul3A_96 : i32
        %mul3A_98 = arith.constant 200 : i32
        %mul3A_99 = arith.muli %arg1, %mul3A_98 : i32
        %add3A_100 = arith.addi %add3A_21, %mul3A_99 : i32
        "tpu.region"() ({
          %run_scoped3A = tpu.sem_alloc : memref<!tpu.dma_semaphore, #tpu.memory_space<semaphore_mem>>
          %dma_start3A = arith.constant 0 : i32
          %dma_start3A_102 = tpu.memref_slice %arg4[%add3A_100, %dma_start3A] : memref<160000x128xf32, #tpu.memory_space<hbm>> -> memref<200x128xf32, #tpu.memory_space<hbm>>
          %dma_start3A_103 = arith.constant 0 : i32
          %dma_start3A_104 = tpu.memref_slice %arg10[%mul3A_97, %dma_start3A_103] : memref<9616x128xf32, #tpu.memory_space<vmem_shared>> -> memref<200x128xf32, #tpu.memory_space<vmem_shared>>
          tpu.enqueue_dma source(%dma_start3A_104 : memref<200x128xf32, #tpu.memory_space<vmem_shared>>) target(%dma_start3A_102 : memref<200x128xf32, #tpu.memory_space<hbm>>) target_semaphore(%run_scoped3A : memref<!tpu.dma_semaphore, #tpu.memory_space<semaphore_mem>>)
          %dma_wait3A = arith.constant 0 : i32
          %dma_wait3A_105 = tpu.memref_slice %arg4[%add3A_100, %dma_wait3A] : memref<160000x128xf32, #tpu.memory_space<hbm>> -> memref<200x128xf32, #tpu.memory_space<hbm>>
          %dma_wait3A_106 = arith.constant 0 : i32
          %dma_wait3A_107 = tpu.memref_slice %arg10[%mul3A_97, %dma_wait3A_106] : memref<9616x128xf32, #tpu.memory_space<vmem_shared>> -> memref<200x128xf32, #tpu.memory_space<vmem_shared>>
          tpu.wait_dma2 semaphore(%run_scoped3A : memref<!tpu.dma_semaphore, #tpu.memory_space<semaphore_mem>>) src(%dma_wait3A_107 : memref<200x128xf32, #tpu.memory_space<vmem_shared>>) dst(%dma_wait3A_105 : memref<200x128xf32, #tpu.memory_space<hbm>>)
          tpu.yield
        }) : () -> ()
        %cond3A_101 = arith.constant 0 : i32
        scf.yield %cond3A_101 : i32
      }
      %barrier3A_94 = arith.constant 0 : index
      tpu.barrier barrier_id(%barrier3A_94)
      %scan3A_95 = arith.constant 0 : i32
      scf.yield %scan3A_95 : i32
    }
    %scan3A_16 = arith.constant 9 : i32
    return
  }
}

#map = affine_map<(d0, d1) -> (0, 0)>
#map1 = affine_map<(d0, d1) -> (0)>
module attributes {stable_mosaic.version = 14 : i64} {
  func.func @k(%arg0: i32, %arg1: i32, %arg2: memref<160000x128xf32, #tpu.memory_space<hbm>>, %arg3: memref<320000xi32, #tpu.memory_space<hbm>>, %arg4: memref<320000x128xf32, #tpu.memory_space<hbm>>, %arg5: memref<6x128xi32, #tpu.memory_space<vmem>>, %arg6: memref<6x128x128xf32, #tpu.memory_space<vmem>>, %arg7: memref<!tpu.dma_semaphore, #tpu.memory_space<semaphore_mem>>, %arg8: memref<!tpu.dma_semaphore, #tpu.memory_space<semaphore_mem>>) attributes {dimension_semantics = [#tpu.dimension_semantics<core_parallel>, #tpu.dimension_semantics<subcore_parallel>], iteration_bounds = array<i64: 2, 16>, scalar_prefetch = 0 : i64, scratch_operands = 4 : i64, tpu.core_type = #tpu.core_type<sc_vector_subcore>, window_params = [{transform_indices = #map}, {transform_indices = #map1}, {transform_indices = #map}]} {
    %mul3A = arith.constant 2 : i32
    %mul3A_0 = arith.muli %arg1, %mul3A : i32
    %add3A = arith.addi %mul3A_0, %arg0 : i32
    %mul3A_1 = arith.constant 10000 : i32
    %mul3A_2 = arith.muli %add3A, %mul3A_1 : i32
    %rem3A = arith.constant 0 : i32
    %rem3A_3 = arith.constant 6 : i32
    %rem3A_4 = arith.remsi %rem3A, %rem3A_3 : i32
    %add3A_5 = arith.constant 0 : i32
    %add3A_6 = arith.addi %mul3A_2, %add3A_5 : i32
    "tpu.region"() ({
      %run_scoped3A_387 = tpu.sem_alloc : memref<!tpu.dma_semaphore, #tpu.memory_space<semaphore_mem>>
      %dma_start3A_388 = arith.constant 0 : i32
      %dma_start3A_389 = tpu.memref_slice %arg5[%rem3A_4, %dma_start3A_388] : memref<6x128xi32, #tpu.memory_space<vmem>> -> memref<1x128xi32, #tpu.memory_space<vmem>>
      %dma_start3A_390 = tpu.memref_squeeze %dma_start3A_389 : memref<1x128xi32, #tpu.memory_space<vmem>> -> memref<128xi32, #tpu.memory_space<vmem>>
      %dma_start3A_391 = tpu.memref_slice %arg3[%add3A_6] : memref<320000xi32, #tpu.memory_space<hbm>> -> memref<128xi32, #tpu.memory_space<hbm>>
      %dma_start3A_392 = arith.constant 0 : i32
      %dma_start3A_393 = tpu.memref_slice %arg5[%rem3A_4, %dma_start3A_392] : memref<6x128xi32, #tpu.memory_space<vmem>> -> memref<1x128xi32, #tpu.memory_space<vmem>>
      %dma_start3A_394 = tpu.memref_squeeze %dma_start3A_393 : memref<1x128xi32, #tpu.memory_space<vmem>> -> memref<128xi32, #tpu.memory_space<vmem>>
      %dma_start3A_395 = tpu.memref_slice %arg3[%add3A_6] : memref<320000xi32, #tpu.memory_space<hbm>> -> memref<128xi32, #tpu.memory_space<hbm>>
      tpu.enqueue_dma source(%dma_start3A_395 : memref<128xi32, #tpu.memory_space<hbm>>) target(%dma_start3A_394 : memref<128xi32, #tpu.memory_space<vmem>>) target_semaphore(%run_scoped3A_387 : memref<!tpu.dma_semaphore, #tpu.memory_space<semaphore_mem>>)
      %dma_wait3A_396 = arith.constant 0 : i32
      %dma_wait3A_397 = tpu.memref_slice %arg5[%rem3A_4, %dma_wait3A_396] : memref<6x128xi32, #tpu.memory_space<vmem>> -> memref<1x128xi32, #tpu.memory_space<vmem>>
      %dma_wait3A_398 = tpu.memref_squeeze %dma_wait3A_397 : memref<1x128xi32, #tpu.memory_space<vmem>> -> memref<128xi32, #tpu.memory_space<vmem>>
      %dma_wait3A_399 = tpu.memref_slice %arg3[%add3A_6] : memref<320000xi32, #tpu.memory_space<hbm>> -> memref<128xi32, #tpu.memory_space<hbm>>
      %dma_wait3A_400 = arith.constant 0 : i32
      %dma_wait3A_401 = tpu.memref_slice %arg5[%rem3A_4, %dma_wait3A_400] : memref<6x128xi32, #tpu.memory_space<vmem>> -> memref<1x128xi32, #tpu.memory_space<vmem>>
      %dma_wait3A_402 = tpu.memref_squeeze %dma_wait3A_401 : memref<1x128xi32, #tpu.memory_space<vmem>> -> memref<128xi32, #tpu.memory_space<vmem>>
      %dma_wait3A_403 = tpu.memref_slice %arg3[%add3A_6] : memref<320000xi32, #tpu.memory_space<hbm>> -> memref<128xi32, #tpu.memory_space<hbm>>
      tpu.wait_dma2 semaphore(%run_scoped3A_387 : memref<!tpu.dma_semaphore, #tpu.memory_space<semaphore_mem>>) src(%dma_wait3A_403 : memref<128xi32, #tpu.memory_space<hbm>>) dst(%dma_wait3A_402 : memref<128xi32, #tpu.memory_space<vmem>>)
      tpu.yield
    }) : () -> ()
    %dma_start3A = arith.constant 0 : i32
    %dma_start3A_7 = arith.constant 0 : i32
    %dma_start3A_8 = tpu.memref_slice %arg6[%rem3A_4, %dma_start3A, %dma_start3A_7] : memref<6x128x128xf32, #tpu.memory_space<vmem>> -> memref<1x128x128xf32, #tpu.memory_space<vmem>>
    %dma_start3A_9 = tpu.memref_squeeze %dma_start3A_8 : memref<1x128x128xf32, #tpu.memory_space<vmem>> -> memref<128x128xf32, #tpu.memory_space<vmem>>
    %dma_start3A_10 = arith.constant 0 : i32
    %dma_start3A_11 = tpu.memref_slice %arg5[%rem3A_4, %dma_start3A_10] : memref<6x128xi32, #tpu.memory_space<vmem>> -> memref<1x128xi32, #tpu.memory_space<vmem>>
    %dma_start3A_12 = tpu.memref_squeeze %dma_start3A_11 : memref<1x128xi32, #tpu.memory_space<vmem>> -> memref<128xi32, #tpu.memory_space<vmem>>
    %dma_start3A_13 = arith.constant 0 : i32
    %dma_start3A_14 = arith.constant 0 : i32
    %dma_start3A_15 = tpu.memref_slice %arg2[%dma_start3A_13, %dma_start3A_14] : memref<160000x128xf32, #tpu.memory_space<hbm>> -> memref<160000x128xf32, #tpu.memory_space<hbm>>
    tpu.enqueue_indirect_dma source(%dma_start3A_15 : memref<160000x128xf32, #tpu.memory_space<hbm>>) target(%dma_start3A_9 : memref<128x128xf32, #tpu.memory_space<vmem>>) offsets(%dma_start3A_12 : memref<128xi32, #tpu.memory_space<vmem>>) semaphore(%arg7 : memref<!tpu.dma_semaphore, #tpu.memory_space<semaphore_mem>>)
    %rem3A_16 = arith.constant 1 : i32
    %rem3A_17 = arith.constant 6 : i32
    %rem3A_18 = arith.remsi %rem3A_16, %rem3A_17 : i32
    %add3A_19 = arith.constant 128 : i32
    %add3A_20 = arith.addi %mul3A_2, %add3A_19 : i32
    "tpu.region"() ({
      %run_scoped3A_387 = tpu.sem_alloc : memref<!tpu.dma_semaphore, #tpu.memory_space<semaphore_mem>>
      %dma_start3A_388 = arith.constant 0 : i32
      %dma_start3A_389 = tpu.memref_slice %arg5[%rem3A_18, %dma_start3A_388] : memref<6x128xi32, #tpu.memory_space<vmem>> -> memref<1x128xi32, #tpu.memory_space<vmem>>
      %dma_start3A_390 = tpu.memref_squeeze %dma_start3A_389 : memref<1x128xi32, #tpu.memory_space<vmem>> -> memref<128xi32, #tpu.memory_space<vmem>>
      %dma_start3A_391 = tpu.memref_slice %arg3[%add3A_20] : memref<320000xi32, #tpu.memory_space<hbm>> -> memref<128xi32, #tpu.memory_space<hbm>>
      %dma_start3A_392 = arith.constant 0 : i32
      %dma_start3A_393 = tpu.memref_slice %arg5[%rem3A_18, %dma_start3A_392] : memref<6x128xi32, #tpu.memory_space<vmem>> -> memref<1x128xi32, #tpu.memory_space<vmem>>
      %dma_start3A_394 = tpu.memref_squeeze %dma_start3A_393 : memref<1x128xi32, #tpu.memory_space<vmem>> -> memref<128xi32, #tpu.memory_space<vmem>>
      %dma_start3A_395 = tpu.memref_slice %arg3[%add3A_20] : memref<320000xi32, #tpu.memory_space<hbm>> -> memref<128xi32, #tpu.memory_space<hbm>>
      tpu.enqueue_dma source(%dma_start3A_395 : memref<128xi32, #tpu.memory_space<hbm>>) target(%dma_start3A_394 : memref<128xi32, #tpu.memory_space<vmem>>) target_semaphore(%run_scoped3A_387 : memref<!tpu.dma_semaphore, #tpu.memory_space<semaphore_mem>>)
      %dma_wait3A_396 = arith.constant 0 : i32
      %dma_wait3A_397 = tpu.memref_slice %arg5[%rem3A_18, %dma_wait3A_396] : memref<6x128xi32, #tpu.memory_space<vmem>> -> memref<1x128xi32, #tpu.memory_space<vmem>>
      %dma_wait3A_398 = tpu.memref_squeeze %dma_wait3A_397 : memref<1x128xi32, #tpu.memory_space<vmem>> -> memref<128xi32, #tpu.memory_space<vmem>>
      %dma_wait3A_399 = tpu.memref_slice %arg3[%add3A_20] : memref<320000xi32, #tpu.memory_space<hbm>> -> memref<128xi32, #tpu.memory_space<hbm>>
      %dma_wait3A_400 = arith.constant 0 : i32
      %dma_wait3A_401 = tpu.memref_slice %arg5[%rem3A_18, %dma_wait3A_400] : memref<6x128xi32, #tpu.memory_space<vmem>> -> memref<1x128xi32, #tpu.memory_space<vmem>>
      %dma_wait3A_402 = tpu.memref_squeeze %dma_wait3A_401 : memref<1x128xi32, #tpu.memory_space<vmem>> -> memref<128xi32, #tpu.memory_space<vmem>>
      %dma_wait3A_403 = tpu.memref_slice %arg3[%add3A_20] : memref<320000xi32, #tpu.memory_space<hbm>> -> memref<128xi32, #tpu.memory_space<hbm>>
      tpu.wait_dma2 semaphore(%run_scoped3A_387 : memref<!tpu.dma_semaphore, #tpu.memory_space<semaphore_mem>>) src(%dma_wait3A_403 : memref<128xi32, #tpu.memory_space<hbm>>) dst(%dma_wait3A_402 : memref<128xi32, #tpu.memory_space<vmem>>)
      tpu.yield
    }) : () -> ()
    %dma_start3A_21 = arith.constant 0 : i32
    %dma_start3A_22 = arith.constant 0 : i32
    %dma_start3A_23 = tpu.memref_slice %arg6[%rem3A_18, %dma_start3A_21, %dma_start3A_22] : memref<6x128x128xf32, #tpu.memory_space<vmem>> -> memref<1x128x128xf32, #tpu.memory_space<vmem>>
    %dma_start3A_24 = tpu.memref_squeeze %dma_start3A_23 : memref<1x128x128xf32, #tpu.memory_space<vmem>> -> memref<128x128xf32, #tpu.memory_space<vmem>>
    %dma_start3A_25 = arith.constant 0 : i32
    %dma_start3A_26 = tpu.memref_slice %arg5[%rem3A_18, %dma_start3A_25] : memref<6x128xi32, #tpu.memory_space<vmem>> -> memref<1x128xi32, #tpu.memory_space<vmem>>
    %dma_start3A_27 = tpu.memref_squeeze %dma_start3A_26 : memref<1x128xi32, #tpu.memory_space<vmem>> -> memref<128xi32, #tpu.memory_space<vmem>>
    %dma_start3A_28 = arith.constant 0 : i32
    %dma_start3A_29 = arith.constant 0 : i32
    %dma_start3A_30 = tpu.memref_slice %arg2[%dma_start3A_28, %dma_start3A_29] : memref<160000x128xf32, #tpu.memory_space<hbm>> -> memref<160000x128xf32, #tpu.memory_space<hbm>>
    tpu.enqueue_indirect_dma source(%dma_start3A_30 : memref<160000x128xf32, #tpu.memory_space<hbm>>) target(%dma_start3A_24 : memref<128x128xf32, #tpu.memory_space<vmem>>) offsets(%dma_start3A_27 : memref<128xi32, #tpu.memory_space<vmem>>) semaphore(%arg7 : memref<!tpu.dma_semaphore, #tpu.memory_space<semaphore_mem>>)
    %rem3A_31 = arith.constant 2 : i32
    %rem3A_32 = arith.constant 6 : i32
    %rem3A_33 = arith.remsi %rem3A_31, %rem3A_32 : i32
    %add3A_34 = arith.constant 256 : i32
    %add3A_35 = arith.addi %mul3A_2, %add3A_34 : i32
    "tpu.region"() ({
      %run_scoped3A_387 = tpu.sem_alloc : memref<!tpu.dma_semaphore, #tpu.memory_space<semaphore_mem>>
      %dma_start3A_388 = arith.constant 0 : i32
      %dma_start3A_389 = tpu.memref_slice %arg5[%rem3A_33, %dma_start3A_388] : memref<6x128xi32, #tpu.memory_space<vmem>> -> memref<1x128xi32, #tpu.memory_space<vmem>>
      %dma_start3A_390 = tpu.memref_squeeze %dma_start3A_389 : memref<1x128xi32, #tpu.memory_space<vmem>> -> memref<128xi32, #tpu.memory_space<vmem>>
      %dma_start3A_391 = tpu.memref_slice %arg3[%add3A_35] : memref<320000xi32, #tpu.memory_space<hbm>> -> memref<128xi32, #tpu.memory_space<hbm>>
      %dma_start3A_392 = arith.constant 0 : i32
      %dma_start3A_393 = tpu.memref_slice %arg5[%rem3A_33, %dma_start3A_392] : memref<6x128xi32, #tpu.memory_space<vmem>> -> memref<1x128xi32, #tpu.memory_space<vmem>>
      %dma_start3A_394 = tpu.memref_squeeze %dma_start3A_393 : memref<1x128xi32, #tpu.memory_space<vmem>> -> memref<128xi32, #tpu.memory_space<vmem>>
      %dma_start3A_395 = tpu.memref_slice %arg3[%add3A_35] : memref<320000xi32, #tpu.memory_space<hbm>> -> memref<128xi32, #tpu.memory_space<hbm>>
      tpu.enqueue_dma source(%dma_start3A_395 : memref<128xi32, #tpu.memory_space<hbm>>) target(%dma_start3A_394 : memref<128xi32, #tpu.memory_space<vmem>>) target_semaphore(%run_scoped3A_387 : memref<!tpu.dma_semaphore, #tpu.memory_space<semaphore_mem>>)
      %dma_wait3A_396 = arith.constant 0 : i32
      %dma_wait3A_397 = tpu.memref_slice %arg5[%rem3A_33, %dma_wait3A_396] : memref<6x128xi32, #tpu.memory_space<vmem>> -> memref<1x128xi32, #tpu.memory_space<vmem>>
      %dma_wait3A_398 = tpu.memref_squeeze %dma_wait3A_397 : memref<1x128xi32, #tpu.memory_space<vmem>> -> memref<128xi32, #tpu.memory_space<vmem>>
      %dma_wait3A_399 = tpu.memref_slice %arg3[%add3A_35] : memref<320000xi32, #tpu.memory_space<hbm>> -> memref<128xi32, #tpu.memory_space<hbm>>
      %dma_wait3A_400 = arith.constant 0 : i32
      %dma_wait3A_401 = tpu.memref_slice %arg5[%rem3A_33, %dma_wait3A_400] : memref<6x128xi32, #tpu.memory_space<vmem>> -> memref<1x128xi32, #tpu.memory_space<vmem>>
      %dma_wait3A_402 = tpu.memref_squeeze %dma_wait3A_401 : memref<1x128xi32, #tpu.memory_space<vmem>> -> memref<128xi32, #tpu.memory_space<vmem>>
      %dma_wait3A_403 = tpu.memref_slice %arg3[%add3A_35] : memref<320000xi32, #tpu.memory_space<hbm>> -> memref<128xi32, #tpu.memory_space<hbm>>
      tpu.wait_dma2 semaphore(%run_scoped3A_387 : memref<!tpu.dma_semaphore, #tpu.memory_space<semaphore_mem>>) src(%dma_wait3A_403 : memref<128xi32, #tpu.memory_space<hbm>>) dst(%dma_wait3A_402 : memref<128xi32, #tpu.memory_space<vmem>>)
      tpu.yield
    }) : () -> ()
    %dma_start3A_36 = arith.constant 0 : i32
    %dma_start3A_37 = arith.constant 0 : i32
    %dma_start3A_38 = tpu.memref_slice %arg6[%rem3A_33, %dma_start3A_36, %dma_start3A_37] : memref<6x128x128xf32, #tpu.memory_space<vmem>> -> memref<1x128x128xf32, #tpu.memory_space<vmem>>
    %dma_start3A_39 = tpu.memref_squeeze %dma_start3A_38 : memref<1x128x128xf32, #tpu.memory_space<vmem>> -> memref<128x128xf32, #tpu.memory_space<vmem>>
    %dma_start3A_40 = arith.constant 0 : i32
    %dma_start3A_41 = tpu.memref_slice %arg5[%rem3A_33, %dma_start3A_40] : memref<6x128xi32, #tpu.memory_space<vmem>> -> memref<1x128xi32, #tpu.memory_space<vmem>>
    %dma_start3A_42 = tpu.memref_squeeze %dma_start3A_41 : memref<1x128xi32, #tpu.memory_space<vmem>> -> memref<128xi32, #tpu.memory_space<vmem>>
    %dma_start3A_43 = arith.constant 0 : i32
    %dma_start3A_44 = arith.constant 0 : i32
    %dma_start3A_45 = tpu.memref_slice %arg2[%dma_start3A_43, %dma_start3A_44] : memref<160000x128xf32, #tpu.memory_space<hbm>> -> memref<160000x128xf32, #tpu.memory_space<hbm>>
    tpu.enqueue_indirect_dma source(%dma_start3A_45 : memref<160000x128xf32, #tpu.memory_space<hbm>>) target(%dma_start3A_39 : memref<128x128xf32, #tpu.memory_space<vmem>>) offsets(%dma_start3A_42 : memref<128xi32, #tpu.memory_space<vmem>>) semaphore(%arg7 : memref<!tpu.dma_semaphore, #tpu.memory_space<semaphore_mem>>)
    %rem3A_46 = arith.constant 3 : i32
    %rem3A_47 = arith.constant 6 : i32
    %rem3A_48 = arith.remsi %rem3A_46, %rem3A_47 : i32
    %add3A_49 = arith.constant 384 : i32
    %add3A_50 = arith.addi %mul3A_2, %add3A_49 : i32
    "tpu.region"() ({
      %run_scoped3A_387 = tpu.sem_alloc : memref<!tpu.dma_semaphore, #tpu.memory_space<semaphore_mem>>
      %dma_start3A_388 = arith.constant 0 : i32
      %dma_start3A_389 = tpu.memref_slice %arg5[%rem3A_48, %dma_start3A_388] : memref<6x128xi32, #tpu.memory_space<vmem>> -> memref<1x128xi32, #tpu.memory_space<vmem>>
      %dma_start3A_390 = tpu.memref_squeeze %dma_start3A_389 : memref<1x128xi32, #tpu.memory_space<vmem>> -> memref<128xi32, #tpu.memory_space<vmem>>
      %dma_start3A_391 = tpu.memref_slice %arg3[%add3A_50] : memref<320000xi32, #tpu.memory_space<hbm>> -> memref<128xi32, #tpu.memory_space<hbm>>
      %dma_start3A_392 = arith.constant 0 : i32
      %dma_start3A_393 = tpu.memref_slice %arg5[%rem3A_48, %dma_start3A_392] : memref<6x128xi32, #tpu.memory_space<vmem>> -> memref<1x128xi32, #tpu.memory_space<vmem>>
      %dma_start3A_394 = tpu.memref_squeeze %dma_start3A_393 : memref<1x128xi32, #tpu.memory_space<vmem>> -> memref<128xi32, #tpu.memory_space<vmem>>
      %dma_start3A_395 = tpu.memref_slice %arg3[%add3A_50] : memref<320000xi32, #tpu.memory_space<hbm>> -> memref<128xi32, #tpu.memory_space<hbm>>
      tpu.enqueue_dma source(%dma_start3A_395 : memref<128xi32, #tpu.memory_space<hbm>>) target(%dma_start3A_394 : memref<128xi32, #tpu.memory_space<vmem>>) target_semaphore(%run_scoped3A_387 : memref<!tpu.dma_semaphore, #tpu.memory_space<semaphore_mem>>)
      %dma_wait3A_396 = arith.constant 0 : i32
      %dma_wait3A_397 = tpu.memref_slice %arg5[%rem3A_48, %dma_wait3A_396] : memref<6x128xi32, #tpu.memory_space<vmem>> -> memref<1x128xi32, #tpu.memory_space<vmem>>
      %dma_wait3A_398 = tpu.memref_squeeze %dma_wait3A_397 : memref<1x128xi32, #tpu.memory_space<vmem>> -> memref<128xi32, #tpu.memory_space<vmem>>
      %dma_wait3A_399 = tpu.memref_slice %arg3[%add3A_50] : memref<320000xi32, #tpu.memory_space<hbm>> -> memref<128xi32, #tpu.memory_space<hbm>>
      %dma_wait3A_400 = arith.constant 0 : i32
      %dma_wait3A_401 = tpu.memref_slice %arg5[%rem3A_48, %dma_wait3A_400] : memref<6x128xi32, #tpu.memory_space<vmem>> -> memref<1x128xi32, #tpu.memory_space<vmem>>
      %dma_wait3A_402 = tpu.memref_squeeze %dma_wait3A_401 : memref<1x128xi32, #tpu.memory_space<vmem>> -> memref<128xi32, #tpu.memory_space<vmem>>
      %dma_wait3A_403 = tpu.memref_slice %arg3[%add3A_50] : memref<320000xi32, #tpu.memory_space<hbm>> -> memref<128xi32, #tpu.memory_space<hbm>>
      tpu.wait_dma2 semaphore(%run_scoped3A_387 : memref<!tpu.dma_semaphore, #tpu.memory_space<semaphore_mem>>) src(%dma_wait3A_403 : memref<128xi32, #tpu.memory_space<hbm>>) dst(%dma_wait3A_402 : memref<128xi32, #tpu.memory_space<vmem>>)
      tpu.yield
    }) : () -> ()
    %dma_start3A_51 = arith.constant 0 : i32
    %dma_start3A_52 = arith.constant 0 : i32
    %dma_start3A_53 = tpu.memref_slice %arg6[%rem3A_48, %dma_start3A_51, %dma_start3A_52] : memref<6x128x128xf32, #tpu.memory_space<vmem>> -> memref<1x128x128xf32, #tpu.memory_space<vmem>>
    %dma_start3A_54 = tpu.memref_squeeze %dma_start3A_53 : memref<1x128x128xf32, #tpu.memory_space<vmem>> -> memref<128x128xf32, #tpu.memory_space<vmem>>
    %dma_start3A_55 = arith.constant 0 : i32
    %dma_start3A_56 = tpu.memref_slice %arg5[%rem3A_48, %dma_start3A_55] : memref<6x128xi32, #tpu.memory_space<vmem>> -> memref<1x128xi32, #tpu.memory_space<vmem>>
    %dma_start3A_57 = tpu.memref_squeeze %dma_start3A_56 : memref<1x128xi32, #tpu.memory_space<vmem>> -> memref<128xi32, #tpu.memory_space<vmem>>
    %dma_start3A_58 = arith.constant 0 : i32
    %dma_start3A_59 = arith.constant 0 : i32
    %dma_start3A_60 = tpu.memref_slice %arg2[%dma_start3A_58, %dma_start3A_59] : memref<160000x128xf32, #tpu.memory_space<hbm>> -> memref<160000x128xf32, #tpu.memory_space<hbm>>
    tpu.enqueue_indirect_dma source(%dma_start3A_60 : memref<160000x128xf32, #tpu.memory_space<hbm>>) target(%dma_start3A_54 : memref<128x128xf32, #tpu.memory_space<vmem>>) offsets(%dma_start3A_57 : memref<128xi32, #tpu.memory_space<vmem>>) semaphore(%arg7 : memref<!tpu.dma_semaphore, #tpu.memory_space<semaphore_mem>>)
    %rem3A_61 = arith.constant 4 : i32
    %rem3A_62 = arith.constant 6 : i32
    %rem3A_63 = arith.remsi %rem3A_61, %rem3A_62 : i32
    %add3A_64 = arith.constant 512 : i32
    %add3A_65 = arith.addi %mul3A_2, %add3A_64 : i32
    "tpu.region"() ({
      %run_scoped3A_387 = tpu.sem_alloc : memref<!tpu.dma_semaphore, #tpu.memory_space<semaphore_mem>>
      %dma_start3A_388 = arith.constant 0 : i32
      %dma_start3A_389 = tpu.memref_slice %arg5[%rem3A_63, %dma_start3A_388] : memref<6x128xi32, #tpu.memory_space<vmem>> -> memref<1x128xi32, #tpu.memory_space<vmem>>
      %dma_start3A_390 = tpu.memref_squeeze %dma_start3A_389 : memref<1x128xi32, #tpu.memory_space<vmem>> -> memref<128xi32, #tpu.memory_space<vmem>>
      %dma_start3A_391 = tpu.memref_slice %arg3[%add3A_65] : memref<320000xi32, #tpu.memory_space<hbm>> -> memref<128xi32, #tpu.memory_space<hbm>>
      %dma_start3A_392 = arith.constant 0 : i32
      %dma_start3A_393 = tpu.memref_slice %arg5[%rem3A_63, %dma_start3A_392] : memref<6x128xi32, #tpu.memory_space<vmem>> -> memref<1x128xi32, #tpu.memory_space<vmem>>
      %dma_start3A_394 = tpu.memref_squeeze %dma_start3A_393 : memref<1x128xi32, #tpu.memory_space<vmem>> -> memref<128xi32, #tpu.memory_space<vmem>>
      %dma_start3A_395 = tpu.memref_slice %arg3[%add3A_65] : memref<320000xi32, #tpu.memory_space<hbm>> -> memref<128xi32, #tpu.memory_space<hbm>>
      tpu.enqueue_dma source(%dma_start3A_395 : memref<128xi32, #tpu.memory_space<hbm>>) target(%dma_start3A_394 : memref<128xi32, #tpu.memory_space<vmem>>) target_semaphore(%run_scoped3A_387 : memref<!tpu.dma_semaphore, #tpu.memory_space<semaphore_mem>>)
      %dma_wait3A_396 = arith.constant 0 : i32
      %dma_wait3A_397 = tpu.memref_slice %arg5[%rem3A_63, %dma_wait3A_396] : memref<6x128xi32, #tpu.memory_space<vmem>> -> memref<1x128xi32, #tpu.memory_space<vmem>>
      %dma_wait3A_398 = tpu.memref_squeeze %dma_wait3A_397 : memref<1x128xi32, #tpu.memory_space<vmem>> -> memref<128xi32, #tpu.memory_space<vmem>>
      %dma_wait3A_399 = tpu.memref_slice %arg3[%add3A_65] : memref<320000xi32, #tpu.memory_space<hbm>> -> memref<128xi32, #tpu.memory_space<hbm>>
      %dma_wait3A_400 = arith.constant 0 : i32
      %dma_wait3A_401 = tpu.memref_slice %arg5[%rem3A_63, %dma_wait3A_400] : memref<6x128xi32, #tpu.memory_space<vmem>> -> memref<1x128xi32, #tpu.memory_space<vmem>>
      %dma_wait3A_402 = tpu.memref_squeeze %dma_wait3A_401 : memref<1x128xi32, #tpu.memory_space<vmem>> -> memref<128xi32, #tpu.memory_space<vmem>>
      %dma_wait3A_403 = tpu.memref_slice %arg3[%add3A_65] : memref<320000xi32, #tpu.memory_space<hbm>> -> memref<128xi32, #tpu.memory_space<hbm>>
      tpu.wait_dma2 semaphore(%run_scoped3A_387 : memref<!tpu.dma_semaphore, #tpu.memory_space<semaphore_mem>>) src(%dma_wait3A_403 : memref<128xi32, #tpu.memory_space<hbm>>) dst(%dma_wait3A_402 : memref<128xi32, #tpu.memory_space<vmem>>)
      tpu.yield
    }) : () -> ()
    %dma_start3A_66 = arith.constant 0 : i32
    %dma_start3A_67 = arith.constant 0 : i32
    %dma_start3A_68 = tpu.memref_slice %arg6[%rem3A_63, %dma_start3A_66, %dma_start3A_67] : memref<6x128x128xf32, #tpu.memory_space<vmem>> -> memref<1x128x128xf32, #tpu.memory_space<vmem>>
    %dma_start3A_69 = tpu.memref_squeeze %dma_start3A_68 : memref<1x128x128xf32, #tpu.memory_space<vmem>> -> memref<128x128xf32, #tpu.memory_space<vmem>>
    %dma_start3A_70 = arith.constant 0 : i32
    %dma_start3A_71 = tpu.memref_slice %arg5[%rem3A_63, %dma_start3A_70] : memref<6x128xi32, #tpu.memory_space<vmem>> -> memref<1x128xi32, #tpu.memory_space<vmem>>
    %dma_start3A_72 = tpu.memref_squeeze %dma_start3A_71 : memref<1x128xi32, #tpu.memory_space<vmem>> -> memref<128xi32, #tpu.memory_space<vmem>>
    %dma_start3A_73 = arith.constant 0 : i32
    %dma_start3A_74 = arith.constant 0 : i32
    %dma_start3A_75 = tpu.memref_slice %arg2[%dma_start3A_73, %dma_start3A_74] : memref<160000x128xf32, #tpu.memory_space<hbm>> -> memref<160000x128xf32, #tpu.memory_space<hbm>>
    tpu.enqueue_indirect_dma source(%dma_start3A_75 : memref<160000x128xf32, #tpu.memory_space<hbm>>) target(%dma_start3A_69 : memref<128x128xf32, #tpu.memory_space<vmem>>) offsets(%dma_start3A_72 : memref<128xi32, #tpu.memory_space<vmem>>) semaphore(%arg7 : memref<!tpu.dma_semaphore, #tpu.memory_space<semaphore_mem>>)
    %rem3A_76 = arith.constant 0 : i32
    %rem3A_77 = arith.constant 6 : i32
    %rem3A_78 = arith.remsi %rem3A_76, %rem3A_77 : i32
    %add3A_79 = arith.constant 0 : i32
    %add3A_80 = arith.addi %mul3A_2, %add3A_79 : i32
    %dma_wait3A = arith.constant 0 : i32
    %dma_wait3A_81 = arith.constant 0 : i32
    %dma_wait3A_82 = tpu.memref_slice %arg6[%rem3A_78, %dma_wait3A, %dma_wait3A_81] : memref<6x128x128xf32, #tpu.memory_space<vmem>> -> memref<1x128x128xf32, #tpu.memory_space<vmem>>
    %dma_wait3A_83 = tpu.memref_squeeze %dma_wait3A_82 : memref<1x128x128xf32, #tpu.memory_space<vmem>> -> memref<128x128xf32, #tpu.memory_space<vmem>>
    %dma_wait3A_84 = arith.constant 0 : i32
    %dma_wait3A_85 = tpu.memref_slice %arg5[%rem3A_78, %dma_wait3A_84] : memref<6x128xi32, #tpu.memory_space<vmem>> -> memref<1x128xi32, #tpu.memory_space<vmem>>
    %dma_wait3A_86 = tpu.memref_squeeze %dma_wait3A_85 : memref<1x128xi32, #tpu.memory_space<vmem>> -> memref<128xi32, #tpu.memory_space<vmem>>
    %dma_wait3A_87 = arith.constant 0 : i32
    %dma_wait3A_88 = arith.constant 0 : i32
    %dma_wait3A_89 = tpu.memref_slice %arg2[%dma_wait3A_87, %dma_wait3A_88] : memref<160000x128xf32, #tpu.memory_space<hbm>> -> memref<160000x128xf32, #tpu.memory_space<hbm>>
    tpu.wait_indirect_dma semaphore(%arg7 : memref<!tpu.dma_semaphore, #tpu.memory_space<semaphore_mem>>) src(%dma_wait3A_89 : memref<160000x128xf32, #tpu.memory_space<hbm>>) dst(%dma_wait3A_83 : memref<128x128xf32, #tpu.memory_space<vmem>>)
    %dma_start3A_90 = arith.constant 0 : i32
    %dma_start3A_91 = arith.constant 0 : i32
    %dma_start3A_92 = tpu.memref_slice %arg6[%rem3A_78, %dma_start3A_90, %dma_start3A_91] : memref<6x128x128xf32, #tpu.memory_space<vmem>> -> memref<1x128x128xf32, #tpu.memory_space<vmem>>
    %dma_start3A_93 = tpu.memref_squeeze %dma_start3A_92 : memref<1x128x128xf32, #tpu.memory_space<vmem>> -> memref<128x128xf32, #tpu.memory_space<vmem>>
    %dma_start3A_94 = arith.constant 0 : i32
    %dma_start3A_95 = tpu.memref_slice %arg4[%add3A_80, %dma_start3A_94] : memref<320000x128xf32, #tpu.memory_space<hbm>> -> memref<128x128xf32, #tpu.memory_space<hbm>>
    %dma_start3A_96 = arith.constant 0 : i32
    %dma_start3A_97 = tpu.memref_slice %arg4[%add3A_80, %dma_start3A_96] : memref<320000x128xf32, #tpu.memory_space<hbm>> -> memref<128x128xf32, #tpu.memory_space<hbm>>
    %dma_start3A_98 = arith.constant 0 : i32
    %dma_start3A_99 = arith.constant 0 : i32
    %dma_start3A_100 = tpu.memref_slice %arg6[%rem3A_78, %dma_start3A_98, %dma_start3A_99] : memref<6x128x128xf32, #tpu.memory_space<vmem>> -> memref<1x128x128xf32, #tpu.memory_space<vmem>>
    %dma_start3A_101 = tpu.memref_squeeze %dma_start3A_100 : memref<1x128x128xf32, #tpu.memory_space<vmem>> -> memref<128x128xf32, #tpu.memory_space<vmem>>
    tpu.enqueue_dma source(%dma_start3A_101 : memref<128x128xf32, #tpu.memory_space<vmem>>) target(%dma_start3A_97 : memref<128x128xf32, #tpu.memory_space<hbm>>) target_semaphore(%arg8 : memref<!tpu.dma_semaphore, #tpu.memory_space<semaphore_mem>>)
    %rem3A_102 = arith.constant 5 : i32
    %rem3A_103 = arith.constant 6 : i32
    %rem3A_104 = arith.remsi %rem3A_102, %rem3A_103 : i32
    %add3A_105 = arith.constant 640 : i32
    %add3A_106 = arith.addi %mul3A_2, %add3A_105 : i32
    "tpu.region"() ({
      %run_scoped3A_387 = tpu.sem_alloc : memref<!tpu.dma_semaphore, #tpu.memory_space<semaphore_mem>>
      %dma_start3A_388 = arith.constant 0 : i32
      %dma_start3A_389 = tpu.memref_slice %arg5[%rem3A_104, %dma_start3A_388] : memref<6x128xi32, #tpu.memory_space<vmem>> -> memref<1x128xi32, #tpu.memory_space<vmem>>
      %dma_start3A_390 = tpu.memref_squeeze %dma_start3A_389 : memref<1x128xi32, #tpu.memory_space<vmem>> -> memref<128xi32, #tpu.memory_space<vmem>>
      %dma_start3A_391 = tpu.memref_slice %arg3[%add3A_106] : memref<320000xi32, #tpu.memory_space<hbm>> -> memref<128xi32, #tpu.memory_space<hbm>>
      %dma_start3A_392 = arith.constant 0 : i32
      %dma_start3A_393 = tpu.memref_slice %arg5[%rem3A_104, %dma_start3A_392] : memref<6x128xi32, #tpu.memory_space<vmem>> -> memref<1x128xi32, #tpu.memory_space<vmem>>
      %dma_start3A_394 = tpu.memref_squeeze %dma_start3A_393 : memref<1x128xi32, #tpu.memory_space<vmem>> -> memref<128xi32, #tpu.memory_space<vmem>>
      %dma_start3A_395 = tpu.memref_slice %arg3[%add3A_106] : memref<320000xi32, #tpu.memory_space<hbm>> -> memref<128xi32, #tpu.memory_space<hbm>>
      tpu.enqueue_dma source(%dma_start3A_395 : memref<128xi32, #tpu.memory_space<hbm>>) target(%dma_start3A_394 : memref<128xi32, #tpu.memory_space<vmem>>) target_semaphore(%run_scoped3A_387 : memref<!tpu.dma_semaphore, #tpu.memory_space<semaphore_mem>>)
      %dma_wait3A_396 = arith.constant 0 : i32
      %dma_wait3A_397 = tpu.memref_slice %arg5[%rem3A_104, %dma_wait3A_396] : memref<6x128xi32, #tpu.memory_space<vmem>> -> memref<1x128xi32, #tpu.memory_space<vmem>>
      %dma_wait3A_398 = tpu.memref_squeeze %dma_wait3A_397 : memref<1x128xi32, #tpu.memory_space<vmem>> -> memref<128xi32, #tpu.memory_space<vmem>>
      %dma_wait3A_399 = tpu.memref_slice %arg3[%add3A_106] : memref<320000xi32, #tpu.memory_space<hbm>> -> memref<128xi32, #tpu.memory_space<hbm>>
      %dma_wait3A_400 = arith.constant 0 : i32
      %dma_wait3A_401 = tpu.memref_slice %arg5[%rem3A_104, %dma_wait3A_400] : memref<6x128xi32, #tpu.memory_space<vmem>> -> memref<1x128xi32, #tpu.memory_space<vmem>>
      %dma_wait3A_402 = tpu.memref_squeeze %dma_wait3A_401 : memref<1x128xi32, #tpu.memory_space<vmem>> -> memref<128xi32, #tpu.memory_space<vmem>>
      %dma_wait3A_403 = tpu.memref_slice %arg3[%add3A_106] : memref<320000xi32, #tpu.memory_space<hbm>> -> memref<128xi32, #tpu.memory_space<hbm>>
      tpu.wait_dma2 semaphore(%run_scoped3A_387 : memref<!tpu.dma_semaphore, #tpu.memory_space<semaphore_mem>>) src(%dma_wait3A_403 : memref<128xi32, #tpu.memory_space<hbm>>) dst(%dma_wait3A_402 : memref<128xi32, #tpu.memory_space<vmem>>)
      tpu.yield
    }) : () -> ()
    %dma_start3A_107 = arith.constant 0 : i32
    %dma_start3A_108 = arith.constant 0 : i32
    %dma_start3A_109 = tpu.memref_slice %arg6[%rem3A_104, %dma_start3A_107, %dma_start3A_108] : memref<6x128x128xf32, #tpu.memory_space<vmem>> -> memref<1x128x128xf32, #tpu.memory_space<vmem>>
    %dma_start3A_110 = tpu.memref_squeeze %dma_start3A_109 : memref<1x128x128xf32, #tpu.memory_space<vmem>> -> memref<128x128xf32, #tpu.memory_space<vmem>>
    %dma_start3A_111 = arith.constant 0 : i32
    %dma_start3A_112 = tpu.memref_slice %arg5[%rem3A_104, %dma_start3A_111] : memref<6x128xi32, #tpu.memory_space<vmem>> -> memref<1x128xi32, #tpu.memory_space<vmem>>
    %dma_start3A_113 = tpu.memref_squeeze %dma_start3A_112 : memref<1x128xi32, #tpu.memory_space<vmem>> -> memref<128xi32, #tpu.memory_space<vmem>>
    %dma_start3A_114 = arith.constant 0 : i32
    %dma_start3A_115 = arith.constant 0 : i32
    %dma_start3A_116 = tpu.memref_slice %arg2[%dma_start3A_114, %dma_start3A_115] : memref<160000x128xf32, #tpu.memory_space<hbm>> -> memref<160000x128xf32, #tpu.memory_space<hbm>>
    tpu.enqueue_indirect_dma source(%dma_start3A_116 : memref<160000x128xf32, #tpu.memory_space<hbm>>) target(%dma_start3A_110 : memref<128x128xf32, #tpu.memory_space<vmem>>) offsets(%dma_start3A_113 : memref<128xi32, #tpu.memory_space<vmem>>) semaphore(%arg7 : memref<!tpu.dma_semaphore, #tpu.memory_space<semaphore_mem>>)
    %scan3A = arith.constant 0 : i32
    %scan3A_117 = arith.constant 1 : i32
    %scan3A_118 = arith.constant 72 : i32
    %scan3A_119 = arith.addi %scan3A_117, %scan3A_118 : i32
    %scan3A_120 = arith.constant 1 : i32
    %scan3A_121 = scf.for %scan3A_387 = %scan3A_117 to %scan3A_119 step %scan3A_120 iter_args(%scan3A_388 = %scan3A) -> (i32)  : i32 {
      %rem3A_389 = arith.constant 6 : i32
      %rem3A_390 = arith.remsi %scan3A_387, %rem3A_389 : i32
      %mul3A_391 = arith.constant 128 : i32
      %mul3A_392 = arith.muli %scan3A_387, %mul3A_391 : i32
      %add3A_393 = arith.addi %mul3A_2, %mul3A_392 : i32
      %dma_wait3A_394 = arith.constant 0 : i32
      %dma_wait3A_395 = arith.constant 0 : i32
      %dma_wait3A_396 = tpu.memref_slice %arg6[%rem3A_390, %dma_wait3A_394, %dma_wait3A_395] : memref<6x128x128xf32, #tpu.memory_space<vmem>> -> memref<1x128x128xf32, #tpu.memory_space<vmem>>
      %dma_wait3A_397 = tpu.memref_squeeze %dma_wait3A_396 : memref<1x128x128xf32, #tpu.memory_space<vmem>> -> memref<128x128xf32, #tpu.memory_space<vmem>>
      %dma_wait3A_398 = arith.constant 0 : i32
      %dma_wait3A_399 = tpu.memref_slice %arg5[%rem3A_390, %dma_wait3A_398] : memref<6x128xi32, #tpu.memory_space<vmem>> -> memref<1x128xi32, #tpu.memory_space<vmem>>
      %dma_wait3A_400 = tpu.memref_squeeze %dma_wait3A_399 : memref<1x128xi32, #tpu.memory_space<vmem>> -> memref<128xi32, #tpu.memory_space<vmem>>
      %dma_wait3A_401 = arith.constant 0 : i32
      %dma_wait3A_402 = arith.constant 0 : i32
      %dma_wait3A_403 = tpu.memref_slice %arg2[%dma_wait3A_401, %dma_wait3A_402] : memref<160000x128xf32, #tpu.memory_space<hbm>> -> memref<160000x128xf32, #tpu.memory_space<hbm>>
      tpu.wait_indirect_dma semaphore(%arg7 : memref<!tpu.dma_semaphore, #tpu.memory_space<semaphore_mem>>) src(%dma_wait3A_403 : memref<160000x128xf32, #tpu.memory_space<hbm>>) dst(%dma_wait3A_397 : memref<128x128xf32, #tpu.memory_space<vmem>>)
      %dma_start3A_404 = arith.constant 0 : i32
      %dma_start3A_405 = arith.constant 0 : i32
      %dma_start3A_406 = tpu.memref_slice %arg6[%rem3A_390, %dma_start3A_404, %dma_start3A_405] : memref<6x128x128xf32, #tpu.memory_space<vmem>> -> memref<1x128x128xf32, #tpu.memory_space<vmem>>
      %dma_start3A_407 = tpu.memref_squeeze %dma_start3A_406 : memref<1x128x128xf32, #tpu.memory_space<vmem>> -> memref<128x128xf32, #tpu.memory_space<vmem>>
      %dma_start3A_408 = arith.constant 0 : i32
      %dma_start3A_409 = tpu.memref_slice %arg4[%add3A_393, %dma_start3A_408] : memref<320000x128xf32, #tpu.memory_space<hbm>> -> memref<128x128xf32, #tpu.memory_space<hbm>>
      %dma_start3A_410 = arith.constant 0 : i32
      %dma_start3A_411 = tpu.memref_slice %arg4[%add3A_393, %dma_start3A_410] : memref<320000x128xf32, #tpu.memory_space<hbm>> -> memref<128x128xf32, #tpu.memory_space<hbm>>
      %dma_start3A_412 = arith.constant 0 : i32
      %dma_start3A_413 = arith.constant 0 : i32
      %dma_start3A_414 = tpu.memref_slice %arg6[%rem3A_390, %dma_start3A_412, %dma_start3A_413] : memref<6x128x128xf32, #tpu.memory_space<vmem>> -> memref<1x128x128xf32, #tpu.memory_space<vmem>>
      %dma_start3A_415 = tpu.memref_squeeze %dma_start3A_414 : memref<1x128x128xf32, #tpu.memory_space<vmem>> -> memref<128x128xf32, #tpu.memory_space<vmem>>
      tpu.enqueue_dma source(%dma_start3A_415 : memref<128x128xf32, #tpu.memory_space<vmem>>) target(%dma_start3A_411 : memref<128x128xf32, #tpu.memory_space<hbm>>) target_semaphore(%arg8 : memref<!tpu.dma_semaphore, #tpu.memory_space<semaphore_mem>>)
      %sub3A = arith.constant 1 : i32
      %sub3A_416 = arith.subi %scan3A_387, %sub3A : i32
      %rem3A_417 = arith.constant 6 : i32
      %rem3A_418 = arith.remsi %sub3A_416, %rem3A_417 : i32
      %mul3A_419 = arith.constant 128 : i32
      %mul3A_420 = arith.muli %sub3A_416, %mul3A_419 : i32
      %add3A_421 = arith.addi %mul3A_2, %mul3A_420 : i32
      %dma_wait3A_422 = arith.constant 0 : i32
      %dma_wait3A_423 = arith.constant 0 : i32
      %dma_wait3A_424 = tpu.memref_slice %arg6[%rem3A_418, %dma_wait3A_422, %dma_wait3A_423] : memref<6x128x128xf32, #tpu.memory_space<vmem>> -> memref<1x128x128xf32, #tpu.memory_space<vmem>>
      %dma_wait3A_425 = tpu.memref_squeeze %dma_wait3A_424 : memref<1x128x128xf32, #tpu.memory_space<vmem>> -> memref<128x128xf32, #tpu.memory_space<vmem>>
      %dma_wait3A_426 = arith.constant 0 : i32
      %dma_wait3A_427 = tpu.memref_slice %arg4[%add3A_421, %dma_wait3A_426] : memref<320000x128xf32, #tpu.memory_space<hbm>> -> memref<128x128xf32, #tpu.memory_space<hbm>>
      %dma_wait3A_428 = arith.constant 0 : i32
      %dma_wait3A_429 = tpu.memref_slice %arg4[%add3A_421, %dma_wait3A_428] : memref<320000x128xf32, #tpu.memory_space<hbm>> -> memref<128x128xf32, #tpu.memory_space<hbm>>
      %dma_wait3A_430 = arith.constant 0 : i32
      %dma_wait3A_431 = arith.constant 0 : i32
      %dma_wait3A_432 = tpu.memref_slice %arg6[%rem3A_418, %dma_wait3A_430, %dma_wait3A_431] : memref<6x128x128xf32, #tpu.memory_space<vmem>> -> memref<1x128x128xf32, #tpu.memory_space<vmem>>
      %dma_wait3A_433 = tpu.memref_squeeze %dma_wait3A_432 : memref<1x128x128xf32, #tpu.memory_space<vmem>> -> memref<128x128xf32, #tpu.memory_space<vmem>>
      tpu.wait_dma2 semaphore(%arg8 : memref<!tpu.dma_semaphore, #tpu.memory_space<semaphore_mem>>) src(%dma_wait3A_433 : memref<128x128xf32, #tpu.memory_space<vmem>>) dst(%dma_wait3A_429 : memref<128x128xf32, #tpu.memory_space<hbm>>)
      %add3A_434 = arith.constant 6 : i32
      %add3A_435 = arith.addi %scan3A_387, %add3A_434 : i32
      %sub3A_436 = arith.constant 1 : i32
      %sub3A_437 = arith.subi %add3A_435, %sub3A_436 : i32
      %rem3A_438 = arith.constant 6 : i32
      %rem3A_439 = arith.remsi %sub3A_437, %rem3A_438 : i32
      %mul3A_440 = arith.constant 128 : i32
      %mul3A_441 = arith.muli %sub3A_437, %mul3A_440 : i32
      %add3A_442 = arith.addi %mul3A_2, %mul3A_441 : i32
      "tpu.region"() ({
        %run_scoped3A_454 = tpu.sem_alloc : memref<!tpu.dma_semaphore, #tpu.memory_space<semaphore_mem>>
        %dma_start3A_455 = arith.constant 0 : i32
        %dma_start3A_456 = tpu.memref_slice %arg5[%rem3A_439, %dma_start3A_455] : memref<6x128xi32, #tpu.memory_space<vmem>> -> memref<1x128xi32, #tpu.memory_space<vmem>>
        %dma_start3A_457 = tpu.memref_squeeze %dma_start3A_456 : memref<1x128xi32, #tpu.memory_space<vmem>> -> memref<128xi32, #tpu.memory_space<vmem>>
        %dma_start3A_458 = tpu.memref_slice %arg3[%add3A_442] : memref<320000xi32, #tpu.memory_space<hbm>> -> memref<128xi32, #tpu.memory_space<hbm>>
        %dma_start3A_459 = arith.constant 0 : i32
        %dma_start3A_460 = tpu.memref_slice %arg5[%rem3A_439, %dma_start3A_459] : memref<6x128xi32, #tpu.memory_space<vmem>> -> memref<1x128xi32, #tpu.memory_space<vmem>>
        %dma_start3A_461 = tpu.memref_squeeze %dma_start3A_460 : memref<1x128xi32, #tpu.memory_space<vmem>> -> memref<128xi32, #tpu.memory_space<vmem>>
        %dma_start3A_462 = tpu.memref_slice %arg3[%add3A_442] : memref<320000xi32, #tpu.memory_space<hbm>> -> memref<128xi32, #tpu.memory_space<hbm>>
        tpu.enqueue_dma source(%dma_start3A_462 : memref<128xi32, #tpu.memory_space<hbm>>) target(%dma_start3A_461 : memref<128xi32, #tpu.memory_space<vmem>>) target_semaphore(%run_scoped3A_454 : memref<!tpu.dma_semaphore, #tpu.memory_space<semaphore_mem>>)
        %dma_wait3A_463 = arith.constant 0 : i32
        %dma_wait3A_464 = tpu.memref_slice %arg5[%rem3A_439, %dma_wait3A_463] : memref<6x128xi32, #tpu.memory_space<vmem>> -> memref<1x128xi32, #tpu.memory_space<vmem>>
        %dma_wait3A_465 = tpu.memref_squeeze %dma_wait3A_464 : memref<1x128xi32, #tpu.memory_space<vmem>> -> memref<128xi32, #tpu.memory_space<vmem>>
        %dma_wait3A_466 = tpu.memref_slice %arg3[%add3A_442] : memref<320000xi32, #tpu.memory_space<hbm>> -> memref<128xi32, #tpu.memory_space<hbm>>
        %dma_wait3A_467 = arith.constant 0 : i32
        %dma_wait3A_468 = tpu.memref_slice %arg5[%rem3A_439, %dma_wait3A_467] : memref<6x128xi32, #tpu.memory_space<vmem>> -> memref<1x128xi32, #tpu.memory_space<vmem>>
        %dma_wait3A_469 = tpu.memref_squeeze %dma_wait3A_468 : memref<1x128xi32, #tpu.memory_space<vmem>> -> memref<128xi32, #tpu.memory_space<vmem>>
        %dma_wait3A_470 = tpu.memref_slice %arg3[%add3A_442] : memref<320000xi32, #tpu.memory_space<hbm>> -> memref<128xi32, #tpu.memory_space<hbm>>
        tpu.wait_dma2 semaphore(%run_scoped3A_454 : memref<!tpu.dma_semaphore, #tpu.memory_space<semaphore_mem>>) src(%dma_wait3A_470 : memref<128xi32, #tpu.memory_space<hbm>>) dst(%dma_wait3A_469 : memref<128xi32, #tpu.memory_space<vmem>>)
        tpu.yield
      }) : () -> ()
      %dma_start3A_443 = arith.constant 0 : i32
      %dma_start3A_444 = arith.constant 0 : i32
      %dma_start3A_445 = tpu.memref_slice %arg6[%rem3A_439, %dma_start3A_443, %dma_start3A_444] : memref<6x128x128xf32, #tpu.memory_space<vmem>> -> memref<1x128x128xf32, #tpu.memory_space<vmem>>
      %dma_start3A_446 = tpu.memref_squeeze %dma_start3A_445 : memref<1x128x128xf32, #tpu.memory_space<vmem>> -> memref<128x128xf32, #tpu.memory_space<vmem>>
      %dma_start3A_447 = arith.constant 0 : i32
      %dma_start3A_448 = tpu.memref_slice %arg5[%rem3A_439, %dma_start3A_447] : memref<6x128xi32, #tpu.memory_space<vmem>> -> memref<1x128xi32, #tpu.memory_space<vmem>>
      %dma_start3A_449 = tpu.memref_squeeze %dma_start3A_448 : memref<1x128xi32, #tpu.memory_space<vmem>> -> memref<128xi32, #tpu.memory_space<vmem>>
      %dma_start3A_450 = arith.constant 0 : i32
      %dma_start3A_451 = arith.constant 0 : i32
      %dma_start3A_452 = tpu.memref_slice %arg2[%dma_start3A_450, %dma_start3A_451] : memref<160000x128xf32, #tpu.memory_space<hbm>> -> memref<160000x128xf32, #tpu.memory_space<hbm>>
      tpu.enqueue_indirect_dma source(%dma_start3A_452 : memref<160000x128xf32, #tpu.memory_space<hbm>>) target(%dma_start3A_446 : memref<128x128xf32, #tpu.memory_space<vmem>>) offsets(%dma_start3A_449 : memref<128xi32, #tpu.memory_space<vmem>>) semaphore(%arg7 : memref<!tpu.dma_semaphore, #tpu.memory_space<semaphore_mem>>)
      %scan3A_453 = arith.constant 0 : i32
      scf.yield %scan3A_453 : i32
    }
    %scan3A_122 = arith.constant 72 : i32
    %rem3A_123 = arith.constant 73 : i32
    %rem3A_124 = arith.constant 6 : i32
    %rem3A_125 = arith.remsi %rem3A_123, %rem3A_124 : i32
    %add3A_126 = arith.constant 9344 : i32
    %add3A_127 = arith.addi %mul3A_2, %add3A_126 : i32
    %dma_wait3A_128 = arith.constant 0 : i32
    %dma_wait3A_129 = arith.constant 0 : i32
    %dma_wait3A_130 = tpu.memref_slice %arg6[%rem3A_125, %dma_wait3A_128, %dma_wait3A_129] : memref<6x128x128xf32, #tpu.memory_space<vmem>> -> memref<1x128x128xf32, #tpu.memory_space<vmem>>
    %dma_wait3A_131 = tpu.memref_squeeze %dma_wait3A_130 : memref<1x128x128xf32, #tpu.memory_space<vmem>> -> memref<128x128xf32, #tpu.memory_space<vmem>>
    %dma_wait3A_132 = arith.constant 0 : i32
    %dma_wait3A_133 = tpu.memref_slice %arg5[%rem3A_125, %dma_wait3A_132] : memref<6x128xi32, #tpu.memory_space<vmem>> -> memref<1x128xi32, #tpu.memory_space<vmem>>
    %dma_wait3A_134 = tpu.memref_squeeze %dma_wait3A_133 : memref<1x128xi32, #tpu.memory_space<vmem>> -> memref<128xi32, #tpu.memory_space<vmem>>
    %dma_wait3A_135 = arith.constant 0 : i32
    %dma_wait3A_136 = arith.constant 0 : i32
    %dma_wait3A_137 = tpu.memref_slice %arg2[%dma_wait3A_135, %dma_wait3A_136] : memref<160000x128xf32, #tpu.memory_space<hbm>> -> memref<160000x128xf32, #tpu.memory_space<hbm>>
    tpu.wait_indirect_dma semaphore(%arg7 : memref<!tpu.dma_semaphore, #tpu.memory_space<semaphore_mem>>) src(%dma_wait3A_137 : memref<160000x128xf32, #tpu.memory_space<hbm>>) dst(%dma_wait3A_131 : memref<128x128xf32, #tpu.memory_space<vmem>>)
    %dma_start3A_138 = arith.constant 0 : i32
    %dma_start3A_139 = arith.constant 0 : i32
    %dma_start3A_140 = tpu.memref_slice %arg6[%rem3A_125, %dma_start3A_138, %dma_start3A_139] : memref<6x128x128xf32, #tpu.memory_space<vmem>> -> memref<1x128x128xf32, #tpu.memory_space<vmem>>
    %dma_start3A_141 = tpu.memref_squeeze %dma_start3A_140 : memref<1x128x128xf32, #tpu.memory_space<vmem>> -> memref<128x128xf32, #tpu.memory_space<vmem>>
    %dma_start3A_142 = arith.constant 0 : i32
    %dma_start3A_143 = tpu.memref_slice %arg4[%add3A_127, %dma_start3A_142] : memref<320000x128xf32, #tpu.memory_space<hbm>> -> memref<128x128xf32, #tpu.memory_space<hbm>>
    %dma_start3A_144 = arith.constant 0 : i32
    %dma_start3A_145 = tpu.memref_slice %arg4[%add3A_127, %dma_start3A_144] : memref<320000x128xf32, #tpu.memory_space<hbm>> -> memref<128x128xf32, #tpu.memory_space<hbm>>
    %dma_start3A_146 = arith.constant 0 : i32
    %dma_start3A_147 = arith.constant 0 : i32
    %dma_start3A_148 = tpu.memref_slice %arg6[%rem3A_125, %dma_start3A_146, %dma_start3A_147] : memref<6x128x128xf32, #tpu.memory_space<vmem>> -> memref<1x128x128xf32, #tpu.memory_space<vmem>>
    %dma_start3A_149 = tpu.memref_squeeze %dma_start3A_148 : memref<1x128x128xf32, #tpu.memory_space<vmem>> -> memref<128x128xf32, #tpu.memory_space<vmem>>
    tpu.enqueue_dma source(%dma_start3A_149 : memref<128x128xf32, #tpu.memory_space<vmem>>) target(%dma_start3A_145 : memref<128x128xf32, #tpu.memory_space<hbm>>) target_semaphore(%arg8 : memref<!tpu.dma_semaphore, #tpu.memory_space<semaphore_mem>>)
    %rem3A_150 = arith.constant 72 : i32
    %rem3A_151 = arith.constant 6 : i32
    %rem3A_152 = arith.remsi %rem3A_150, %rem3A_151 : i32
    %add3A_153 = arith.constant 9216 : i32
    %add3A_154 = arith.addi %mul3A_2, %add3A_153 : i32
    %dma_wait3A_155 = arith.constant 0 : i32
    %dma_wait3A_156 = arith.constant 0 : i32
    %dma_wait3A_157 = tpu.memref_slice %arg6[%rem3A_152, %dma_wait3A_155, %dma_wait3A_156] : memref<6x128x128xf32, #tpu.memory_space<vmem>> -> memref<1x128x128xf32, #tpu.memory_space<vmem>>
    %dma_wait3A_158 = tpu.memref_squeeze %dma_wait3A_157 : memref<1x128x128xf32, #tpu.memory_space<vmem>> -> memref<128x128xf32, #tpu.memory_space<vmem>>
    %dma_wait3A_159 = arith.constant 0 : i32
    %dma_wait3A_160 = tpu.memref_slice %arg4[%add3A_154, %dma_wait3A_159] : memref<320000x128xf32, #tpu.memory_space<hbm>> -> memref<128x128xf32, #tpu.memory_space<hbm>>
    %dma_wait3A_161 = arith.constant 0 : i32
    %dma_wait3A_162 = tpu.memref_slice %arg4[%add3A_154, %dma_wait3A_161] : memref<320000x128xf32, #tpu.memory_space<hbm>> -> memref<128x128xf32, #tpu.memory_space<hbm>>
    %dma_wait3A_163 = arith.constant 0 : i32
    %dma_wait3A_164 = arith.constant 0 : i32
    %dma_wait3A_165 = tpu.memref_slice %arg6[%rem3A_152, %dma_wait3A_163, %dma_wait3A_164] : memref<6x128x128xf32, #tpu.memory_space<vmem>> -> memref<1x128x128xf32, #tpu.memory_space<vmem>>
    %dma_wait3A_166 = tpu.memref_squeeze %dma_wait3A_165 : memref<1x128x128xf32, #tpu.memory_space<vmem>> -> memref<128x128xf32, #tpu.memory_space<vmem>>
    tpu.wait_dma2 semaphore(%arg8 : memref<!tpu.dma_semaphore, #tpu.memory_space<semaphore_mem>>) src(%dma_wait3A_166 : memref<128x128xf32, #tpu.memory_space<vmem>>) dst(%dma_wait3A_162 : memref<128x128xf32, #tpu.memory_space<hbm>>)
    %rem3A_167 = arith.constant 74 : i32
    %rem3A_168 = arith.constant 6 : i32
    %rem3A_169 = arith.remsi %rem3A_167, %rem3A_168 : i32
    %add3A_170 = arith.constant 9472 : i32
    %add3A_171 = arith.addi %mul3A_2, %add3A_170 : i32
    %dma_wait3A_172 = arith.constant 0 : i32
    %dma_wait3A_173 = arith.constant 0 : i32
    %dma_wait3A_174 = tpu.memref_slice %arg6[%rem3A_169, %dma_wait3A_172, %dma_wait3A_173] : memref<6x128x128xf32, #tpu.memory_space<vmem>> -> memref<1x128x128xf32, #tpu.memory_space<vmem>>
    %dma_wait3A_175 = tpu.memref_squeeze %dma_wait3A_174 : memref<1x128x128xf32, #tpu.memory_space<vmem>> -> memref<128x128xf32, #tpu.memory_space<vmem>>
    %dma_wait3A_176 = arith.constant 0 : i32
    %dma_wait3A_177 = tpu.memref_slice %arg5[%rem3A_169, %dma_wait3A_176] : memref<6x128xi32, #tpu.memory_space<vmem>> -> memref<1x128xi32, #tpu.memory_space<vmem>>
    %dma_wait3A_178 = tpu.memref_squeeze %dma_wait3A_177 : memref<1x128xi32, #tpu.memory_space<vmem>> -> memref<128xi32, #tpu.memory_space<vmem>>
    %dma_wait3A_179 = arith.constant 0 : i32
    %dma_wait3A_180 = arith.constant 0 : i32
    %dma_wait3A_181 = tpu.memref_slice %arg2[%dma_wait3A_179, %dma_wait3A_180] : memref<160000x128xf32, #tpu.memory_space<hbm>> -> memref<160000x128xf32, #tpu.memory_space<hbm>>
    tpu.wait_indirect_dma semaphore(%arg7 : memref<!tpu.dma_semaphore, #tpu.memory_space<semaphore_mem>>) src(%dma_wait3A_181 : memref<160000x128xf32, #tpu.memory_space<hbm>>) dst(%dma_wait3A_175 : memref<128x128xf32, #tpu.memory_space<vmem>>)
    %dma_start3A_182 = arith.constant 0 : i32
    %dma_start3A_183 = arith.constant 0 : i32
    %dma_start3A_184 = tpu.memref_slice %arg6[%rem3A_169, %dma_start3A_182, %dma_start3A_183] : memref<6x128x128xf32, #tpu.memory_space<vmem>> -> memref<1x128x128xf32, #tpu.memory_space<vmem>>
    %dma_start3A_185 = tpu.memref_squeeze %dma_start3A_184 : memref<1x128x128xf32, #tpu.memory_space<vmem>> -> memref<128x128xf32, #tpu.memory_space<vmem>>
    %dma_start3A_186 = arith.constant 0 : i32
    %dma_start3A_187 = tpu.memref_slice %arg4[%add3A_171, %dma_start3A_186] : memref<320000x128xf32, #tpu.memory_space<hbm>> -> memref<128x128xf32, #tpu.memory_space<hbm>>
    %dma_start3A_188 = arith.constant 0 : i32
    %dma_start3A_189 = tpu.memref_slice %arg4[%add3A_171, %dma_start3A_188] : memref<320000x128xf32, #tpu.memory_space<hbm>> -> memref<128x128xf32, #tpu.memory_space<hbm>>
    %dma_start3A_190 = arith.constant 0 : i32
    %dma_start3A_191 = arith.constant 0 : i32
    %dma_start3A_192 = tpu.memref_slice %arg6[%rem3A_169, %dma_start3A_190, %dma_start3A_191] : memref<6x128x128xf32, #tpu.memory_space<vmem>> -> memref<1x128x128xf32, #tpu.memory_space<vmem>>
    %dma_start3A_193 = tpu.memref_squeeze %dma_start3A_192 : memref<1x128x128xf32, #tpu.memory_space<vmem>> -> memref<128x128xf32, #tpu.memory_space<vmem>>
    tpu.enqueue_dma source(%dma_start3A_193 : memref<128x128xf32, #tpu.memory_space<vmem>>) target(%dma_start3A_189 : memref<128x128xf32, #tpu.memory_space<hbm>>) target_semaphore(%arg8 : memref<!tpu.dma_semaphore, #tpu.memory_space<semaphore_mem>>)
    %rem3A_194 = arith.constant 73 : i32
    %rem3A_195 = arith.constant 6 : i32
    %rem3A_196 = arith.remsi %rem3A_194, %rem3A_195 : i32
    %add3A_197 = arith.constant 9344 : i32
    %add3A_198 = arith.addi %mul3A_2, %add3A_197 : i32
    %dma_wait3A_199 = arith.constant 0 : i32
    %dma_wait3A_200 = arith.constant 0 : i32
    %dma_wait3A_201 = tpu.memref_slice %arg6[%rem3A_196, %dma_wait3A_199, %dma_wait3A_200] : memref<6x128x128xf32, #tpu.memory_space<vmem>> -> memref<1x128x128xf32, #tpu.memory_space<vmem>>
    %dma_wait3A_202 = tpu.memref_squeeze %dma_wait3A_201 : memref<1x128x128xf32, #tpu.memory_space<vmem>> -> memref<128x128xf32, #tpu.memory_space<vmem>>
    %dma_wait3A_203 = arith.constant 0 : i32
    %dma_wait3A_204 = tpu.memref_slice %arg4[%add3A_198, %dma_wait3A_203] : memref<320000x128xf32, #tpu.memory_space<hbm>> -> memref<128x128xf32, #tpu.memory_space<hbm>>
    %dma_wait3A_205 = arith.constant 0 : i32
    %dma_wait3A_206 = tpu.memref_slice %arg4[%add3A_198, %dma_wait3A_205] : memref<320000x128xf32, #tpu.memory_space<hbm>> -> memref<128x128xf32, #tpu.memory_space<hbm>>
    %dma_wait3A_207 = arith.constant 0 : i32
    %dma_wait3A_208 = arith.constant 0 : i32
    %dma_wait3A_209 = tpu.memref_slice %arg6[%rem3A_196, %dma_wait3A_207, %dma_wait3A_208] : memref<6x128x128xf32, #tpu.memory_space<vmem>> -> memref<1x128x128xf32, #tpu.memory_space<vmem>>
    %dma_wait3A_210 = tpu.memref_squeeze %dma_wait3A_209 : memref<1x128x128xf32, #tpu.memory_space<vmem>> -> memref<128x128xf32, #tpu.memory_space<vmem>>
    tpu.wait_dma2 semaphore(%arg8 : memref<!tpu.dma_semaphore, #tpu.memory_space<semaphore_mem>>) src(%dma_wait3A_210 : memref<128x128xf32, #tpu.memory_space<vmem>>) dst(%dma_wait3A_206 : memref<128x128xf32, #tpu.memory_space<hbm>>)
    %rem3A_211 = arith.constant 75 : i32
    %rem3A_212 = arith.constant 6 : i32
    %rem3A_213 = arith.remsi %rem3A_211, %rem3A_212 : i32
    %add3A_214 = arith.constant 9600 : i32
    %add3A_215 = arith.addi %mul3A_2, %add3A_214 : i32
    %dma_wait3A_216 = arith.constant 0 : i32
    %dma_wait3A_217 = arith.constant 0 : i32
    %dma_wait3A_218 = tpu.memref_slice %arg6[%rem3A_213, %dma_wait3A_216, %dma_wait3A_217] : memref<6x128x128xf32, #tpu.memory_space<vmem>> -> memref<1x128x128xf32, #tpu.memory_space<vmem>>
    %dma_wait3A_219 = tpu.memref_squeeze %dma_wait3A_218 : memref<1x128x128xf32, #tpu.memory_space<vmem>> -> memref<128x128xf32, #tpu.memory_space<vmem>>
    %dma_wait3A_220 = arith.constant 0 : i32
    %dma_wait3A_221 = tpu.memref_slice %arg5[%rem3A_213, %dma_wait3A_220] : memref<6x128xi32, #tpu.memory_space<vmem>> -> memref<1x128xi32, #tpu.memory_space<vmem>>
    %dma_wait3A_222 = tpu.memref_squeeze %dma_wait3A_221 : memref<1x128xi32, #tpu.memory_space<vmem>> -> memref<128xi32, #tpu.memory_space<vmem>>
    %dma_wait3A_223 = arith.constant 0 : i32
    %dma_wait3A_224 = arith.constant 0 : i32
    %dma_wait3A_225 = tpu.memref_slice %arg2[%dma_wait3A_223, %dma_wait3A_224] : memref<160000x128xf32, #tpu.memory_space<hbm>> -> memref<160000x128xf32, #tpu.memory_space<hbm>>
    tpu.wait_indirect_dma semaphore(%arg7 : memref<!tpu.dma_semaphore, #tpu.memory_space<semaphore_mem>>) src(%dma_wait3A_225 : memref<160000x128xf32, #tpu.memory_space<hbm>>) dst(%dma_wait3A_219 : memref<128x128xf32, #tpu.memory_space<vmem>>)
    %dma_start3A_226 = arith.constant 0 : i32
    %dma_start3A_227 = arith.constant 0 : i32
    %dma_start3A_228 = tpu.memref_slice %arg6[%rem3A_213, %dma_start3A_226, %dma_start3A_227] : memref<6x128x128xf32, #tpu.memory_space<vmem>> -> memref<1x128x128xf32, #tpu.memory_space<vmem>>
    %dma_start3A_229 = tpu.memref_squeeze %dma_start3A_228 : memref<1x128x128xf32, #tpu.memory_space<vmem>> -> memref<128x128xf32, #tpu.memory_space<vmem>>
    %dma_start3A_230 = arith.constant 0 : i32
    %dma_start3A_231 = tpu.memref_slice %arg4[%add3A_215, %dma_start3A_230] : memref<320000x128xf32, #tpu.memory_space<hbm>> -> memref<128x128xf32, #tpu.memory_space<hbm>>
    %dma_start3A_232 = arith.constant 0 : i32
    %dma_start3A_233 = tpu.memref_slice %arg4[%add3A_215, %dma_start3A_232] : memref<320000x128xf32, #tpu.memory_space<hbm>> -> memref<128x128xf32, #tpu.memory_space<hbm>>
    %dma_start3A_234 = arith.constant 0 : i32
    %dma_start3A_235 = arith.constant 0 : i32
    %dma_start3A_236 = tpu.memref_slice %arg6[%rem3A_213, %dma_start3A_234, %dma_start3A_235] : memref<6x128x128xf32, #tpu.memory_space<vmem>> -> memref<1x128x128xf32, #tpu.memory_space<vmem>>
    %dma_start3A_237 = tpu.memref_squeeze %dma_start3A_236 : memref<1x128x128xf32, #tpu.memory_space<vmem>> -> memref<128x128xf32, #tpu.memory_space<vmem>>
    tpu.enqueue_dma source(%dma_start3A_237 : memref<128x128xf32, #tpu.memory_space<vmem>>) target(%dma_start3A_233 : memref<128x128xf32, #tpu.memory_space<hbm>>) target_semaphore(%arg8 : memref<!tpu.dma_semaphore, #tpu.memory_space<semaphore_mem>>)
    %rem3A_238 = arith.constant 74 : i32
    %rem3A_239 = arith.constant 6 : i32
    %rem3A_240 = arith.remsi %rem3A_238, %rem3A_239 : i32
    %add3A_241 = arith.constant 9472 : i32
    %add3A_242 = arith.addi %mul3A_2, %add3A_241 : i32
    %dma_wait3A_243 = arith.constant 0 : i32
    %dma_wait3A_244 = arith.constant 0 : i32
    %dma_wait3A_245 = tpu.memref_slice %arg6[%rem3A_240, %dma_wait3A_243, %dma_wait3A_244] : memref<6x128x128xf32, #tpu.memory_space<vmem>> -> memref<1x128x128xf32, #tpu.memory_space<vmem>>
    %dma_wait3A_246 = tpu.memref_squeeze %dma_wait3A_245 : memref<1x128x128xf32, #tpu.memory_space<vmem>> -> memref<128x128xf32, #tpu.memory_space<vmem>>
    %dma_wait3A_247 = arith.constant 0 : i32
    %dma_wait3A_248 = tpu.memref_slice %arg4[%add3A_242, %dma_wait3A_247] : memref<320000x128xf32, #tpu.memory_space<hbm>> -> memref<128x128xf32, #tpu.memory_space<hbm>>
    %dma_wait3A_249 = arith.constant 0 : i32
    %dma_wait3A_250 = tpu.memref_slice %arg4[%add3A_242, %dma_wait3A_249] : memref<320000x128xf32, #tpu.memory_space<hbm>> -> memref<128x128xf32, #tpu.memory_space<hbm>>
    %dma_wait3A_251 = arith.constant 0 : i32
    %dma_wait3A_252 = arith.constant 0 : i32
    %dma_wait3A_253 = tpu.memref_slice %arg6[%rem3A_240, %dma_wait3A_251, %dma_wait3A_252] : memref<6x128x128xf32, #tpu.memory_space<vmem>> -> memref<1x128x128xf32, #tpu.memory_space<vmem>>
    %dma_wait3A_254 = tpu.memref_squeeze %dma_wait3A_253 : memref<1x128x128xf32, #tpu.memory_space<vmem>> -> memref<128x128xf32, #tpu.memory_space<vmem>>
    tpu.wait_dma2 semaphore(%arg8 : memref<!tpu.dma_semaphore, #tpu.memory_space<semaphore_mem>>) src(%dma_wait3A_254 : memref<128x128xf32, #tpu.memory_space<vmem>>) dst(%dma_wait3A_250 : memref<128x128xf32, #tpu.memory_space<hbm>>)
    %rem3A_255 = arith.constant 76 : i32
    %rem3A_256 = arith.constant 6 : i32
    %rem3A_257 = arith.remsi %rem3A_255, %rem3A_256 : i32
    %add3A_258 = arith.constant 9728 : i32
    %add3A_259 = arith.addi %mul3A_2, %add3A_258 : i32
    %dma_wait3A_260 = arith.constant 0 : i32
    %dma_wait3A_261 = arith.constant 0 : i32
    %dma_wait3A_262 = tpu.memref_slice %arg6[%rem3A_257, %dma_wait3A_260, %dma_wait3A_261] : memref<6x128x128xf32, #tpu.memory_space<vmem>> -> memref<1x128x128xf32, #tpu.memory_space<vmem>>
    %dma_wait3A_263 = tpu.memref_squeeze %dma_wait3A_262 : memref<1x128x128xf32, #tpu.memory_space<vmem>> -> memref<128x128xf32, #tpu.memory_space<vmem>>
    %dma_wait3A_264 = arith.constant 0 : i32
    %dma_wait3A_265 = tpu.memref_slice %arg5[%rem3A_257, %dma_wait3A_264] : memref<6x128xi32, #tpu.memory_space<vmem>> -> memref<1x128xi32, #tpu.memory_space<vmem>>
    %dma_wait3A_266 = tpu.memref_squeeze %dma_wait3A_265 : memref<1x128xi32, #tpu.memory_space<vmem>> -> memref<128xi32, #tpu.memory_space<vmem>>
    %dma_wait3A_267 = arith.constant 0 : i32
    %dma_wait3A_268 = arith.constant 0 : i32
    %dma_wait3A_269 = tpu.memref_slice %arg2[%dma_wait3A_267, %dma_wait3A_268] : memref<160000x128xf32, #tpu.memory_space<hbm>> -> memref<160000x128xf32, #tpu.memory_space<hbm>>
    tpu.wait_indirect_dma semaphore(%arg7 : memref<!tpu.dma_semaphore, #tpu.memory_space<semaphore_mem>>) src(%dma_wait3A_269 : memref<160000x128xf32, #tpu.memory_space<hbm>>) dst(%dma_wait3A_263 : memref<128x128xf32, #tpu.memory_space<vmem>>)
    %dma_start3A_270 = arith.constant 0 : i32
    %dma_start3A_271 = arith.constant 0 : i32
    %dma_start3A_272 = tpu.memref_slice %arg6[%rem3A_257, %dma_start3A_270, %dma_start3A_271] : memref<6x128x128xf32, #tpu.memory_space<vmem>> -> memref<1x128x128xf32, #tpu.memory_space<vmem>>
    %dma_start3A_273 = tpu.memref_squeeze %dma_start3A_272 : memref<1x128x128xf32, #tpu.memory_space<vmem>> -> memref<128x128xf32, #tpu.memory_space<vmem>>
    %dma_start3A_274 = arith.constant 0 : i32
    %dma_start3A_275 = tpu.memref_slice %arg4[%add3A_259, %dma_start3A_274] : memref<320000x128xf32, #tpu.memory_space<hbm>> -> memref<128x128xf32, #tpu.memory_space<hbm>>
    %dma_start3A_276 = arith.constant 0 : i32
    %dma_start3A_277 = tpu.memref_slice %arg4[%add3A_259, %dma_start3A_276] : memref<320000x128xf32, #tpu.memory_space<hbm>> -> memref<128x128xf32, #tpu.memory_space<hbm>>
    %dma_start3A_278 = arith.constant 0 : i32
    %dma_start3A_279 = arith.constant 0 : i32
    %dma_start3A_280 = tpu.memref_slice %arg6[%rem3A_257, %dma_start3A_278, %dma_start3A_279] : memref<6x128x128xf32, #tpu.memory_space<vmem>> -> memref<1x128x128xf32, #tpu.memory_space<vmem>>
    %dma_start3A_281 = tpu.memref_squeeze %dma_start3A_280 : memref<1x128x128xf32, #tpu.memory_space<vmem>> -> memref<128x128xf32, #tpu.memory_space<vmem>>
    tpu.enqueue_dma source(%dma_start3A_281 : memref<128x128xf32, #tpu.memory_space<vmem>>) target(%dma_start3A_277 : memref<128x128xf32, #tpu.memory_space<hbm>>) target_semaphore(%arg8 : memref<!tpu.dma_semaphore, #tpu.memory_space<semaphore_mem>>)
    %rem3A_282 = arith.constant 75 : i32
    %rem3A_283 = arith.constant 6 : i32
    %rem3A_284 = arith.remsi %rem3A_282, %rem3A_283 : i32
    %add3A_285 = arith.constant 9600 : i32
    %add3A_286 = arith.addi %mul3A_2, %add3A_285 : i32
    %dma_wait3A_287 = arith.constant 0 : i32
    %dma_wait3A_288 = arith.constant 0 : i32
    %dma_wait3A_289 = tpu.memref_slice %arg6[%rem3A_284, %dma_wait3A_287, %dma_wait3A_288] : memref<6x128x128xf32, #tpu.memory_space<vmem>> -> memref<1x128x128xf32, #tpu.memory_space<vmem>>
    %dma_wait3A_290 = tpu.memref_squeeze %dma_wait3A_289 : memref<1x128x128xf32, #tpu.memory_space<vmem>> -> memref<128x128xf32, #tpu.memory_space<vmem>>
    %dma_wait3A_291 = arith.constant 0 : i32
    %dma_wait3A_292 = tpu.memref_slice %arg4[%add3A_286, %dma_wait3A_291] : memref<320000x128xf32, #tpu.memory_space<hbm>> -> memref<128x128xf32, #tpu.memory_space<hbm>>
    %dma_wait3A_293 = arith.constant 0 : i32
    %dma_wait3A_294 = tpu.memref_slice %arg4[%add3A_286, %dma_wait3A_293] : memref<320000x128xf32, #tpu.memory_space<hbm>> -> memref<128x128xf32, #tpu.memory_space<hbm>>
    %dma_wait3A_295 = arith.constant 0 : i32
    %dma_wait3A_296 = arith.constant 0 : i32
    %dma_wait3A_297 = tpu.memref_slice %arg6[%rem3A_284, %dma_wait3A_295, %dma_wait3A_296] : memref<6x128x128xf32, #tpu.memory_space<vmem>> -> memref<1x128x128xf32, #tpu.memory_space<vmem>>
    %dma_wait3A_298 = tpu.memref_squeeze %dma_wait3A_297 : memref<1x128x128xf32, #tpu.memory_space<vmem>> -> memref<128x128xf32, #tpu.memory_space<vmem>>
    tpu.wait_dma2 semaphore(%arg8 : memref<!tpu.dma_semaphore, #tpu.memory_space<semaphore_mem>>) src(%dma_wait3A_298 : memref<128x128xf32, #tpu.memory_space<vmem>>) dst(%dma_wait3A_294 : memref<128x128xf32, #tpu.memory_space<hbm>>)
    %rem3A_299 = arith.constant 77 : i32
    %rem3A_300 = arith.constant 6 : i32
    %rem3A_301 = arith.remsi %rem3A_299, %rem3A_300 : i32
    %add3A_302 = arith.constant 9856 : i32
    %add3A_303 = arith.addi %mul3A_2, %add3A_302 : i32
    %dma_wait3A_304 = arith.constant 0 : i32
    %dma_wait3A_305 = arith.constant 0 : i32
    %dma_wait3A_306 = tpu.memref_slice %arg6[%rem3A_301, %dma_wait3A_304, %dma_wait3A_305] : memref<6x128x128xf32, #tpu.memory_space<vmem>> -> memref<1x128x128xf32, #tpu.memory_space<vmem>>
    %dma_wait3A_307 = tpu.memref_squeeze %dma_wait3A_306 : memref<1x128x128xf32, #tpu.memory_space<vmem>> -> memref<128x128xf32, #tpu.memory_space<vmem>>
    %dma_wait3A_308 = arith.constant 0 : i32
    %dma_wait3A_309 = tpu.memref_slice %arg5[%rem3A_301, %dma_wait3A_308] : memref<6x128xi32, #tpu.memory_space<vmem>> -> memref<1x128xi32, #tpu.memory_space<vmem>>
    %dma_wait3A_310 = tpu.memref_squeeze %dma_wait3A_309 : memref<1x128xi32, #tpu.memory_space<vmem>> -> memref<128xi32, #tpu.memory_space<vmem>>
    %dma_wait3A_311 = arith.constant 0 : i32
    %dma_wait3A_312 = arith.constant 0 : i32
    %dma_wait3A_313 = tpu.memref_slice %arg2[%dma_wait3A_311, %dma_wait3A_312] : memref<160000x128xf32, #tpu.memory_space<hbm>> -> memref<160000x128xf32, #tpu.memory_space<hbm>>
    tpu.wait_indirect_dma semaphore(%arg7 : memref<!tpu.dma_semaphore, #tpu.memory_space<semaphore_mem>>) src(%dma_wait3A_313 : memref<160000x128xf32, #tpu.memory_space<hbm>>) dst(%dma_wait3A_307 : memref<128x128xf32, #tpu.memory_space<vmem>>)
    %dma_start3A_314 = arith.constant 0 : i32
    %dma_start3A_315 = arith.constant 0 : i32
    %dma_start3A_316 = tpu.memref_slice %arg6[%rem3A_301, %dma_start3A_314, %dma_start3A_315] : memref<6x128x128xf32, #tpu.memory_space<vmem>> -> memref<1x128x128xf32, #tpu.memory_space<vmem>>
    %dma_start3A_317 = tpu.memref_squeeze %dma_start3A_316 : memref<1x128x128xf32, #tpu.memory_space<vmem>> -> memref<128x128xf32, #tpu.memory_space<vmem>>
    %dma_start3A_318 = arith.constant 0 : i32
    %dma_start3A_319 = tpu.memref_slice %arg4[%add3A_303, %dma_start3A_318] : memref<320000x128xf32, #tpu.memory_space<hbm>> -> memref<128x128xf32, #tpu.memory_space<hbm>>
    %dma_start3A_320 = arith.constant 0 : i32
    %dma_start3A_321 = tpu.memref_slice %arg4[%add3A_303, %dma_start3A_320] : memref<320000x128xf32, #tpu.memory_space<hbm>> -> memref<128x128xf32, #tpu.memory_space<hbm>>
    %dma_start3A_322 = arith.constant 0 : i32
    %dma_start3A_323 = arith.constant 0 : i32
    %dma_start3A_324 = tpu.memref_slice %arg6[%rem3A_301, %dma_start3A_322, %dma_start3A_323] : memref<6x128x128xf32, #tpu.memory_space<vmem>> -> memref<1x128x128xf32, #tpu.memory_space<vmem>>
    %dma_start3A_325 = tpu.memref_squeeze %dma_start3A_324 : memref<1x128x128xf32, #tpu.memory_space<vmem>> -> memref<128x128xf32, #tpu.memory_space<vmem>>
    tpu.enqueue_dma source(%dma_start3A_325 : memref<128x128xf32, #tpu.memory_space<vmem>>) target(%dma_start3A_321 : memref<128x128xf32, #tpu.memory_space<hbm>>) target_semaphore(%arg8 : memref<!tpu.dma_semaphore, #tpu.memory_space<semaphore_mem>>)
    %rem3A_326 = arith.constant 76 : i32
    %rem3A_327 = arith.constant 6 : i32
    %rem3A_328 = arith.remsi %rem3A_326, %rem3A_327 : i32
    %add3A_329 = arith.constant 9728 : i32
    %add3A_330 = arith.addi %mul3A_2, %add3A_329 : i32
    %dma_wait3A_331 = arith.constant 0 : i32
    %dma_wait3A_332 = arith.constant 0 : i32
    %dma_wait3A_333 = tpu.memref_slice %arg6[%rem3A_328, %dma_wait3A_331, %dma_wait3A_332] : memref<6x128x128xf32, #tpu.memory_space<vmem>> -> memref<1x128x128xf32, #tpu.memory_space<vmem>>
    %dma_wait3A_334 = tpu.memref_squeeze %dma_wait3A_333 : memref<1x128x128xf32, #tpu.memory_space<vmem>> -> memref<128x128xf32, #tpu.memory_space<vmem>>
    %dma_wait3A_335 = arith.constant 0 : i32
    %dma_wait3A_336 = tpu.memref_slice %arg4[%add3A_330, %dma_wait3A_335] : memref<320000x128xf32, #tpu.memory_space<hbm>> -> memref<128x128xf32, #tpu.memory_space<hbm>>
    %dma_wait3A_337 = arith.constant 0 : i32
    %dma_wait3A_338 = tpu.memref_slice %arg4[%add3A_330, %dma_wait3A_337] : memref<320000x128xf32, #tpu.memory_space<hbm>> -> memref<128x128xf32, #tpu.memory_space<hbm>>
    %dma_wait3A_339 = arith.constant 0 : i32
    %dma_wait3A_340 = arith.constant 0 : i32
    %dma_wait3A_341 = tpu.memref_slice %arg6[%rem3A_328, %dma_wait3A_339, %dma_wait3A_340] : memref<6x128x128xf32, #tpu.memory_space<vmem>> -> memref<1x128x128xf32, #tpu.memory_space<vmem>>
    %dma_wait3A_342 = tpu.memref_squeeze %dma_wait3A_341 : memref<1x128x128xf32, #tpu.memory_space<vmem>> -> memref<128x128xf32, #tpu.memory_space<vmem>>
    tpu.wait_dma2 semaphore(%arg8 : memref<!tpu.dma_semaphore, #tpu.memory_space<semaphore_mem>>) src(%dma_wait3A_342 : memref<128x128xf32, #tpu.memory_space<vmem>>) dst(%dma_wait3A_338 : memref<128x128xf32, #tpu.memory_space<hbm>>)
    %rem3A_343 = arith.constant 77 : i32
    %rem3A_344 = arith.constant 6 : i32
    %rem3A_345 = arith.remsi %rem3A_343, %rem3A_344 : i32
    %add3A_346 = arith.constant 9856 : i32
    %add3A_347 = arith.addi %mul3A_2, %add3A_346 : i32
    %dma_wait3A_348 = arith.constant 0 : i32
    %dma_wait3A_349 = arith.constant 0 : i32
    %dma_wait3A_350 = tpu.memref_slice %arg6[%rem3A_345, %dma_wait3A_348, %dma_wait3A_349] : memref<6x128x128xf32, #tpu.memory_space<vmem>> -> memref<1x128x128xf32, #tpu.memory_space<vmem>>
    %dma_wait3A_351 = tpu.memref_squeeze %dma_wait3A_350 : memref<1x128x128xf32, #tpu.memory_space<vmem>> -> memref<128x128xf32, #tpu.memory_space<vmem>>
    %dma_wait3A_352 = arith.constant 0 : i32
    %dma_wait3A_353 = tpu.memref_slice %arg4[%add3A_347, %dma_wait3A_352] : memref<320000x128xf32, #tpu.memory_space<hbm>> -> memref<128x128xf32, #tpu.memory_space<hbm>>
    %dma_wait3A_354 = arith.constant 0 : i32
    %dma_wait3A_355 = tpu.memref_slice %arg4[%add3A_347, %dma_wait3A_354] : memref<320000x128xf32, #tpu.memory_space<hbm>> -> memref<128x128xf32, #tpu.memory_space<hbm>>
    %dma_wait3A_356 = arith.constant 0 : i32
    %dma_wait3A_357 = arith.constant 0 : i32
    %dma_wait3A_358 = tpu.memref_slice %arg6[%rem3A_345, %dma_wait3A_356, %dma_wait3A_357] : memref<6x128x128xf32, #tpu.memory_space<vmem>> -> memref<1x128x128xf32, #tpu.memory_space<vmem>>
    %dma_wait3A_359 = tpu.memref_squeeze %dma_wait3A_358 : memref<1x128x128xf32, #tpu.memory_space<vmem>> -> memref<128x128xf32, #tpu.memory_space<vmem>>
    tpu.wait_dma2 semaphore(%arg8 : memref<!tpu.dma_semaphore, #tpu.memory_space<semaphore_mem>>) src(%dma_wait3A_359 : memref<128x128xf32, #tpu.memory_space<vmem>>) dst(%dma_wait3A_355 : memref<128x128xf32, #tpu.memory_space<hbm>>)
    %add3A_360 = arith.constant 9984 : i32
    %add3A_361 = arith.addi %mul3A_2, %add3A_360 : i32
    %run_scoped3A = arith.constant 0 : i32
    "tpu.region"() ({
      %run_scoped3A_387 = tpu.sem_alloc : memref<!tpu.dma_semaphore, #tpu.memory_space<semaphore_mem>>
      %dma_start3A_388 = arith.constant 0 : i32
      %dma_start3A_389 = tpu.memref_slice %arg5[%run_scoped3A, %dma_start3A_388] : memref<6x128xi32, #tpu.memory_space<vmem>> -> memref<1x16xi32, #tpu.memory_space<vmem>>
      %dma_start3A_390 = tpu.memref_squeeze %dma_start3A_389 : memref<1x16xi32, #tpu.memory_space<vmem>> -> memref<16xi32, #tpu.memory_space<vmem>>
      %dma_start3A_391 = tpu.memref_slice %arg3[%add3A_361] : memref<320000xi32, #tpu.memory_space<hbm>> -> memref<16xi32, #tpu.memory_space<hbm>>
      %dma_start3A_392 = arith.constant 0 : i32
      %dma_start3A_393 = tpu.memref_slice %arg5[%run_scoped3A, %dma_start3A_392] : memref<6x128xi32, #tpu.memory_space<vmem>> -> memref<1x16xi32, #tpu.memory_space<vmem>>
      %dma_start3A_394 = tpu.memref_squeeze %dma_start3A_393 : memref<1x16xi32, #tpu.memory_space<vmem>> -> memref<16xi32, #tpu.memory_space<vmem>>
      %dma_start3A_395 = tpu.memref_slice %arg3[%add3A_361] : memref<320000xi32, #tpu.memory_space<hbm>> -> memref<16xi32, #tpu.memory_space<hbm>>
      tpu.enqueue_dma source(%dma_start3A_395 : memref<16xi32, #tpu.memory_space<hbm>>) target(%dma_start3A_394 : memref<16xi32, #tpu.memory_space<vmem>>) target_semaphore(%run_scoped3A_387 : memref<!tpu.dma_semaphore, #tpu.memory_space<semaphore_mem>>)
      %dma_wait3A_396 = arith.constant 0 : i32
      %dma_wait3A_397 = tpu.memref_slice %arg5[%run_scoped3A, %dma_wait3A_396] : memref<6x128xi32, #tpu.memory_space<vmem>> -> memref<1x16xi32, #tpu.memory_space<vmem>>
      %dma_wait3A_398 = tpu.memref_squeeze %dma_wait3A_397 : memref<1x16xi32, #tpu.memory_space<vmem>> -> memref<16xi32, #tpu.memory_space<vmem>>
      %dma_wait3A_399 = tpu.memref_slice %arg3[%add3A_361] : memref<320000xi32, #tpu.memory_space<hbm>> -> memref<16xi32, #tpu.memory_space<hbm>>
      %dma_wait3A_400 = arith.constant 0 : i32
      %dma_wait3A_401 = tpu.memref_slice %arg5[%run_scoped3A, %dma_wait3A_400] : memref<6x128xi32, #tpu.memory_space<vmem>> -> memref<1x16xi32, #tpu.memory_space<vmem>>
      %dma_wait3A_402 = tpu.memref_squeeze %dma_wait3A_401 : memref<1x16xi32, #tpu.memory_space<vmem>> -> memref<16xi32, #tpu.memory_space<vmem>>
      %dma_wait3A_403 = tpu.memref_slice %arg3[%add3A_361] : memref<320000xi32, #tpu.memory_space<hbm>> -> memref<16xi32, #tpu.memory_space<hbm>>
      tpu.wait_dma2 semaphore(%run_scoped3A_387 : memref<!tpu.dma_semaphore, #tpu.memory_space<semaphore_mem>>) src(%dma_wait3A_403 : memref<16xi32, #tpu.memory_space<hbm>>) dst(%dma_wait3A_402 : memref<16xi32, #tpu.memory_space<vmem>>)
      tpu.yield
    }) : () -> ()
    %dma_start3A_362 = arith.constant 0 : i32
    %dma_start3A_363 = arith.constant 0 : i32
    %dma_start3A_364 = arith.constant 0 : i32
    %dma_start3A_365 = arith.constant 0 : i32
    %dma_start3A_366 = tpu.memref_slice %arg6[%dma_start3A_363, %dma_start3A_364, %dma_start3A_365] : memref<6x128x128xf32, #tpu.memory_space<vmem>> -> memref<1x16x128xf32, #tpu.memory_space<vmem>>
    %dma_start3A_367 = tpu.memref_squeeze %dma_start3A_366 : memref<1x16x128xf32, #tpu.memory_space<vmem>> -> memref<16x128xf32, #tpu.memory_space<vmem>>
    %dma_start3A_368 = arith.constant 0 : i32
    %dma_start3A_369 = tpu.memref_slice %arg5[%dma_start3A_362, %dma_start3A_368] : memref<6x128xi32, #tpu.memory_space<vmem>> -> memref<1x16xi32, #tpu.memory_space<vmem>>
    %dma_start3A_370 = tpu.memref_squeeze %dma_start3A_369 : memref<1x16xi32, #tpu.memory_space<vmem>> -> memref<16xi32, #tpu.memory_space<vmem>>
    %dma_start3A_371 = arith.constant 0 : i32
    %dma_start3A_372 = arith.constant 0 : i32
    %dma_start3A_373 = tpu.memref_slice %arg2[%dma_start3A_371, %dma_start3A_372] : memref<160000x128xf32, #tpu.memory_space<hbm>> -> memref<160000x128xf32, #tpu.memory_space<hbm>>
    tpu.enqueue_indirect_dma source(%dma_start3A_373 : memref<160000x128xf32, #tpu.memory_space<hbm>>) target(%dma_start3A_367 : memref<16x128xf32, #tpu.memory_space<vmem>>) offsets(%dma_start3A_370 : memref<16xi32, #tpu.memory_space<vmem>>) semaphore(%arg7 : memref<!tpu.dma_semaphore, #tpu.memory_space<semaphore_mem>>)
    %dma_wait3A_374 = arith.constant 0 : i32
    %dma_wait3A_375 = arith.constant 0 : i32
    %dma_wait3A_376 = arith.constant 0 : i32
    %dma_wait3A_377 = arith.constant 0 : i32
    %dma_wait3A_378 = tpu.memref_slice %arg6[%dma_wait3A_375, %dma_wait3A_376, %dma_wait3A_377] : memref<6x128x128xf32, #tpu.memory_space<vmem>> -> memref<1x16x128xf32, #tpu.memory_space<vmem>>
    %dma_wait3A_379 = tpu.memref_squeeze %dma_wait3A_378 : memref<1x16x128xf32, #tpu.memory_space<vmem>> -> memref<16x128xf32, #tpu.memory_space<vmem>>
    %dma_wait3A_380 = arith.constant 0 : i32
    %dma_wait3A_381 = tpu.memref_slice %arg5[%dma_wait3A_374, %dma_wait3A_380] : memref<6x128xi32, #tpu.memory_space<vmem>> -> memref<1x16xi32, #tpu.memory_space<vmem>>
    %dma_wait3A_382 = tpu.memref_squeeze %dma_wait3A_381 : memref<1x16xi32, #tpu.memory_space<vmem>> -> memref<16xi32, #tpu.memory_space<vmem>>
    %dma_wait3A_383 = arith.constant 0 : i32
    %dma_wait3A_384 = arith.constant 0 : i32
    %dma_wait3A_385 = tpu.memref_slice %arg2[%dma_wait3A_383, %dma_wait3A_384] : memref<160000x128xf32, #tpu.memory_space<hbm>> -> memref<160000x128xf32, #tpu.memory_space<hbm>>
    tpu.wait_indirect_dma semaphore(%arg7 : memref<!tpu.dma_semaphore, #tpu.memory_space<semaphore_mem>>) src(%dma_wait3A_385 : memref<160000x128xf32, #tpu.memory_space<hbm>>) dst(%dma_wait3A_379 : memref<16x128xf32, #tpu.memory_space<vmem>>)
    %run_scoped3A_386 = arith.constant 0 : i32
    "tpu.region"() ({
      %run_scoped3A_387 = tpu.sem_alloc : memref<!tpu.dma_semaphore, #tpu.memory_space<semaphore_mem>>
      %dma_start3A_388 = arith.constant 0 : i32
      %dma_start3A_389 = arith.constant 0 : i32
      %dma_start3A_390 = tpu.memref_slice %arg6[%run_scoped3A_386, %dma_start3A_388, %dma_start3A_389] : memref<6x128x128xf32, #tpu.memory_space<vmem>> -> memref<1x16x128xf32, #tpu.memory_space<vmem>>
      %dma_start3A_391 = tpu.memref_squeeze %dma_start3A_390 : memref<1x16x128xf32, #tpu.memory_space<vmem>> -> memref<16x128xf32, #tpu.memory_space<vmem>>
      %dma_start3A_392 = arith.constant 0 : i32
      %dma_start3A_393 = tpu.memref_slice %arg4[%add3A_361, %dma_start3A_392] : memref<320000x128xf32, #tpu.memory_space<hbm>> -> memref<16x128xf32, #tpu.memory_space<hbm>>
      %dma_start3A_394 = arith.constant 0 : i32
      %dma_start3A_395 = tpu.memref_slice %arg4[%add3A_361, %dma_start3A_394] : memref<320000x128xf32, #tpu.memory_space<hbm>> -> memref<16x128xf32, #tpu.memory_space<hbm>>
      %dma_start3A_396 = arith.constant 0 : i32
      %dma_start3A_397 = arith.constant 0 : i32
      %dma_start3A_398 = tpu.memref_slice %arg6[%run_scoped3A_386, %dma_start3A_396, %dma_start3A_397] : memref<6x128x128xf32, #tpu.memory_space<vmem>> -> memref<1x16x128xf32, #tpu.memory_space<vmem>>
      %dma_start3A_399 = tpu.memref_squeeze %dma_start3A_398 : memref<1x16x128xf32, #tpu.memory_space<vmem>> -> memref<16x128xf32, #tpu.memory_space<vmem>>
      tpu.enqueue_dma source(%dma_start3A_399 : memref<16x128xf32, #tpu.memory_space<vmem>>) target(%dma_start3A_395 : memref<16x128xf32, #tpu.memory_space<hbm>>) target_semaphore(%run_scoped3A_387 : memref<!tpu.dma_semaphore, #tpu.memory_space<semaphore_mem>>)
      %dma_wait3A_400 = arith.constant 0 : i32
      %dma_wait3A_401 = arith.constant 0 : i32
      %dma_wait3A_402 = tpu.memref_slice %arg6[%run_scoped3A_386, %dma_wait3A_400, %dma_wait3A_401] : memref<6x128x128xf32, #tpu.memory_space<vmem>> -> memref<1x16x128xf32, #tpu.memory_space<vmem>>
      %dma_wait3A_403 = tpu.memref_squeeze %dma_wait3A_402 : memref<1x16x128xf32, #tpu.memory_space<vmem>> -> memref<16x128xf32, #tpu.memory_space<vmem>>
      %dma_wait3A_404 = arith.constant 0 : i32
      %dma_wait3A_405 = tpu.memref_slice %arg4[%add3A_361, %dma_wait3A_404] : memref<320000x128xf32, #tpu.memory_space<hbm>> -> memref<16x128xf32, #tpu.memory_space<hbm>>
      %dma_wait3A_406 = arith.constant 0 : i32
      %dma_wait3A_407 = tpu.memref_slice %arg4[%add3A_361, %dma_wait3A_406] : memref<320000x128xf32, #tpu.memory_space<hbm>> -> memref<16x128xf32, #tpu.memory_space<hbm>>
      %dma_wait3A_408 = arith.constant 0 : i32
      %dma_wait3A_409 = arith.constant 0 : i32
      %dma_wait3A_410 = tpu.memref_slice %arg6[%run_scoped3A_386, %dma_wait3A_408, %dma_wait3A_409] : memref<6x128x128xf32, #tpu.memory_space<vmem>> -> memref<1x16x128xf32, #tpu.memory_space<vmem>>
      %dma_wait3A_411 = tpu.memref_squeeze %dma_wait3A_410 : memref<1x16x128xf32, #tpu.memory_space<vmem>> -> memref<16x128xf32, #tpu.memory_space<vmem>>
      tpu.wait_dma2 semaphore(%run_scoped3A_387 : memref<!tpu.dma_semaphore, #tpu.memory_space<semaphore_mem>>) src(%dma_wait3A_411 : memref<16x128xf32, #tpu.memory_space<vmem>>) dst(%dma_wait3A_407 : memref<16x128xf32, #tpu.memory_space<hbm>>)
      tpu.yield
    }) : () -> ()
    return
  }
}

module attributes {stable_mosaic.version = 14 : i64} {
  func.func @_pre_body(%arg0: i32, %arg1: memref<2000x128xf32, #tpu.memory_space<vmem>>, %arg2: memref<2000x6xf32, #tpu.memory_space<vmem>>, %arg3: memref<6x128xf32, #tpu.memory_space<vmem>>, %arg4: memref<128x128xbf16, #tpu.memory_space<vmem>>, %arg5: memref<1x128xf32, #tpu.memory_space<vmem>>, %arg6: memref<2000x128xf32, #tpu.memory_space<vmem>>) attributes {dimension_semantics = [#tpu.dimension_semantics<arbitrary>], iteration_bounds = array<i64: 80>, scalar_prefetch = 0 : i64, scratch_operands = 0 : i64, tpu.core_type = #tpu.core_type<tc>, window_params = [{transform_indices = @transform_0, window_bounds = array<i64: 2000, 128>}, {transform_indices = @transform_1, window_bounds = array<i64: 2000, 6>}, {pipeline_mode = #tpu.pipeline_mode<synchronous>, transform_indices = @transform_2, window_bounds = array<i64: 6, 128>}, {pipeline_mode = #tpu.pipeline_mode<synchronous>, transform_indices = @transform_3, window_bounds = array<i64: 128, 128>}, {pipeline_mode = #tpu.pipeline_mode<synchronous>, transform_indices = @transform_4, window_bounds = array<i64: 1, 128>}, {transform_indices = @transform_5, window_bounds = array<i64: 2000, 128>}]} {
    %get3A = arith.constant 0 : index
    %get3A_0 = arith.constant 0 : index
    %get3A_1 = vector.load %arg1[%get3A, %get3A_0] : memref<2000x128xf32, #tpu.memory_space<vmem>>, vector<2000x128xf32>
    %convert_element_type3A = arith.truncf %get3A_1 : vector<2000x128xf32> to vector<2000x128xbf16>
    %get3A_2 = arith.constant 0 : index
    %get3A_3 = arith.constant 0 : index
    %get3A_4 = vector.load %arg4[%get3A_2, %get3A_3] : memref<128x128xbf16, #tpu.memory_space<vmem>>, vector<128x128xbf16>
    %dot_general3A = arith.constant dense<0.000000e+00> : vector<2000x128xf32>
    %dot_general3A_5 = tpu.matmul %convert_element_type3A, %get3A_4, %dot_general3A {dimension_numbers = #tpu.dot_dimension_numbers<[1], [0], [0], [1], [0, 0, 1, 1], [], []>, transpose_lhs_hint = false} : vector<2000x128xbf16>, vector<128x128xbf16>, vector<2000x128xf32> -> vector<2000x128xf32>
    %get3A_6 = arith.constant 0 : index
    %get3A_7 = arith.constant 0 : index
    %get3A_8 = vector.load %arg5[%get3A_6, %get3A_7] : memref<1x128xf32, #tpu.memory_space<vmem>>, vector<1x128xf32>
    %add3A = vector.broadcast %get3A_8 : vector<1x128xf32> to vector<2000x128xf32>
    %add3A_9 = arith.addf %dot_general3A_5, %add3A : vector<2000x128xf32>
    %get3A_10 = arith.constant 0 : index
    %get3A_11 = arith.constant 0 : index
    %get3A_12 = vector.load %arg2[%get3A_10, %get3A_11] : memref<2000x6xf32, #tpu.memory_space<vmem>>, vector<2000x6xf32>
    %get3A_13 = arith.constant 0 : index
    %get3A_14 = arith.constant 0 : index
    %get3A_15 = vector.load %arg3[%get3A_13, %get3A_14] : memref<6x128xf32, #tpu.memory_space<vmem>>, vector<6x128xf32>
    %dot_general3A_16 = arith.constant dense<0.000000e+00> : vector<2000x128xf32>
    %dot_general3A_17 = tpu.matmul %get3A_12, %get3A_15, %dot_general3A_16 {dimension_numbers = #tpu.dot_dimension_numbers<[1], [0], [0], [1], [0, 0, 1, 1], [], []>, transpose_lhs_hint = false} : vector<2000x6xf32>, vector<6x128xf32>, vector<2000x128xf32> -> vector<2000x128xf32>
    %logistic3A = arith.negf %add3A_9 : vector<2000x128xf32>
    %logistic3A_18 = math.exp %logistic3A : vector<2000x128xf32>
    %logistic3A_19 = arith.constant 1.000000e+00 : f32
    %logistic3A_20 = vector.broadcast %logistic3A_19 : f32 to vector<2000x128xf32>
    %logistic3A_21 = arith.addf %logistic3A_20, %logistic3A_18 : vector<2000x128xf32>
    %logistic3A_22 = arith.divf %logistic3A_20, %logistic3A_21 : vector<2000x128xf32>
    %mul3A = arith.mulf %add3A_9, %logistic3A_22 : vector<2000x128xf32>
    %mul3A_23 = arith.mulf %mul3A, %dot_general3A_17 : vector<2000x128xf32>
    %swap3A = arith.constant 0 : index
    %swap3A_24 = arith.constant 0 : index
    %swap3A_25 = vector.load %arg6[%swap3A, %swap3A_24] : memref<2000x128xf32, #tpu.memory_space<vmem>>, vector<2000x128xf32>
    tpu.vector_store %arg6[%swap3A, %swap3A_24], %mul3A_23 {strides = array<i32>} : memref<2000x128xf32, #tpu.memory_space<vmem>>, vector<2000x128xf32>,
    return
  }
  func.func @transform_0(%arg0: i32) -> (i32, i32) {
    %c0_i32 = arith.constant 0 : i32
    %c0_i32_0 = arith.constant 0 : i32
    return %arg0, %c0_i32 : i32, i32
  }
  func.func @transform_1(%arg0: i32) -> (i32, i32) {
    %c0_i32 = arith.constant 0 : i32
    %c0_i32_0 = arith.constant 0 : i32
    return %arg0, %c0_i32 : i32, i32
  }
  func.func @transform_2(%arg0: i32) -> (i32, i32) {
    %c0_i32 = arith.constant 0 : i32
    %c0_i32_0 = arith.constant 0 : i32
    %c0_i32_1 = arith.constant 0 : i32
    return %c0_i32, %c0_i32_0 : i32, i32
  }
  func.func @transform_3(%arg0: i32) -> (i32, i32) {
    %c0_i32 = arith.constant 0 : i32
    %c0_i32_0 = arith.constant 0 : i32
    %c0_i32_1 = arith.constant 0 : i32
    return %c0_i32, %c0_i32_0 : i32, i32
  }
  func.func @transform_4(%arg0: i32) -> (i32, i32) {
    %c0_i32 = arith.constant 0 : i32
    %c0_i32_0 = arith.constant 0 : i32
    %c0_i32_1 = arith.constant 0 : i32
    return %c0_i32, %c0_i32_0 : i32, i32
  }
  func.func @transform_5(%arg0: i32) -> (i32, i32) {
    %c0_i32 = arith.constant 0 : i32
    %c0_i32_0 = arith.constant 0 : i32
    return %arg0, %c0_i32 : i32, i32
  }
}

module attributes {stable_mosaic.version = 14 : i64} {
  func.func @_bil_body(%arg0: i32, %arg1: memref<3200x128xf32, #tpu.memory_space<vmem>>, %arg2: memref<3200x42xf32, #tpu.memory_space<vmem>>, %arg3: memref<42x1024xbf16, #tpu.memory_space<vmem>>, %arg4: memref<128x1024xbf16, #tpu.memory_space<vmem>>, %arg5: memref<3200x128xf32, #tpu.memory_space<vmem>>) attributes {dimension_semantics = [#tpu.dimension_semantics<arbitrary>], iteration_bounds = array<i64: 100>, scalar_prefetch = 0 : i64, scratch_operands = 0 : i64, tpu.core_type = #tpu.core_type<tc>, window_params = [{transform_indices = @transform_0, window_bounds = array<i64: 3200, 128>}, {transform_indices = @transform_1, window_bounds = array<i64: 3200, 42>}, {pipeline_mode = #tpu.pipeline_mode<synchronous>, transform_indices = @transform_2, window_bounds = array<i64: 42, 1024>}, {pipeline_mode = #tpu.pipeline_mode<synchronous>, transform_indices = @transform_3, window_bounds = array<i64: 128, 1024>}, {transform_indices = @transform_4, window_bounds = array<i64: 3200, 128>}]} {
    %get3A = arith.constant 0 : index
    %get3A_0 = arith.constant 0 : index
    %get3A_1 = vector.load %arg2[%get3A, %get3A_0] : memref<3200x42xf32, #tpu.memory_space<vmem>>, vector<3200x42xf32>
    %convert_element_type3A = arith.truncf %get3A_1 : vector<3200x42xf32> to vector<3200x42xbf16>
    %get3A_2 = arith.constant 0 : index
    %get3A_3 = arith.constant 0 : index
    %get3A_4 = vector.load %arg3[%get3A_2, %get3A_3] : memref<42x1024xbf16, #tpu.memory_space<vmem>>, vector<42x1024xbf16>
    %dot_general3A = arith.constant dense<0.000000e+00> : vector<3200x1024xf32>
    %dot_general3A_5 = tpu.matmul %convert_element_type3A, %get3A_4, %dot_general3A {dimension_numbers = #tpu.dot_dimension_numbers<[1], [0], [0], [1], [0, 0, 1, 1], [], []>, transpose_lhs_hint = false} : vector<3200x42xbf16>, vector<42x1024xbf16>, vector<3200x1024xf32> -> vector<3200x1024xf32>
    %get3A_6 = arith.constant 0 : index
    %get3A_7 = arith.constant 0 : index
    %get3A_8 = vector.load %arg1[%get3A_6, %get3A_7] : memref<3200x128xf32, #tpu.memory_space<vmem>>, vector<3200x128xf32>
    %convert_element_type3A_9 = arith.truncf %get3A_8 : vector<3200x128xf32> to vector<3200x128xbf16>
    %get3A_10 = arith.constant 0 : index
    %get3A_11 = arith.constant 0 : index
    %get3A_12 = vector.load %arg4[%get3A_10, %get3A_11] : memref<128x1024xbf16, #tpu.memory_space<vmem>>, vector<128x1024xbf16>
    %dot_general3A_13 = arith.constant dense<0.000000e+00> : vector<3200x1024xf32>
    %dot_general3A_14 = tpu.matmul %convert_element_type3A_9, %get3A_12, %dot_general3A_13 {dimension_numbers = #tpu.dot_dimension_numbers<[1], [0], [0], [1], [0, 0, 1, 1], [], []>, transpose_lhs_hint = false} : vector<3200x128xbf16>, vector<128x1024xbf16>, vector<3200x1024xf32> -> vector<3200x1024xf32>
    %mul3A = arith.mulf %dot_general3A_5, %dot_general3A_14 : vector<3200x1024xf32>
    %slice3A = vector.extract_strided_slice %mul3A {offsets = [0, 0], sizes = [3200, 128], strides = [1, 1]} : vector<3200x1024xf32> to vector<3200x128xf32>
    %slice3A_15 = vector.extract_strided_slice %mul3A {offsets = [0, 128], sizes = [3200, 128], strides = [1, 1]} : vector<3200x1024xf32> to vector<3200x128xf32>
    %add3A = arith.addf %slice3A, %slice3A_15 : vector<3200x128xf32>
    %slice3A_16 = vector.extract_strided_slice %mul3A {offsets = [0, 256], sizes = [3200, 128], strides = [1, 1]} : vector<3200x1024xf32> to vector<3200x128xf32>
    %add3A_17 = arith.addf %add3A, %slice3A_16 : vector<3200x128xf32>
    %slice3A_18 = vector.extract_strided_slice %mul3A {offsets = [0, 384], sizes = [3200, 128], strides = [1, 1]} : vector<3200x1024xf32> to vector<3200x128xf32>
    %add3A_19 = arith.addf %add3A_17, %slice3A_18 : vector<3200x128xf32>
    %slice3A_20 = vector.extract_strided_slice %mul3A {offsets = [0, 512], sizes = [3200, 128], strides = [1, 1]} : vector<3200x1024xf32> to vector<3200x128xf32>
    %add3A_21 = arith.addf %add3A_19, %slice3A_20 : vector<3200x128xf32>
    %slice3A_22 = vector.extract_strided_slice %mul3A {offsets = [0, 640], sizes = [3200, 128], strides = [1, 1]} : vector<3200x1024xf32> to vector<3200x128xf32>
    %add3A_23 = arith.addf %add3A_21, %slice3A_22 : vector<3200x128xf32>
    %slice3A_24 = vector.extract_strided_slice %mul3A {offsets = [0, 768], sizes = [3200, 128], strides = [1, 1]} : vector<3200x1024xf32> to vector<3200x128xf32>
    %add3A_25 = arith.addf %add3A_23, %slice3A_24 : vector<3200x128xf32>
    %slice3A_26 = vector.extract_strided_slice %mul3A {offsets = [0, 896], sizes = [3200, 128], strides = [1, 1]} : vector<3200x1024xf32> to vector<3200x128xf32>
    %add3A_27 = arith.addf %add3A_25, %slice3A_26 : vector<3200x128xf32>
    %swap3A = arith.constant 0 : index
    %swap3A_28 = arith.constant 0 : index
    %swap3A_29 = vector.load %arg5[%swap3A, %swap3A_28] : memref<3200x128xf32, #tpu.memory_space<vmem>>, vector<3200x128xf32>
    tpu.vector_store %arg5[%swap3A, %swap3A_28], %add3A_27 {strides = array<i32>} : memref<3200x128xf32, #tpu.memory_space<vmem>>, vector<3200x128xf32>,
    return
  }
  func.func @transform_0(%arg0: i32) -> (i32, i32) {
    %c0_i32 = arith.constant 0 : i32
    %c0_i32_0 = arith.constant 0 : i32
    return %arg0, %c0_i32 : i32, i32
  }
  func.func @transform_1(%arg0: i32) -> (i32, i32) {
    %c0_i32 = arith.constant 0 : i32
    %c0_i32_0 = arith.constant 0 : i32
    return %arg0, %c0_i32 : i32, i32
  }
  func.func @transform_2(%arg0: i32) -> (i32, i32) {
    %c0_i32 = arith.constant 0 : i32
    %c0_i32_0 = arith.constant 0 : i32
    %c0_i32_1 = arith.constant 0 : i32
    return %c0_i32, %c0_i32_0 : i32, i32
  }
  func.func @transform_3(%arg0: i32) -> (i32, i32) {
    %c0_i32 = arith.constant 0 : i32
    %c0_i32_0 = arith.constant 0 : i32
    %c0_i32_1 = arith.constant 0 : i32
    return %c0_i32, %c0_i32_0 : i32, i32
  }
  func.func @transform_4(%arg0: i32) -> (i32, i32) {
    %c0_i32 = arith.constant 0 : i32
    %c0_i32_0 = arith.constant 0 : i32
    return %arg0, %c0_i32 : i32, i32
  }
}

module attributes {stable_mosaic.version = 14 : i64} {
  func.func @_final_body(%arg0: i32, %arg1: memref<2000x128xf32, #tpu.memory_space<vmem>>, %arg2: memref<2000x128xf32, #tpu.memory_space<vmem>>, %arg3: memref<128x128xbf16, #tpu.memory_space<vmem>>, %arg4: memref<1x128xf32, #tpu.memory_space<vmem>>, %arg5: memref<128x128xbf16, #tpu.memory_space<vmem>>, %arg6: memref<1x128xf32, #tpu.memory_space<vmem>>, %arg7: memref<128x128xbf16, #tpu.memory_space<vmem>>, %arg8: memref<1x128xf32, #tpu.memory_space<vmem>>, %arg9: memref<128x128xbf16, #tpu.memory_space<vmem>>, %arg10: memref<1x128xf32, #tpu.memory_space<vmem>>, %arg11: memref<128x128xbf16, #tpu.memory_space<vmem>>, %arg12: memref<1x128xf32, #tpu.memory_space<vmem>>, %arg13: memref<128x128xbf16, #tpu.memory_space<vmem>>, %arg14: memref<1x128xf32, #tpu.memory_space<vmem>>, %arg15: memref<128x128xbf16, #tpu.memory_space<vmem>>, %arg16: memref<1x128xf32, #tpu.memory_space<vmem>>, %arg17: memref<128x128xbf16, #tpu.memory_space<vmem>>, %arg18: memref<1x128xf32, #tpu.memory_space<vmem>>, %arg19: memref<2000x128xf32, #tpu.memory_space<vmem>>) attributes {dimension_semantics = [#tpu.dimension_semantics<arbitrary>], iteration_bounds = array<i64: 80>, scalar_prefetch = 0 : i64, scratch_operands = 0 : i64, tpu.core_type = #tpu.core_type<tc>, window_params = [{transform_indices = @transform_0, window_bounds = array<i64: 2000, 128>}, {transform_indices = @transform_1, window_bounds = array<i64: 2000, 128>}, {pipeline_mode = #tpu.pipeline_mode<synchronous>, transform_indices = @transform_2, window_bounds = array<i64: 128, 128>}, {pipeline_mode = #tpu.pipeline_mode<synchronous>, transform_indices = @transform_3, window_bounds = array<i64: 1, 128>}, {pipeline_mode = #tpu.pipeline_mode<synchronous>, transform_indices = @transform_4, window_bounds = array<i64: 128, 128>}, {pipeline_mode = #tpu.pipeline_mode<synchronous>, transform_indices = @transform_5, window_bounds = array<i64: 1, 128>}, {pipeline_mode = #tpu.pipeline_mode<synchronous>, transform_indices = @transform_6, window_bounds = array<i64: 128, 128>}, {pipeline_mode = #tpu.pipeline_mode<synchronous>, transform_indices = @transform_7, window_bounds = array<i64: 1, 128>}, {pipeline_mode = #tpu.pipeline_mode<synchronous>, transform_indices = @transform_8, window_bounds = array<i64: 128, 128>}, {pipeline_mode = #tpu.pipeline_mode<synchronous>, transform_indices = @transform_9, window_bounds = array<i64: 1, 128>}, {pipeline_mode = #tpu.pipeline_mode<synchronous>, transform_indices = @transform_10, window_bounds = array<i64: 128, 128>}, {pipeline_mode = #tpu.pipeline_mode<synchronous>, transform_indices = @transform_11, window_bounds = array<i64: 1, 128>}, {pipeline_mode = #tpu.pipeline_mode<synchronous>, transform_indices = @transform_12, window_bounds = array<i64: 128, 128>}, {pipeline_mode = #tpu.pipeline_mode<synchronous>, transform_indices = @transform_13, window_bounds = array<i64: 1, 128>}, {pipeline_mode = #tpu.pipeline_mode<synchronous>, transform_indices = @transform_14, window_bounds = array<i64: 128, 128>}, {pipeline_mode = #tpu.pipeline_mode<synchronous>, transform_indices = @transform_15, window_bounds = array<i64: 1, 128>}, {pipeline_mode = #tpu.pipeline_mode<synchronous>, transform_indices = @transform_16, window_bounds = array<i64: 128, 128>}, {pipeline_mode = #tpu.pipeline_mode<synchronous>, transform_indices = @transform_17, window_bounds = array<i64: 1, 128>}, {transform_indices = @transform_18, window_bounds = array<i64: 2000, 128>}]} {
    %get3A = arith.constant 0 : index
    %get3A_0 = arith.constant 0 : index
    %get3A_1 = vector.load %arg1[%get3A, %get3A_0] : memref<2000x128xf32, #tpu.memory_space<vmem>>, vector<2000x128xf32>
    %convert_element_type3A = arith.truncf %get3A_1 : vector<2000x128xf32> to vector<2000x128xbf16>
    %get3A_2 = arith.constant 0 : index
    %get3A_3 = arith.constant 0 : index
    %get3A_4 = vector.load %arg3[%get3A_2, %get3A_3] : memref<128x128xbf16, #tpu.memory_space<vmem>>, vector<128x128xbf16>
    %dot_general3A = arith.constant dense<0.000000e+00> : vector<2000x128xf32>
    %dot_general3A_5 = tpu.matmul %convert_element_type3A, %get3A_4, %dot_general3A {dimension_numbers = #tpu.dot_dimension_numbers<[1], [0], [0], [1], [0, 0, 1, 1], [], []>, transpose_lhs_hint = false} : vector<2000x128xbf16>, vector<128x128xbf16>, vector<2000x128xf32> -> vector<2000x128xf32>
    %get3A_6 = arith.constant 0 : index
    %get3A_7 = arith.constant 0 : index
    %get3A_8 = vector.load %arg4[%get3A_6, %get3A_7] : memref<1x128xf32, #tpu.memory_space<vmem>>, vector<1x128xf32>
    %add3A = vector.broadcast %get3A_8 : vector<1x128xf32> to vector<2000x128xf32>
    %add3A_9 = arith.addf %dot_general3A_5, %add3A : vector<2000x128xf32>
    %logistic3A = arith.negf %add3A_9 : vector<2000x128xf32>
    %logistic3A_10 = math.exp %logistic3A : vector<2000x128xf32>
    %logistic3A_11 = arith.constant 1.000000e+00 : f32
    %logistic3A_12 = vector.broadcast %logistic3A_11 : f32 to vector<2000x128xf32>
    %logistic3A_13 = arith.addf %logistic3A_12, %logistic3A_10 : vector<2000x128xf32>
    %logistic3A_14 = arith.divf %logistic3A_12, %logistic3A_13 : vector<2000x128xf32>
    %mul3A = arith.mulf %add3A_9, %logistic3A_14 : vector<2000x128xf32>
    %get3A_15 = arith.constant 0 : index
    %get3A_16 = arith.constant 0 : index
    %get3A_17 = vector.load %arg2[%get3A_15, %get3A_16] : memref<2000x128xf32, #tpu.memory_space<vmem>>, vector<2000x128xf32>
    %add3A_18 = arith.addf %mul3A, %get3A_17 : vector<2000x128xf32>
    %convert_element_type3A_19 = arith.truncf %add3A_18 : vector<2000x128xf32> to vector<2000x128xbf16>
    %get3A_20 = arith.constant 0 : index
    %get3A_21 = arith.constant 0 : index
    %get3A_22 = vector.load %arg5[%get3A_20, %get3A_21] : memref<128x128xbf16, #tpu.memory_space<vmem>>, vector<128x128xbf16>
    %dot_general3A_23 = arith.constant dense<0.000000e+00> : vector<2000x128xf32>
    %dot_general3A_24 = tpu.matmul %convert_element_type3A_19, %get3A_22, %dot_general3A_23 {dimension_numbers = #tpu.dot_dimension_numbers<[1], [0], [0], [1], [0, 0, 1, 1], [], []>, transpose_lhs_hint = false} : vector<2000x128xbf16>, vector<128x128xbf16>, vector<2000x128xf32> -> vector<2000x128xf32>
    %get3A_25 = arith.constant 0 : index
    %get3A_26 = arith.constant 0 : index
    %get3A_27 = vector.load %arg6[%get3A_25, %get3A_26] : memref<1x128xf32, #tpu.memory_space<vmem>>, vector<1x128xf32>
    %add3A_28 = vector.broadcast %get3A_27 : vector<1x128xf32> to vector<2000x128xf32>
    %add3A_29 = arith.addf %dot_general3A_24, %add3A_28 : vector<2000x128xf32>
    %logistic3A_30 = arith.negf %add3A_29 : vector<2000x128xf32>
    %logistic3A_31 = math.exp %logistic3A_30 : vector<2000x128xf32>
    %logistic3A_32 = arith.constant 1.000000e+00 : f32
    %logistic3A_33 = vector.broadcast %logistic3A_32 : f32 to vector<2000x128xf32>
    %logistic3A_34 = arith.addf %logistic3A_33, %logistic3A_31 : vector<2000x128xf32>
    %logistic3A_35 = arith.divf %logistic3A_33, %logistic3A_34 : vector<2000x128xf32>
    %mul3A_36 = arith.mulf %add3A_29, %logistic3A_35 : vector<2000x128xf32>
    %convert_element_type3A_37 = arith.truncf %mul3A_36 : vector<2000x128xf32> to vector<2000x128xbf16>
    %get3A_38 = arith.constant 0 : index
    %get3A_39 = arith.constant 0 : index
    %get3A_40 = vector.load %arg7[%get3A_38, %get3A_39] : memref<128x128xbf16, #tpu.memory_space<vmem>>, vector<128x128xbf16>
    %dot_general3A_41 = arith.constant dense<0.000000e+00> : vector<2000x128xf32>
    %dot_general3A_42 = tpu.matmul %convert_element_type3A_37, %get3A_40, %dot_general3A_41 {dimension_numbers = #tpu.dot_dimension_numbers<[1], [0], [0], [1], [0, 0, 1, 1], [], []>, transpose_lhs_hint = false} : vector<2000x128xbf16>, vector<128x128xbf16>, vector<2000x128xf32> -> vector<2000x128xf32>
    %get3A_43 = arith.constant 0 : index
    %get3A_44 = arith.constant 0 : index
    %get3A_45 = vector.load %arg8[%get3A_43, %get3A_44] : memref<1x128xf32, #tpu.memory_space<vmem>>, vector<1x128xf32>
    %add3A_46 = vector.broadcast %get3A_45 : vector<1x128xf32> to vector<2000x128xf32>
    %add3A_47 = arith.addf %dot_general3A_42, %add3A_46 : vector<2000x128xf32>
    %logistic3A_48 = arith.negf %add3A_47 : vector<2000x128xf32>
    %logistic3A_49 = math.exp %logistic3A_48 : vector<2000x128xf32>
    %logistic3A_50 = arith.constant 1.000000e+00 : f32
    %logistic3A_51 = vector.broadcast %logistic3A_50 : f32 to vector<2000x128xf32>
    %logistic3A_52 = arith.addf %logistic3A_51, %logistic3A_49 : vector<2000x128xf32>
    %logistic3A_53 = arith.divf %logistic3A_51, %logistic3A_52 : vector<2000x128xf32>
    %mul3A_54 = arith.mulf %add3A_47, %logistic3A_53 : vector<2000x128xf32>
    %add3A_55 = arith.addf %add3A_18, %mul3A_54 : vector<2000x128xf32>
    %convert_element_type3A_56 = arith.truncf %add3A_55 : vector<2000x128xf32> to vector<2000x128xbf16>
    %get3A_57 = arith.constant 0 : index
    %get3A_58 = arith.constant 0 : index
    %get3A_59 = vector.load %arg9[%get3A_57, %get3A_58] : memref<128x128xbf16, #tpu.memory_space<vmem>>, vector<128x128xbf16>
    %dot_general3A_60 = arith.constant dense<0.000000e+00> : vector<2000x128xf32>
    %dot_general3A_61 = tpu.matmul %convert_element_type3A_56, %get3A_59, %dot_general3A_60 {dimension_numbers = #tpu.dot_dimension_numbers<[1], [0], [0], [1], [0, 0, 1, 1], [], []>, transpose_lhs_hint = false} : vector<2000x128xbf16>, vector<128x128xbf16>, vector<2000x128xf32> -> vector<2000x128xf32>
    %get3A_62 = arith.constant 0 : index
    %get3A_63 = arith.constant 0 : index
    %get3A_64 = vector.load %arg10[%get3A_62, %get3A_63] : memref<1x128xf32, #tpu.memory_space<vmem>>, vector<1x128xf32>
    %add3A_65 = vector.broadcast %get3A_64 : vector<1x128xf32> to vector<2000x128xf32>
    %add3A_66 = arith.addf %dot_general3A_61, %add3A_65 : vector<2000x128xf32>
    %logistic3A_67 = arith.negf %add3A_66 : vector<2000x128xf32>
    %logistic3A_68 = math.exp %logistic3A_67 : vector<2000x128xf32>
    %logistic3A_69 = arith.constant 1.000000e+00 : f32
    %logistic3A_70 = vector.broadcast %logistic3A_69 : f32 to vector<2000x128xf32>
    %logistic3A_71 = arith.addf %logistic3A_70, %logistic3A_68 : vector<2000x128xf32>
    %logistic3A_72 = arith.divf %logistic3A_70, %logistic3A_71 : vector<2000x128xf32>
    %mul3A_73 = arith.mulf %add3A_66, %logistic3A_72 : vector<2000x128xf32>
    %add3A_74 = arith.addf %mul3A_73, %get3A_1 : vector<2000x128xf32>
    %convert_element_type3A_75 = arith.truncf %add3A_74 : vector<2000x128xf32> to vector<2000x128xbf16>
    %get3A_76 = arith.constant 0 : index
    %get3A_77 = arith.constant 0 : index
    %get3A_78 = vector.load %arg11[%get3A_76, %get3A_77] : memref<128x128xbf16, #tpu.memory_space<vmem>>, vector<128x128xbf16>
    %dot_general3A_79 = arith.constant dense<0.000000e+00> : vector<2000x128xf32>
    %dot_general3A_80 = tpu.matmul %convert_element_type3A_75, %get3A_78, %dot_general3A_79 {dimension_numbers = #tpu.dot_dimension_numbers<[1], [0], [0], [1], [0, 0, 1, 1], [], []>, transpose_lhs_hint = false} : vector<2000x128xbf16>, vector<128x128xbf16>, vector<2000x128xf32> -> vector<2000x128xf32>
    %get3A_81 = arith.constant 0 : index
    %get3A_82 = arith.constant 0 : index
    %get3A_83 = vector.load %arg12[%get3A_81, %get3A_82] : memref<1x128xf32, #tpu.memory_space<vmem>>, vector<1x128xf32>
    %add3A_84 = vector.broadcast %get3A_83 : vector<1x128xf32> to vector<2000x128xf32>
    %add3A_85 = arith.addf %dot_general3A_80, %add3A_84 : vector<2000x128xf32>
    %logistic3A_86 = arith.negf %add3A_85 : vector<2000x128xf32>
    %logistic3A_87 = math.exp %logistic3A_86 : vector<2000x128xf32>
    %logistic3A_88 = arith.constant 1.000000e+00 : f32
    %logistic3A_89 = vector.broadcast %logistic3A_88 : f32 to vector<2000x128xf32>
    %logistic3A_90 = arith.addf %logistic3A_89, %logistic3A_87 : vector<2000x128xf32>
    %logistic3A_91 = arith.divf %logistic3A_89, %logistic3A_90 : vector<2000x128xf32>
    %mul3A_92 = arith.mulf %add3A_85, %logistic3A_91 : vector<2000x128xf32>
    %convert_element_type3A_93 = arith.truncf %mul3A_92 : vector<2000x128xf32> to vector<2000x128xbf16>
    %get3A_94 = arith.constant 0 : index
    %get3A_95 = arith.constant 0 : index
    %get3A_96 = vector.load %arg13[%get3A_94, %get3A_95] : memref<128x128xbf16, #tpu.memory_space<vmem>>, vector<128x128xbf16>
    %dot_general3A_97 = arith.constant dense<0.000000e+00> : vector<2000x128xf32>
    %dot_general3A_98 = tpu.matmul %convert_element_type3A_93, %get3A_96, %dot_general3A_97 {dimension_numbers = #tpu.dot_dimension_numbers<[1], [0], [0], [1], [0, 0, 1, 1], [], []>, transpose_lhs_hint = false} : vector<2000x128xbf16>, vector<128x128xbf16>, vector<2000x128xf32> -> vector<2000x128xf32>
    %get3A_99 = arith.constant 0 : index
    %get3A_100 = arith.constant 0 : index
    %get3A_101 = vector.load %arg14[%get3A_99, %get3A_100] : memref<1x128xf32, #tpu.memory_space<vmem>>, vector<1x128xf32>
    %add3A_102 = vector.broadcast %get3A_101 : vector<1x128xf32> to vector<2000x128xf32>
    %add3A_103 = arith.addf %dot_general3A_98, %add3A_102 : vector<2000x128xf32>
    %logistic3A_104 = arith.negf %add3A_103 : vector<2000x128xf32>
    %logistic3A_105 = math.exp %logistic3A_104 : vector<2000x128xf32>
    %logistic3A_106 = arith.constant 1.000000e+00 : f32
    %logistic3A_107 = vector.broadcast %logistic3A_106 : f32 to vector<2000x128xf32>
    %logistic3A_108 = arith.addf %logistic3A_107, %logistic3A_105 : vector<2000x128xf32>
    %logistic3A_109 = arith.divf %logistic3A_107, %logistic3A_108 : vector<2000x128xf32>
    %mul3A_110 = arith.mulf %add3A_103, %logistic3A_109 : vector<2000x128xf32>
    %add3A_111 = arith.addf %add3A_74, %mul3A_110 : vector<2000x128xf32>
    %convert_element_type3A_112 = arith.truncf %add3A_111 : vector<2000x128xf32> to vector<2000x128xbf16>
    %get3A_113 = arith.constant 0 : index
    %get3A_114 = arith.constant 0 : index
    %get3A_115 = vector.load %arg15[%get3A_113, %get3A_114] : memref<128x128xbf16, #tpu.memory_space<vmem>>, vector<128x128xbf16>
    %dot_general3A_116 = arith.constant dense<0.000000e+00> : vector<2000x128xf32>
    %dot_general3A_117 = tpu.matmul %convert_element_type3A_112, %get3A_115, %dot_general3A_116 {dimension_numbers = #tpu.dot_dimension_numbers<[1], [0], [0], [1], [0, 0, 1, 1], [], []>, transpose_lhs_hint = false} : vector<2000x128xbf16>, vector<128x128xbf16>, vector<2000x128xf32> -> vector<2000x128xf32>
    %get3A_118 = arith.constant 0 : index
    %get3A_119 = arith.constant 0 : index
    %get3A_120 = vector.load %arg16[%get3A_118, %get3A_119] : memref<1x128xf32, #tpu.memory_space<vmem>>, vector<1x128xf32>
    %add3A_121 = vector.broadcast %get3A_120 : vector<1x128xf32> to vector<2000x128xf32>
    %add3A_122 = arith.addf %dot_general3A_117, %add3A_121 : vector<2000x128xf32>
    %logistic3A_123 = arith.negf %add3A_122 : vector<2000x128xf32>
    %logistic3A_124 = math.exp %logistic3A_123 : vector<2000x128xf32>
    %logistic3A_125 = arith.constant 1.000000e+00 : f32
    %logistic3A_126 = vector.broadcast %logistic3A_125 : f32 to vector<2000x128xf32>
    %logistic3A_127 = arith.addf %logistic3A_126, %logistic3A_124 : vector<2000x128xf32>
    %logistic3A_128 = arith.divf %logistic3A_126, %logistic3A_127 : vector<2000x128xf32>
    %mul3A_129 = arith.mulf %add3A_122, %logistic3A_128 : vector<2000x128xf32>
    %convert_element_type3A_130 = arith.truncf %mul3A_129 : vector<2000x128xf32> to vector<2000x128xbf16>
    %get3A_131 = arith.constant 0 : index
    %get3A_132 = arith.constant 0 : index
    %get3A_133 = vector.load %arg17[%get3A_131, %get3A_132] : memref<128x128xbf16, #tpu.memory_space<vmem>>, vector<128x128xbf16>
    %dot_general3A_134 = arith.constant dense<0.000000e+00> : vector<2000x128xf32>
    %dot_general3A_135 = tpu.matmul %convert_element_type3A_130, %get3A_133, %dot_general3A_134 {dimension_numbers = #tpu.dot_dimension_numbers<[1], [0], [0], [1], [0, 0, 1, 1], [], []>, transpose_lhs_hint = false} : vector<2000x128xbf16>, vector<128x128xbf16>, vector<2000x128xf32> -> vector<2000x128xf32>
    %get3A_136 = arith.constant 0 : index
    %get3A_137 = arith.constant 0 : index
    %get3A_138 = vector.load %arg18[%get3A_136, %get3A_137] : memref<1x128xf32, #tpu.memory_space<vmem>>, vector<1x128xf32>
    %add3A_139 = vector.broadcast %get3A_138 : vector<1x128xf32> to vector<2000x128xf32>
    %add3A_140 = arith.addf %dot_general3A_135, %add3A_139 : vector<2000x128xf32>
    %logistic3A_141 = arith.negf %add3A_140 : vector<2000x128xf32>
    %logistic3A_142 = math.exp %logistic3A_141 : vector<2000x128xf32>
    %logistic3A_143 = arith.constant 1.000000e+00 : f32
    %logistic3A_144 = vector.broadcast %logistic3A_143 : f32 to vector<2000x128xf32>
    %logistic3A_145 = arith.addf %logistic3A_144, %logistic3A_142 : vector<2000x128xf32>
    %logistic3A_146 = arith.divf %logistic3A_144, %logistic3A_145 : vector<2000x128xf32>
    %mul3A_147 = arith.mulf %add3A_140, %logistic3A_146 : vector<2000x128xf32>
    %add3A_148 = arith.addf %add3A_111, %mul3A_147 : vector<2000x128xf32>
    %swap3A = arith.constant 0 : index
    %swap3A_149 = arith.constant 0 : index
    %swap3A_150 = vector.load %arg19[%swap3A, %swap3A_149] : memref<2000x128xf32, #tpu.memory_space<vmem>>, vector<2000x128xf32>
    tpu.vector_store %arg19[%swap3A, %swap3A_149], %add3A_148 {strides = array<i32>} : memref<2000x128xf32, #tpu.memory_space<vmem>>, vector<2000x128xf32>,
    return
  }
  func.func @transform_0(%arg0: i32) -> (i32, i32) {
    %c0_i32 = arith.constant 0 : i32
    %c0_i32_0 = arith.constant 0 : i32
    return %arg0, %c0_i32 : i32, i32
  }
  func.func @transform_1(%arg0: i32) -> (i32, i32) {
    %c0_i32 = arith.constant 0 : i32
    %c0_i32_0 = arith.constant 0 : i32
    return %arg0, %c0_i32 : i32, i32
  }
  func.func @transform_2(%arg0: i32) -> (i32, i32) {
    %c0_i32 = arith.constant 0 : i32
    %c0_i32_0 = arith.constant 0 : i32
    %c0_i32_1 = arith.constant 0 : i32
    return %c0_i32, %c0_i32_0 : i32, i32
  }
  func.func @transform_3(%arg0: i32) -> (i32, i32) {
    %c0_i32 = arith.constant 0 : i32
    %c0_i32_0 = arith.constant 0 : i32
    %c0_i32_1 = arith.constant 0 : i32
    return %c0_i32, %c0_i32_0 : i32, i32
  }
  func.func @transform_4(%arg0: i32) -> (i32, i32) {
    %c0_i32 = arith.constant 0 : i32
    %c0_i32_0 = arith.constant 0 : i32
    %c0_i32_1 = arith.constant 0 : i32
    return %c0_i32, %c0_i32_0 : i32, i32
  }
  func.func @transform_5(%arg0: i32) -> (i32, i32) {
    %c0_i32 = arith.constant 0 : i32
    %c0_i32_0 = arith.constant 0 : i32
    %c0_i32_1 = arith.constant 0 : i32
    return %c0_i32, %c0_i32_0 : i32, i32
  }
  func.func @transform_6(%arg0: i32) -> (i32, i32) {
    %c0_i32 = arith.constant 0 : i32
    %c0_i32_0 = arith.constant 0 : i32
    %c0_i32_1 = arith.constant 0 : i32
    return %c0_i32, %c0_i32_0 : i32, i32
  }
  func.func @transform_7(%arg0: i32) -> (i32, i32) {
    %c0_i32 = arith.constant 0 : i32
    %c0_i32_0 = arith.constant 0 : i32
    %c0_i32_1 = arith.constant 0 : i32
    return %c0_i32, %c0_i32_0 : i32, i32
  }
  func.func @transform_8(%arg0: i32) -> (i32, i32) {
    %c0_i32 = arith.constant 0 : i32
    %c0_i32_0 = arith.constant 0 : i32
    %c0_i32_1 = arith.constant 0 : i32
    return %c0_i32, %c0_i32_0 : i32, i32
  }
  func.func @transform_9(%arg0: i32) -> (i32, i32) {
    %c0_i32 = arith.constant 0 : i32
    %c0_i32_0 = arith.constant 0 : i32
    %c0_i32_1 = arith.constant 0 : i32
    return %c0_i32, %c0_i32_0 : i32, i32
  }
  func.func @transform_10(%arg0: i32) -> (i32, i32) {
    %c0_i32 = arith.constant 0 : i32
    %c0_i32_0 = arith.constant 0 : i32
    %c0_i32_1 = arith.constant 0 : i32
    return %c0_i32, %c0_i32_0 : i32, i32
  }
  func.func @transform_11(%arg0: i32) -> (i32, i32) {
    %c0_i32 = arith.constant 0 : i32
    %c0_i32_0 = arith.constant 0 : i32
    %c0_i32_1 = arith.constant 0 : i32
    return %c0_i32, %c0_i32_0 : i32, i32
  }
  func.func @transform_12(%arg0: i32) -> (i32, i32) {
    %c0_i32 = arith.constant 0 : i32
    %c0_i32_0 = arith.constant 0 : i32
    %c0_i32_1 = arith.constant 0 : i32
    return %c0_i32, %c0_i32_0 : i32, i32
  }
  func.func @transform_13(%arg0: i32) -> (i32, i32) {
    %c0_i32 = arith.constant 0 : i32
    %c0_i32_0 = arith.constant 0 : i32
    %c0_i32_1 = arith.constant 0 : i32
    return %c0_i32, %c0_i32_0 : i32, i32
  }
  func.func @transform_14(%arg0: i32) -> (i32, i32) {
    %c0_i32 = arith.constant 0 : i32
    %c0_i32_0 = arith.constant 0 : i32
    %c0_i32_1 = arith.constant 0 : i32
    return %c0_i32, %c0_i32_0 : i32, i32
  }
  func.func @transform_15(%arg0: i32) -> (i32, i32) {
    %c0_i32 = arith.constant 0 : i32
    %c0_i32_0 = arith.constant 0 : i32
    %c0_i32_1 = arith.constant 0 : i32
    return %c0_i32, %c0_i32_0 : i32, i32
  }
  func.func @transform_16(%arg0: i32) -> (i32, i32) {
    %c0_i32 = arith.constant 0 : i32
    %c0_i32_0 = arith.constant 0 : i32
    %c0_i32_1 = arith.constant 0 : i32
    return %c0_i32, %c0_i32_0 : i32, i32
  }
  func.func @transform_17(%arg0: i32) -> (i32, i32) {
    %c0_i32 = arith.constant 0 : i32
    %c0_i32_0 = arith.constant 0 : i32
    %c0_i32_1 = arith.constant 0 : i32
    return %c0_i32, %c0_i32_0 : i32, i32
  }
  func.func @transform_18(%arg0: i32) -> (i32, i32) {
    %c0_i32 = arith.constant 0 : i32
    %c0_i32_0 = arith.constant 0 : i32
    return %arg0, %c0_i32 : i32, i32
  }
}

</mosaic_0001>

<sc_bundles>
// kernel: kernel.10.cloned.1.call-start
scs
__scs_entry_jumppad:
0x0: {  	(pc) =	sbr.rel $0x88, $3  }
0x1: {  	(tag) =	ssettag $0x0;
	lr =	simm.s32 $0x1  }
0x2: {  	[smem:$0x3F87] =	sst lr;
	_ =	strace $0xD0000000  }
0x3: {  	_ = 	snop  }
0x4: {  	_ = 	snop  }
0x5: {  	_ = 	snop  }
0x6: {  	_ = 	snop  }
0x7: {  	_ = 	snop  }
__scs_overlays_trampoline_lowered:
0x8: {  	[smem:$0x3F96] =	sst s0  }
0x9: {  	[smem:$0x3F97] =	sst s1  }
0xa: {  	[smem:$0x3F98] =	sst s2  }
0xb: {  	[smem:$0x3F99] =	sst s3  }
0xc: {  	[smem:$0x3F9A] =	sst s4  }
0xd: {  	[smem:$0x3F9B] =	sst s5  }
0xe: {  	[smem:$0x3F9C] =	sst s6  }
0xf: {  	[smem:$0x3F9D] =	sst s7  }
0x10: {  	[smem:$0x3F9E] =	sst s8  }
0x11: {  	[smem:$0x3F9F] =	sst s9;
	s0 =	simm.s32 @!p0 $0x0  }
0x12: {  	s1 =	sld [smem:$0x3F85];
	s0 =	simm.s32 @p0 $0x1  }
0x13: {  	[smem:$0x3FA0] =	sst s0;
	s0 =	simm.s32 @!p1 $0x0  }
0x14: {  	s2 =	sld [smem:$0x3F84];
	s0 =	simm.s32 @p1 $0x1  }
0x15: {  	[smem:$0x3FA1] =	sst s0;
	s0 =	simm.s32 @!p2 $0x0  }
0x16: {  	s3 =	sld [smem:$0x3FDB];
	s0 =	simm.s32 @p2 $0x1  }
0x17: {  	s4 =	simm.s32 $0x1BF5;
	[smem:$0x3FA3] =	sst s0  }
0x18: {  	s0 =	sld [smem:$0x3F86];
	_ =	swait.ge [sflag:s4], $0x0  }
0x19: {  	s7 =	sld [smem:$0x3F87]  }
0x1a: {  	s8 =	sadd.s32 $0xFFFFE003, lr  }
0x1b: {  	s9 =	sadd.s32 $0xFFFFFEF7, lr;
	s5 =	simm.s32 $0xFFFFFFFF;
	p2 =	slt.u32 s8, $0xFFFFF086  }
0x1c: {  	p1 =	slt.u32 s9, $0xF7A;
	s5 =	simm.s32 @!p2 $0x0  }
0x1d: {  	s5 =	simm.s32 @p1 $0x1;
	p0 =	seq.s32 s7, s2  }
0x1e: {  	s7 =	smul.u32 @!p0 $0xF7A, s2;
	p2 =	seq.s32 @!p0 s5, $0x0  }
0x1f: {  	s9 =	smul.u32 $0xF7A, s1;
	s8 =	simm.s32 @!p0 $0x1BF5;
	p2 =	por !p2, p0  }
0x20: {  	[sflag:s8] =	ssyncset.s32 @!p0 $0xFFFFF086;
	s6 =	sadd.s32 @!p0 s3, s7;
	s7 =	simm.s32 @!p0 $0x108  }
0x21: {  	s3 =	sadd.s32 s3, s9;
	s6 =	sadd.s32 @!p0 $0x88, s6;
	s7 =	simm.s32 @p2 $0x1082  }
0x22: {  	[simem:s7], [sflag:s8] =	dma.local @!p0 [hbm:s6], $0xF7A  }
0x23: {  	s9 =	sor.u32 $0xD0000000, s2;
	s6 =	simm.s32 $0x108;
	_ =	swait.ge @!p0 [sflag:s8], $0x0  }
0x24: {  	s3 =	sadd.s32 $0x88, s3;
	s6 =	simm.s32 @!p1 $0x1082;
	[sflag:s4] =	ssyncset.s32 $0xFFFFF086  }
0x25: {  	[simem:s6], [sflag:s4] =	dma.local [hbm:s3], $0xF7A  }
0x26: {  	[smem:$0x3F87] =	sst s1;
	(tag) =	ssettag s2;
	_ =	strace s9  }
0x27: {  	s1 =	sld [smem:$0x3F97]  }
0x28: {  	s2 =	sld [smem:$0x3F98]  }
0x29: {  	s4 =	sld [smem:$0x3F9A]  }
0x2a: {  	p0 =	seq.s32 s5, $0x0;
	s5 =	sld [smem:$0x3F9B]  }
0x2b: {  	s6 =	sld [smem:$0x3F9C]  }
0x2c: {  	s7 =	sld [smem:$0x3F9D]  }
0x2d: {  	s3 =	simm.s32 $0x108;
	s8 =	sld [smem:$0x3F9E]  }
0x2e: {  	s3 =	simm.s32 @!p0 $0x1082;
	s9 =	sld [smem:$0x3F9F]  }
0x2f: {  	lr =	sadd.s32 s0, s3;
	s0 =	sld [smem:$0x3F96]  }
0x30: {  	s3 =	sld [smem:$0x3F99]  }
0x31: {  	[smem:$0x3FA2] =	sst s10  }
0x32: {  	s10 =	sld [smem:$0x3FA0];
	_ =	sdelay $0x3  }
0x33: {  	p0 =	seq.s32 s10, $0x1;
	s10 =	sld [smem:$0x3FA2];
	_ =	sdelay $0x3  }
0x34: {  	[smem:$0x3FA2] =	sst s10  }
0x35: {  	s10 =	sld [smem:$0x3FA1];
	_ =	sdelay $0x3  }
0x36: {  	p1 =	seq.s32 s10, $0x1;
	s10 =	sld [smem:$0x3FA2];
	_ =	sdelay $0x3  }
0x37: {  	[smem:$0x3FA2] =	sst s10  }
0x38: {  	s10 =	sld [smem:$0x3FA3]  }
0x39: {  	_ = 	snop;
	(pc) =	sbr.ind lr, $3  }
0x3a: {  	_ = 	snop  }
0x3b: {  	_ = 	snop  }
0x3c: {  	p2 =	seq.s32 s10, $0x1;
	s10 =	sld [smem:$0x3FA2]  }
0x3d: {  	_ =	shalt  }
0x3e: {  	_ =	shalt  }
0x3f: {  	_ =	shalt  }
0x40: {  	_ =	shalt  }
0x41: {  	_ =	shalt  }
0x42: {  	_ =	shalt  }
0x43: {  	_ =	shalt  }
0x44: {  	_ =	shalt  }
0x45: {  	_ =	shalt  }
0x46: {  	_ =	shalt  }
0x47: {  	_ =	shalt  }
0x48: {  	_ =	shalt  }
0x49: {  	_ =	shalt  }
0x4a: {  	_ =	shalt  }
0x4b: {  	_ =	shalt  }
0x4c: {  	_ =	shalt  }
0x4d: {  	_ =	shalt  }
0x4e: {  	_ =	shalt  }
0x4f: {  	_ =	shalt  }
0x50: {  	_ =	shalt  }
0x51: {  	_ =	shalt  }
0x52: {  	_ =	shalt  }
0x53: {  	_ =	shalt  }
0x54: {  	_ =	shalt  }
0x55: {  	_ =	shalt  }
0x56: {  	_ =	shalt  }
0x57: {  	_ =	shalt  }
0x58: {  	_ =	shalt  }
0x59: {  	_ =	shalt  }
0x5a: {  	_ =	shalt  }
0x5b: {  	_ =	shalt  }
0x5c: {  	_ =	shalt  }
0x5d: {  	_ =	shalt  }
0x5e: {  	_ =	shalt  }
0x5f: {  	_ =	shalt  }
0x60: {  	_ =	shalt  }
0x61: {  	_ =	shalt  }
0x62: {  	_ =	shalt  }
0x63: {  	_ =	shalt  }
0x64: {  	_ =	shalt  }
0x65: {  	_ =	shalt  }
0x66: {  	_ =	shalt  }
0x67: {  	_ =	shalt  }
0x68: {  	_ =	shalt  }
0x69: {  	_ =	shalt  }
0x6a: {  	_ =	shalt  }
0x6b: {  	_ =	shalt  }
0x6c: {  	_ =	shalt  }
0x6d: {  	_ =	shalt  }
0x6e: {  	_ =	shalt  }
0x6f: {  	_ =	shalt  }
0x70: {  	_ =	shalt  }
0x71: {  	_ =	shalt  }
0x72: {  	_ =	shalt  }
0x73: {  	_ =	shalt  }
0x74: {  	_ =	shalt  }
0x75: {  	_ =	shalt  }
0x76: {  	_ =	shalt  }
0x77: {  	_ =	shalt  }
0x78: {  	_ =	shalt  }
0x79: {  	_ =	shalt  }
0x7a: {  	_ =	shalt  }
0x7b: {  	_ =	shalt  }
0x7c: {  	_ =	shalt  }
0x7d: {  	_ =	shalt  }
0x7e: {  	_ =	shalt  }
0x7f: {  	_ =	shalt  }
0x80: {  	_ =	shalt  }
0x81: {  	_ =	shalt  }
0x82: {  	_ =	shalt  }
0x83: {  	_ =	shalt  }
0x84: {  	_ =	shalt  }
0x85: {  	_ =	shalt  }
0x86: {  	_ =	shalt  }
0x87: {  	_ =	shalt  }
.Lfunc_end0:
.L_simem_size_0:
called_computation.1_lowered:
.L_overlay_start_0:
0x88: {  	s2 =	sld [smem:$0x3FD9]  }
0x89: {  	s3 =	sld [smem:$0x3FFE];
	_ =	sdelay $0x1  }
0x8a: {  	s1 =	srdreg.scid  }
0x8b: {  	s0 =	sand.u32 $0x1, s1  }
0x8c: {  	s17 =	sshll.u32 s0, $0xA;
	s2 =	sadd.s32 s3, s2  }
0x8d: {  	s2 =	sadd.s32 s2, s17  }
0x8e: {  	[smem:$0x3FAE] =	sst s2  }
0x8f: {  	_ = 	snop  }
0x90: {  	s2 =	sld [smem:$0x3FC5];
	(tm) =	ssettm $0x1  }
0x91: {  	s18 =	sld [smem:$0x3FFB];
	_ =	sdelay $0x3  }
0x92: {  	_ =	strace s18  }
0x93: {  	s3 =	sld [smem:$0x3FFC];
	_ =	sdelay $0x3  }
0x94: {  	_ =	strace s3  }
0x95: {  	s3 =	sld [smem:$0x3FFD];
	_ =	sdelay $0x3  }
0x96: {  	_ =	strace s3  }
0x97: {  	_ =	strace $0x8FFFFFFF  }
0x98: {  	s19 =	sld [smem:$0x3FDB];
	_ =	sdelay $0x1  }
0x99: {  	s4 =	simm.s32 $_scs_section_size  }
0x9a: {  	s5 =	simm.s32 $_size__tile_overlayer_lowered;
	s6 =	simm.s32 $_tile_overlayer_lowered  }
0x9b: {  	s22 =	simm.s32 $0x1BFF;
	s21 =	sshll.u32 s6, $0x1;
	s3 =	sadd.s32 s4, s19  }
0x9c: {  	s7 =	simm.s32 $0x0;
	s20 =	sshll.u32 s5, $0x1;
	s5 =	sadd.s32 s21, s3  }
0x9d: {  	[timem:s7], [sflag:s22] =	dma.local [hbm:s5], s20  }
0x9e: {  	_ =	swait.ge [sflag:s22], s20  }
0x9f: {  	s4 =	ssub.s32 $0x0, s20;
	[sflag:s22] =	ssyncset.done $0x0  }
0xa0: {  	[sflag:s22] =	ssyncadd.s32 s4;
	_ =	sdelay $0x1  }
0xa1: {  	s23 =	simm.s32 $0x1B8B  }
0xa2: {  	_ =	swait.ge [sflag:s23], $0x1  }
0xa3: {  	[sflag:s23] =	ssyncset.done $0x0  }
0xa4: {  	s25 =	simm.s32 $0x1B8E;
	s24 =	sld [smem:$0x3FFE];
	[sflag:s23] =	ssyncadd.s32 $0xFFFFFFFF  }
0xa5: {  	s26 =	simm.s32 $execute0_lowered;
	[smem:$0x3FD2] =	sst s25  }
0xa6: {  	s5 =	sshll.u32 s26, $0x1;
	_ =	strace $0x80000049;
	[dreg:$0x1] =	wrdreg $0xFFFFFFFF  }
0xa7: {  	s28 =	simm.s32 $_size_execute0_lowered;
	s3 =	sadd.s32 s3, s5;
	[dreg:$0x0] =	wrdreg $0x0  }
0xa8: {  	s5 =	sshll.u32 s28, $0x1;
	[dreg:$0x2] =	wrdreg s3  }
0xa9: {  	[dreg:$0x3] =	wrdreg s5  }
0xaa: {  	[dreg:$0x4] =	wrdreg $0xC0  }
0xab: {  	_ =	task [dreg:s7], $0x5FFFF  }
0xac: {  	[dreg:$0x1] =	wrdreg $0xFFFFFFFF  }
0xad: {  	[dreg:$0x0] =	wrdreg $0x60  }
0xae: {  	[dreg:$0x2] =	wrdreg s24  }
0xaf: {  	[dreg:$0x3] =	wrdreg s2  }
0xb0: {  	[dreg:$0x4] =	wrdreg $0xD3000  }
0xb1: {  	[dreg:$0x5] =	wrdreg $0x9  }
0xb2: {  	_ =	task.clear_ibuf [dreg:s7], $0x6FFFF;
	_ =	strace $0x90000049  }
0xb3: {  	s29 =	simm.s32 $0x9;
	_ =	strace $0x8000004B  }
0xb4: {  	_ =	swait.ge [sflag:s29], $0x1  }
0xb5: {  	[sflag:s29] =	ssyncadd.s32 $0xFFFFFFFF  }
0xb6: {  	_ =	strace $0x9000004B  }
0xb7: {  	_ =	sfence  }
0xb8: {  	s30 =	sld [smem:$0x0];
	_ =	sdelay $0x2  }
0xb9: {  	s31 =	sshll.u32 s1, $0xD;
	s1 =	sshrl.u32 s1, $0x2  }
0xba: {  	s3 =	sand.u32 $0x4000, s31;
	s1 =	sadd.s32 s1, s30  }
0xbb: {  	s0 =	sor.u32 s3, s0;
	s1 =	sshll.u32 s1, $0x11  }
0xbc: {  	s0 =	sor.u32 s1, s0  }
0xbd: {  	s0 =	sadd.s32 $0x8F2B, s0  }
0xbe: {  	[sflag:s0] =	ssyncadd.remote.s32 $0x1  }
0xbf: {  	_ =	sfence.sel $0xFFFF  }
0xc0: {  	[dreg:$0x0] =	wrdreg $0xFFFFFFFF;
	(pc) =	sbr.abs _section_cstart, $3  }
0xc1: {  	[dreg:$0x1] =	wrdreg $0xFFFFFFFF  }
0xc2: {  	_ =	task.clear_ibuf [dreg:s7], $0x2FFFF;
	_ =	strace $0x9FFFFFFF  }
0xc3: {  	(tm) =	ssettm $0x7FFFFFFF  }
tec
execute0_lowered:
.L_overlay_start_1:
0x0: {  	(tag) =	ssettag $0x1  }
0x1: {  	s0 =	rddreg [dreg:$0x0]  }
0x2: {  	s1 =	rddreg [dreg:$0x1]  }
0x3: {  	s2 =	rddreg [dreg:$0x2];
	s11 =	stileid.u32  }
0x4: {  	s9 =	simm.s32 $0x0;
	s3 =	srdreg.scid;
	s4 =	smul.u32 $0x4B000, s11  }
0x5: {  	s20 =	simm.s32 $0xAB00;
	s21 =	simm.s32 $0x3;
	s5 =	smul.u32 $0x19000, s11  }
0x6: {  	s28 =	simm.s32 $0x2B00;
	s29 =	simm.s32 $0x2;
	s8 =	smul.u32 $0x4E20, s11  }
0x7: {  	[smem:$0x7FF] =	sst s9;
	s3 =	sand.u32 $0x1, s3;
	s15 =	smul.u32 $0x258, s11  }
0x8: {  	s6 =	sadd.s32 $0xC38200, s0;
	s0 =	sadd.s32 $0x3200, s0;
	s22 =	smul.u32 $0xC8, s11  }
0x9: {  	s16 =	sor.u32 $0x2580, s11;
	s7 =	smul.u32 $0x13880, s3;
	s3 =	ssub.s32 $0x2, s3  }
0xa: {  	_ =	strace $0x8000004A;
	[dreg:$0x6] =	wrdreg s0;
	s13 =	sshrl.u32 s3, $0x1  }
0xb: {  	[dreg:$0x7] =	wrdreg s15;
	s4 =	sshrl.u32 s4, $0x2;
	s5 =	sshrl.u32 s5, $0x2  }
0xc: {  	[dreg:$0x8] =	wrdreg s22;
	s22 =	simm.s32 $0x800;
	s0 =	ssub.s32 s3, s13  }
0xd: {  	[dreg:$0x5] =	wrdreg s7;
	s10 =	sadd.s32 s4, s2;
	s0 =	smax.u32 s0, $0x1  }
0xe: {  	s14 =	sadd.s32 $0x13880, s7;
	s23 =	sadd.s32 $0x2580, s10;
	[dreg:$0x9] =	wrdreg s0  }
0xf: {  	s17 =	sadd.s32 s5, s2;
	s24 =	sadd.s32 $0x4B00, s10;
	[dreg:$0xa] =	wrdreg s23  }
.Ltmp0:
0x10: {  	s25 =	sadd.s32 $0x7080, s10;
	[dreg:$0xb] =	wrdreg s24;
	(pc) =	sbr.rel .LBB2_1-.Ltmp0, $4  }
0x11: {  	s26 =	sadd.s32 $0x9600, s10;
	s30 =	sadd.s32 $0xBB80, s10;
	[dreg:$0xc] =	wrdreg s25  }
0x12: {  	s18 =	sadd.s32 $0xE100, s10;
	s19 =	sadd.s32 $0x10680, s10;
	[dreg:$0xd] =	wrdreg s26  }
0x13: {  	v2 =	vimm.f32 $0.0e+00;
	s31 =	sshrl.u32 s17, $0x3;
	[dreg:$0xe] =	wrdreg s30;
	s23 =	simm.s32 $0x1980  }
0x14: {  	v3 =	vlaneseq.u32;
	v1 =	vmov s16;
	v0 =	vmov s14;
	[dreg:$0xf] =	wrdreg s31;
	s25 =	simm.s32 $0x1;
	s26 =	simm.s32 $0x80  }
.LBB2_27:
0x15: {  	s3 =	rddreg [dreg:$0x8]  }
0x16: {  	s3 =	sadd.s32 s3, s31  }
0x17: {  	s4 =	rddreg [dreg:$0x6];
	s3 =	sshll.u32 s3, $0x4  }
0x18: {  	s30 =	rddreg [dreg:$0xf];
	s3 =	sadd.s32 s4, s3  }
0x19: {  	[hbm:s3], [sflag:s0] =	dma.local [spmem:s30], $0xC80  }
0x1a: {  	_ =	swait.ge [sflag:s21], $0xC80  }
0x1b: {  	s9 =	rddreg [dreg:$0x4]  }
0x1c: {  	s31 =	rddreg [dreg:$0x9];
	s9 =	sadd.s32 $0x1, s9  }
0x1d: {  	p0 =	sne.s32 s9, s31  }
.Ltmp1:
0x1e: {  	_ = 	snop;
	(pc) =	sbr.rel @!p0 .LBB2_28-.Ltmp1, $3  }
0x1f: {  	[sflag:s21] =	ssyncset.done $0x0  }
0x20: {  	[sflag:s21] =	ssyncadd.s32 $0xFFFFF380  }
0x21: {  	[bflag:$0x0] =	sbarrier.arrive $0xFFFF;
	_ =	sdelay $0x1  }
.LBB2_1:
0x22: {  	[dreg:$0x4] =	wrdreg s9;
	s0 =	simm.s32 $0x70;
	s3 =	simm.s32 $0x3C0  }
.LBB2_2:
0x23: {  	p0 =	sne.s32 s3, $0x95C0;
	[tilespmem:s0+$0xAB00] =	vst v2  }
0x24: {  	[tilespmem:s0+$0xAA90] =	vst v2  }
0x25: {  	[tilespmem:s0+$0xAAA0] =	vst v2  }
.Ltmp2:
0x26: {  	[tilespmem:s0+$0xAAB0] =	vst v2;
	(pc) =	sbr.rel @p0 .LBB2_2-.Ltmp2, $4  }
0x27: {  	[tilespmem:s0+$0xAAC0] =	vst v2  }
0x28: {  	[tilespmem:s0+$0xAAD0] =	vst v2  }
0x29: {  	[tilespmem:s0+$0xAAE0] =	vst v2  }
0x2a: {  	[tilespmem:s0+$0xAAF0] =	vst v2;
	s0 =	sshra.s32 s3, $0x2;
	s3 =	sadd.s32 $0x200, s3  }
0x2b: {  	[tilespmem:s0+$0xAB00] =	vst v2  }
0x2c: {  	[tilespmem:s0+$0xAA90] =	vst v2  }
0x2d: {  	[tilespmem:s0+$0xAAA0] =	vst v2  }
0x2e: {  	[tilespmem:s0+$0xAAB0] =	vst v2  }
0x2f: {  	[tilespmem:s0+$0xAAC0] =	vst v2  }
0x30: {  	[tilespmem:s0+$0xAAD0] =	vst v2  }
0x31: {  	[tilespmem:s0+$0xAAE0] =	vst v2  }
0x32: {  	s30 =	simm.s32 $0x0;
	[tilespmem:s0+$0xAAF0] =	vst v2  }
.LBB2_4:
0x33: {  	[spmem:s10] =	stream.linear.scatter [tilespmem:s20], [sflag:$0x3], $0x2580, $0x38;
	[tilespmem:$0x1FF80] =	vst v63  }
0x34: {  	_ =	swait.ge [sflag:s21], $0x2580  }
0x35: {  	[sflag:s21] =	ssyncset.done $0x0  }
0x36: {  	s0 =	rddreg [dreg:$0xa];
	[sflag:s21] =	ssyncadd.s32 $0xFFFFDA80  }
0x37: {  	[spmem:s0] =	stream.linear.scatter [tilespmem:s20], [sflag:$0x3], $0x2580, $0x38;
	[tilespmem:$0x1FF80] =	vst v63  }
0x38: {  	_ =	swait.ge [sflag:s21], $0x2580  }
0x39: {  	[sflag:s21] =	ssyncset.done $0x0  }
0x3a: {  	s14 =	rddreg [dreg:$0xb];
	[sflag:s21] =	ssyncadd.s32 $0xFFFFDA80  }
0x3b: {  	[spmem:s14] =	stream.linear.scatter [tilespmem:s20], [sflag:$0x3], $0x2580, $0x38;
	[tilespmem:$0x1FF80] =	vst v63  }
0x3c: {  	_ =	swait.ge [sflag:s21], $0x2580  }
0x3d: {  	[sflag:s21] =	ssyncset.done $0x0  }
0x3e: {  	s15 =	rddreg [dreg:$0xc];
	[sflag:s21] =	ssyncadd.s32 $0xFFFFDA80  }
0x3f: {  	[spmem:s15] =	stream.linear.scatter [tilespmem:s20], [sflag:$0x3], $0x2580, $0x38;
	[tilespmem:$0x1FF80] =	vst v63  }
0x40: {  	_ =	swait.ge [sflag:s21], $0x2580  }
0x41: {  	[sflag:s21] =	ssyncset.done $0x0  }
0x42: {  	s16 =	rddreg [dreg:$0xd];
	[sflag:s21] =	ssyncadd.s32 $0xFFFFDA80  }
0x43: {  	[spmem:s16] =	stream.linear.scatter [tilespmem:s20], [sflag:$0x3], $0x2580, $0x38;
	[tilespmem:$0x1FF80] =	vst v63  }
0x44: {  	_ =	swait.ge [sflag:s21], $0x2580  }
0x45: {  	[sflag:s21] =	ssyncset.done $0x0  }
0x46: {  	s17 =	rddreg [dreg:$0xe];
	[sflag:s21] =	ssyncadd.s32 $0xFFFFDA80  }
0x47: {  	[spmem:s17] =	stream.linear.scatter [tilespmem:s20], [sflag:$0x3], $0x2580, $0x38;
	[tilespmem:$0x1FF80] =	vst v63  }
0x48: {  	_ =	swait.ge [sflag:s21], $0x2580  }
0x49: {  	[sflag:s21] =	ssyncset.done $0x0  }
0x4a: {  	[sflag:s21] =	ssyncadd.s32 $0xFFFFDA80  }
0x4b: {  	[spmem:s18] =	stream.linear.scatter [tilespmem:s20], [sflag:$0x3], $0x2580, $0x38;
	[tilespmem:$0x1FF80] =	vst v63  }
0x4c: {  	_ =	swait.ge [sflag:s21], $0x2580  }
0x4d: {  	[sflag:s21] =	ssyncset.done $0x0  }
0x4e: {  	[sflag:s21] =	ssyncadd.s32 $0xFFFFDA80  }
0x4f: {  	[spmem:s19] =	stream.linear.scatter [tilespmem:s20], [sflag:$0x3], $0x2580, $0x38;
	[tilespmem:$0x1FF80] =	vst v63  }
.Ltmp3:
0x50: {  	_ =	swait.ge [sflag:s21], $0x2580;
	(pc) =	sbr.rel .LBB2_5-.Ltmp3, $4  }
0x51: {  	s24 =	smul.u32 $0x2580, s30;
	[sflag:s21] =	ssyncset.done $0x0  }
0x52: {  	s3 =	rddreg [dreg:$0x5];
	[sflag:s21] =	ssyncadd.s32 $0xFFFFDA80  }
0x53: {  	s31 =	sadd.s32 s3, s24;
	[bflag:$0x0] =	sbarrier.arrive $0xFFFF  }
0x54: {  	s0 =	simm.s32 $0x0;
	s24 =	simm.s32 $0x0;
	v4 =	vmov s31  }
.LBB2_16:
0x55: {  	s0 =	sadd.s32 $0x1, s0  }
0x56: {  	p0 =	sne.s32 s0, $0xA  }
.Ltmp4:
0x57: {  	_ = 	snop;
	(pc) =	sbr.rel @!p0 .LBB2_17-.Ltmp4, $1  }
0x58: {  	_ =	sdelay $0x3  }
.LBB2_5:
0x59: {  	s3 =	smul.u32 $0x7D0, s0;
	_ =	sdelay $0x1  }
0x5a: {  	s11 =	sadd.s32 s8, s3  }
0x5b: {  	s3 =	sshrl.u32 s11, $0x3  }
.Ltmp5:
0x5c: {  	s12 =	simm.s32 $0x0;
	s3 =	sadd.s32 s1, s3;
	(pc) =	sbr.rel .LBB2_6-.Ltmp5, $4  }
0x5d: {  	[tilespmem:s12], [sflag:$0x3] =	stream.linear.gather [hbm4b:s3+s12], $0x7D0, $0x38;
	[tilespmem:$0x1FF80] =	vst v63  }
0x5e: {  	_ =	swait.ge [sflag:s21], $0x7D0  }
0x5f: {  	[sflag:s21] =	ssyncset.done $0x0  }
0x60: {  	[sflag:s21] =	ssyncadd.s32 $0xFFFFF830  }
.LBB2_13:
0x61: {  	[spmem:s2] =	stream.indirect.scatter.add.f32 [tilespmem:s15], [sflag:$0x2], $0x80, s9, s26, $0xb8;
	[tilespmem:$0x1FF80] =	vst v63  }
.LBB2_14:
0x62: {  	_ =	swait.ge [sflag:s29], $0x4000  }
0x63: {  	[sflag:s29] =	ssyncset.done $0x0  }
0x64: {  	[sflag:s29] =	ssyncadd.s32 $0xFFFFC000  }
.LBB2_15:
0x65: {  	s12 =	sadd.s32 $0x1, s12  }
0x66: {  	p1 =	sne.s32 s12, $0x19  }
.Ltmp6:
0x67: {  	_ = 	snop;
	(pc) =	sbr.rel @!p1 .LBB2_16-.Ltmp6, $3  }
0x68: {  	_ =	sdelay $0x1  }
0x69: {  	p0 =	sgt.s32 s24, $0x10B0  }
0x6a: {  	s24 =	simm.s32 @p0 $0x0  }
.LBB2_6:
0x6b: {  	s4 =	smul.u32 $0x50, s12;
	_ =	sdelay $0x1  }
0x6c: {  	v5 =	vld [tilespmem:s4+$0x0];
	_ =	sdelay $0x4  }
0x6d: {  	v6 =	vsub.s32 v5, v4  }
0x6e: {  	vm1 =	vlt.s32 v5, v0;
	vm0 =	vlt.u32 v6, $0x2580  }
0x6f: {  	vm0 =	vmand vm1, vm0  }
0x70: {  	v5 =	vmpcnt.ones.xlane vm0;
	_ =	sdelay $0x1  }
0x71: {  	(v2sf) =	vpush v5, $0x0;
	_ =	sdelay $0x4  }
0x72: {  	s5 =	sadd.s32 s11, s4  }
0x73: {  	v5 =	vor.u32 s5, v3  }
0x74: {  	[tilespmem:s24+$0x800] =	vst.msk vm0, v5  }
0x75: {  	[tilespmem:s24+$0x1980] =	vst.msk vm0, v6  }
0x76: {  	v5 =	vld [tilespmem:s4+$0x10];
	_ =	sdelay $0x4  }
0x77: {  	s17 =	sadd.s32 $0x10, s4;
	v6 =	vsub.s32 v5, v4  }
0x78: {  	s5 =	sadd.s32 s11, s17;
	vm9 =	vlt.s32 v5, v0;
	vm8 =	vlt.u32 v6, $0x2580;
	s9 =	spop (v2sf)  }
0x79: {  	v5 =	vor.u32 s5, v3;
	vm0 =	vmand vm9, vm8;
	s7 =	sadd.s32 s24, s9  }
0x7a: {  	[tilespmem:s7+$0x800] =	vst.msk vm0, v5;
	v5 =	vmpcnt.ones.xlane vm0  }
0x7b: {  	[tilespmem:s7+$0x1980] =	vst.msk vm0, v6  }
0x7c: {  	(v2sf) =	vpush v5, $0x0;
	v5 =	vld [tilespmem:s4+$0x20];
	_ =	sdelay $0x4  }
0x7d: {  	v6 =	vsub.s32 v5, v4  }
0x7e: {  	vm11 =	vlt.s32 v5, v0;
	vm10 =	vlt.u32 v6, $0x2580  }
0x7f: {  	vm0 =	vmand vm11, vm10  }
0x80: {  	v5 =	vmpcnt.ones.xlane vm0;
	_ =	sdelay $0x1  }
0x81: {  	(v2sf) =	vpush v5, $0x0;
	_ =	sdelay $0x3  }
0x82: {  	s13 =	sadd.s32 $0x20, s4  }
0x83: {  	s13 =	sadd.s32 s11, s13;
	s5 =	spop (v2sf)  }
0x84: {  	v5 =	vor.u32 s13, v3;
	s14 =	sadd.s32 s7, s5  }
0x85: {  	[tilespmem:s14+$0x800] =	vst.msk vm0, v5  }
0x86: {  	[tilespmem:s14+$0x1980] =	vst.msk vm0, v6  }
0x87: {  	v5 =	vld [tilespmem:s4+$0x30];
	_ =	sdelay $0x4  }
0x88: {  	s3 =	smov.u32 s24;
	s24 =	sadd.s32 $0x30, s4;
	v6 =	vsub.s32 v5, v4  }
0x89: {  	s13 =	sadd.s32 s11, s24;
	vm13 =	vlt.s32 v5, v0;
	s7 =	spop (v2sf);
	vm12 =	vlt.u32 v6, $0x2580  }
0x8a: {  	v5 =	vor.u32 s13, v3;
	s14 =	sadd.s32 s14, s7;
	vm0 =	vmand vm13, vm12  }
0x8b: {  	[tilespmem:s14+$0x800] =	vst.msk vm0, v5  }
0x8c: {  	[tilespmem:s14+$0x1980] =	vst.msk vm0, v6  }
0x8d: {  	v5 =	vld [tilespmem:s4+$0x40];
	_ =	sdelay $0x4  }
0x8e: {  	v6 =	vsub.s32 v5, v4  }
0x8f: {  	vm2 =	vlt.s32 v5, v0;
	vm14 =	vlt.u32 v6, $0x2580  }
0x90: {  	v5 =	vmpcnt.ones.xlane vm0;
	vm15 =	vmand vm2, vm14  }
0x91: {  	v7 =	vmpcnt.ones.xlane vm15  }
0x92: {  	(v2sf) =	vpush v5, $0x0  }
0x93: {  	(v2sf) =	vpush v7, $0x0;
	_ =	sdelay $0xd  }
0x94: {  	s4 =	sadd.s32 $0x40, s4;
	s13 =	spop (v2sf)  }
0x95: {  	s15 =	sadd.s32 s11, s4;
	s14 =	sadd.s32 s14, s13;
	s4 =	spop (v2sf)  }
0x96: {  	s24 =	sadd.s32 s14, s4  }
0x97: {  	p0 =	slt.s32 s24, $0x10B1  }
.Ltmp7:
0x98: {  	_ = 	snop;
	(pc) =	sbr.rel @p0 .LBB2_15-.Ltmp7, $4  }
0x99: {  	_ = 	snop  }
0x9a: {  	v5 =	vor.u32 s15, v3  }
0x9b: {  	[tilespmem:s14+$0x800] =	vst.msk vm15, v5  }
0x9c: {  	[tilespmem:s14+$0x1980] =	vst.msk vm15, v6  }
0x9d: {  	s7 =	sadd.s32 s13, s7  }
0x9e: {  	s4 =	sadd.s32 s4, s7  }
0x9f: {  	s4 =	sadd.s32 s9, s4  }
0xa0: {  	s4 =	sadd.s32 s5, s4  }
0xa1: {  	s3 =	sadd.s32 s3, s4  }
0xa2: {  	s4 =	sadd.s32 $0x0, s3  }
0xa3: {  	v5 =	vadd.s32 s4, v3;
	_ =	sdelay $0x2  }
0xa4: {  	s17 =	sadd.s32 $0x0, s8  }
0xa5: {  	v6 =	vor.u32 s17, v3;
	s4 =	simm.s32 $0x10  }
.LBB2_8:
0xa6: {  	s5 =	sadd.s32 s4, s3;
	[tilespmem:v5+s22+$0x0] =	vst.idx.msk $0xffff, v6;
	s7 =	smov.u32 s4;
	p0 =	sne.s32 s4, $0x70  }
.Ltmp8:
0xa7: {  	s4 =	sadd.s32 $0x10, s4;
	[tilespmem:v5+s23+$0x0] =	vst.idx.msk $0xffff, v1;
	v5 =	vadd.s32 s5, v3;
	(pc) =	sbr.rel @p0 .LBB2_8-.Ltmp8, $3  }
0xa8: {  	_ =	sdelay $0x1  }
0xa9: {  	s5 =	sadd.s32 s7, s8  }
0xaa: {  	v6 =	vor.u32 s5, v3  }
0xab: {  	s3 =	sadd.s32 $0x7F, s24  }
0xac: {  	s4 =	sand.u32 $0x7F, s3  }
0xad: {  	s17 =	sshra.s32 s3, $0x1F;
	p1 =	slt.s32 s3, $0x0;
	p0 =	sne.s32 s4, $0x0  }
0xae: {  	s4 =	sshrl.u32 s17, $0x19;
	p0 =	por !p1, !p0  }
0xaf: {  	s5 =	simm.s32 $0x1;
	s3 =	sadd.s32 s4, s3;
	p0 =	por !p0, !p0  }
0xb0: {  	s4 =	sshra.s32 s3, $0x7;
	s5 =	simm.s32 @!p0 $0x0  }
0xb1: {  	s3 =	ssub.s32 s4, s5  }
0xb2: {  	p1 =	slt.s32 s3, $0x1  }
.Ltmp9:
0xb3: {  	_ = 	snop;
	(pc) =	sbr.rel @p1 .LBB2_15-.Ltmp9, $3  }
0xb4: {  	_ =	sdelay $0x1  }
0xb5: {  	[tilespmem:v5+s22+$0x0] =	vst.idx.msk $0xffff, v6  }
0xb6: {  	[tilespmem:v5+s23+$0x0] =	vst.idx.msk $0xffff, v1  }
0xb7: {  	[tilespmem:s28], [sflag:$0x1] =	stream.indirect.gather [hbm4b:s6+s26], $0x80, s22, s26, $0xb8;
	[tilespmem:$0x1FF80] =	vst v63  }
0xb8: {  	p1 =	seq.s32 s3, $0x1  }
0xb9: {  	s5 =	simm.s32 @!p1 $0x80;
	s7 =	simm.s32 @!p1 $0x880;
	s9 =	simm.s32 @!p1 $0x6B00  }
0xba: {  	[tilespmem:s9], [sflag:$0x1] =	stream.indirect.gather @!p1 [hbm4b:s6+s5], $0x80, s7, s5, $0xb8;
	[tilespmem:$0x1FF80] =	vst v63  }
.Ltmp10:
0xbb: {  	_ = 	snop;
	(pc) =	sbr.rel @p1 .LBB2_14-.Ltmp10, $4  }
0xbc: {  	_ =	swait.ge [sflag:s25], $0x4000  }
0xbd: {  	[sflag:s25] =	ssyncset.done $0x0  }
0xbe: {  	[sflag:s25] =	ssyncadd.s32 $0xFFFFC000  }
0xbf: {  	[spmem:s2] =	stream.indirect.scatter.add.f32 [tilespmem:s28], [sflag:$0x2], $0x80, s23, s26, $0xb8;
	[tilespmem:$0x1FF80] =	vst v63  }
0xc0: {  	s5 =	simm.s32 $0xFFFFFFFF  }
0xc1: {  	s9 =	simm.s32 $0x1A00;
	s7 =	simm.s32 $0x20000;
	s13 =	simm.s32 $0x900  }
0xc2: {  	p1 =	sle.s32 s3, $0x2;
	_ =	swait.ge [sflag:s29], $0x4000;
	s5 =	simm.s32 @!p0 $0x0  }
0xc3: {  	s14 =	simm.s32 $0x10000;
	s7 =	sand.u32 @!p1 $0x10000, s7;
	s4 =	sadd.s32 s5, s4  }
0xc4: {  	[sflag:s29] =	ssyncset.done $0x0;
	s15 =	simm.s32 @!p1 $0x80;
	s4 =	sadd.s32 $0xFFFFFFFF, s4  }
0xc5: {  	s17 =	sand.u32 $0x10000, s14;
	s7 =	sshrl.u32 @!p1 s7, $0x2;
	p0 =	sne.s32 s4, $0x1  }
.Ltmp11:
0xc6: {  	[sflag:s29] =	ssyncadd.s32 $0xFFFFC000;
	s7 =	sor.u32 @!p1 $0x2B00, s7;
	(pc) =	sbr.rel @!p0 .LBB2_13-.Ltmp11, $4  }
0xc7: {  	[tilespmem:s7], [sflag:$0x1] =	stream.indirect.gather @!p1 [hbm4b:s6+s15], $0x80, s13, s15, $0xb8;
	[tilespmem:$0x1FF80] =	vst v63  }
0xc8: {  	s5 =	simm.s32 $0x1;
	s14 =	sshrl.u32 s17, $0x2;
	_ =	swait.ge [sflag:s25], $0x4000  }
0xc9: {  	s7 =	simm.s32 $0x980;
	s13 =	simm.s32 $0x30000;
	[sflag:s25] =	ssyncset.done $0x0  }
0xca: {  	s15 =	sor.u32 $0x2B00, s14;
	s14 =	simm.s32 $0x1A80;
	[sflag:s25] =	ssyncadd.s32 $0xFFFFC000  }
.LBB2_12:
0xcb: {  	[spmem:s2] =	stream.indirect.scatter.add.f32 [tilespmem:s15], [sflag:$0x2], $0x80, s9, s26, $0xb8;
	[tilespmem:$0x1FF80] =	vst v63  }
0xcc: {  	s15 =	sadd.s32 $0x2, s5;
	s5 =	sadd.s32 $0x1, s5;
	s9 =	smov.u32 s14  }
0xcd: {  	p1 =	sge.s32 s15, s3;
	p0 =	sne.s32 s4, s5  }
0xce: {  	s16 =	sadd.s32 $0xFFFF0000, s13;
	s15 =	sand.u32 @!p1 $0x10000, s13;
	_ =	swait.ge [sflag:s29], $0x4000  }
0xcf: {  	s17 =	simm.s32 @!p1 $0x80;
	s15 =	sshrl.u32 @!p1 s15, $0x2;
	[sflag:s29] =	ssyncset.done $0x0  }
.Ltmp12:
0xd0: {  	s15 =	sor.u32 @!p1 $0x2B00, s15;
	[sflag:s29] =	ssyncadd.s32 $0xFFFFC000;
	(pc) =	sbr.rel @p0 .LBB2_12-.Ltmp12, $4  }
0xd1: {  	[tilespmem:s15], [sflag:$0x1] =	stream.indirect.gather @!p1 [hbm4b:s6+s17], $0x80, s7, s17, $0xb8;
	[tilespmem:$0x1FF80] =	vst v63  }
0xd2: {  	s15 =	sand.u32 $0x10000, s16;
	s7 =	sadd.s32 $0x80, s7;
	_ =	swait.ge [sflag:s25], $0x4000  }
0xd3: {  	s13 =	sadd.s32 $0x10000, s13;
	s15 =	sshrl.u32 s15, $0x2;
	[sflag:s25] =	ssyncset.done $0x0  }
0xd4: {  	s14 =	sadd.s32 $0x80, s14;
	s15 =	sor.u32 $0x2B00, s15;
	[sflag:s25] =	ssyncadd.s32 $0xFFFFC000  }
.Ltmp13:
0xd5: {  	_ = 	snop;
	(pc) =	sbr.rel .LBB2_13-.Ltmp13, $1  }
0xd6: {  	_ =	sdelay $0x3  }
.LBB2_17:
0xd7: {  	s0 =	sadd.s32 $0x0, s24  }
0xd8: {  	v4 =	vadd.s32 s0, v3;
	_ =	sdelay $0x2  }
0xd9: {  	s3 =	sadd.s32 $0x0, s8  }
0xda: {  	s0 =	simm.s32 $0x10;
	v5 =	vor.u32 s3, v3  }
.LBB2_18:
0xdb: {  	s3 =	sadd.s32 s0, s24;
	[tilespmem:v4+s22+$0x0] =	vst.idx.msk $0xffff, v5;
	s4 =	smov.u32 s0;
	p0 =	sne.s32 s0, $0x70  }
.Ltmp14:
0xdc: {  	s0 =	sadd.s32 $0x10, s0;
	[tilespmem:v4+s23+$0x0] =	vst.idx.msk $0xffff, v1;
	v4 =	vadd.s32 s3, v3;
	(pc) =	sbr.rel @p0 .LBB2_18-.Ltmp14, $3  }
0xdd: {  	_ =	sdelay $0x1  }
0xde: {  	s3 =	sadd.s32 s4, s8  }
0xdf: {  	v5 =	vor.u32 s3, v3  }
0xe0: {  	s0 =	sadd.s32 $0x7F, s24  }
0xe1: {  	s3 =	sand.u32 $0x7F, s0  }
0xe2: {  	s24 =	sshra.s32 s0, $0x1F;
	p1 =	slt.s32 s0, $0x1;
	p0 =	sne.s32 s3, $0x0  }
0xe3: {  	s3 =	sshrl.u32 s24, $0x19;
	p0 =	por !p1, !p0  }
0xe4: {  	s4 =	simm.s32 $0x1;
	s0 =	sadd.s32 s3, s0;
	p0 =	por !p0, !p0  }
0xe5: {  	s3 =	sshra.s32 s0, $0x7;
	s4 =	simm.s32 @!p0 $0x0  }
0xe6: {  	s0 =	ssub.s32 s3, s4  }
0xe7: {  	p1 =	slt.s32 s0, $0x1  }
.Ltmp15:
0xe8: {  	_ = 	snop;
	(pc) =	sbr.rel @p1 .LBB2_25-.Ltmp15, $3  }
0xe9: {  	_ =	sdelay $0x1  }
0xea: {  	[tilespmem:v4+s22+$0x0] =	vst.idx.msk $0xffff, v5  }
0xeb: {  	[tilespmem:v4+s23+$0x0] =	vst.idx.msk $0xffff, v1  }
0xec: {  	[tilespmem:s28], [sflag:$0x1] =	stream.indirect.gather [hbm4b:s6+s26], $0x80, s22, s26, $0xb8;
	[tilespmem:$0x1FF80] =	vst v63  }
0xed: {  	p1 =	seq.s32 s0, $0x1  }
0xee: {  	s4 =	simm.s32 @!p1 $0x80;
	s5 =	simm.s32 @!p1 $0x880;
	s7 =	simm.s32 @!p1 $0x6B00  }
0xef: {  	[tilespmem:s7], [sflag:$0x1] =	stream.indirect.gather @!p1 [hbm4b:s6+s4], $0x80, s5, s4, $0xb8;
	[tilespmem:$0x1FF80] =	vst v63  }
.Ltmp16:
0xf0: {  	_ = 	snop;
	(pc) =	sbr.rel @p1 .LBB2_24-.Ltmp16, $4  }
0xf1: {  	_ =	swait.ge [sflag:s25], $0x4000  }
0xf2: {  	[sflag:s25] =	ssyncset.done $0x0  }
0xf3: {  	[sflag:s25] =	ssyncadd.s32 $0xFFFFC000  }
0xf4: {  	[spmem:s2] =	stream.indirect.scatter.add.f32 [tilespmem:s28], [sflag:$0x2], $0x80, s23, s26, $0xb8;
	[tilespmem:$0x1FF80] =	vst v63  }
0xf5: {  	s4 =	simm.s32 $0xFFFFFFFF  }
0xf6: {  	s7 =	simm.s32 $0x20000;
	s9 =	simm.s32 $0x900;
	s5 =	simm.s32 $0x1  }
0xf7: {  	p1 =	sle.s32 s0, $0x2;
	_ =	swait.ge [sflag:s29], $0x4000;
	s4 =	simm.s32 @!p0 $0x0  }
0xf8: {  	s11 =	simm.s32 $0x10000;
	s7 =	sand.u32 @!p1 $0x10000, s7;
	s3 =	sadd.s32 s4, s3  }
0xf9: {  	[sflag:s29] =	ssyncset.done $0x0;
	s12 =	simm.s32 @!p1 $0x80;
	s3 =	sadd.s32 $0xFFFFFFFF, s3  }
0xfa: {  	s24 =	sand.u32 $0x10000, s11;
	s7 =	sshrl.u32 @!p1 s7, $0x2;
	p0 =	sne.s32 s3, $0x1  }
.Ltmp17:
0xfb: {  	[sflag:s29] =	ssyncadd.s32 $0xFFFFC000;
	s7 =	sor.u32 @!p1 $0x2B00, s7;
	(pc) =	sbr.rel @!p0 .LBB2_23-.Ltmp17, $4  }
0xfc: {  	[tilespmem:s7], [sflag:$0x1] =	stream.indirect.gather @!p1 [hbm4b:s6+s12], $0x80, s9, s12, $0xb8;
	[tilespmem:$0x1FF80] =	vst v63  }
0xfd: {  	s4 =	simm.s32 $0x1A00;
	s11 =	sshrl.u32 s24, $0x2;
	_ =	swait.ge [sflag:s25], $0x4000  }
0xfe: {  	s7 =	simm.s32 $0x980;
	s9 =	simm.s32 $0x30000;
	[sflag:s25] =	ssyncset.done $0x0  }
0xff: {  	s12 =	sor.u32 $0x2B00, s11;
	s11 =	simm.s32 $0x1A80;
	[sflag:s25] =	ssyncadd.s32 $0xFFFFC000  }
.LBB2_22:
0x100: {  	[spmem:s2] =	stream.indirect.scatter.add.f32 [tilespmem:s12], [sflag:$0x2], $0x80, s4, s26, $0xb8;
	[tilespmem:$0x1FF80] =	vst v63  }
0x101: {  	s12 =	sadd.s32 $0x2, s5;
	s5 =	sadd.s32 $0x1, s5;
	s4 =	smov.u32 s11  }
0x102: {  	p1 =	sge.s32 s12, s0;
	p0 =	sne.s32 s3, s5  }
0x103: {  	s13 =	sadd.s32 $0xFFFF0000, s9;
	s12 =	sand.u32 @!p1 $0x10000, s9;
	_ =	swait.ge [sflag:s29], $0x4000  }
0x104: {  	s14 =	simm.s32 @!p1 $0x80;
	s12 =	sshrl.u32 @!p1 s12, $0x2;
	[sflag:s29] =	ssyncset.done $0x0  }
.Ltmp18:
0x105: {  	s12 =	sor.u32 @!p1 $0x2B00, s12;
	[sflag:s29] =	ssyncadd.s32 $0xFFFFC000;
	(pc) =	sbr.rel @p0 .LBB2_22-.Ltmp18, $4  }
0x106: {  	[tilespmem:s12], [sflag:$0x1] =	stream.indirect.gather @!p1 [hbm4b:s6+s14], $0x80, s7, s14, $0xb8;
	[tilespmem:$0x1FF80] =	vst v63  }
0x107: {  	s12 =	sand.u32 $0x10000, s13;
	s7 =	sadd.s32 $0x80, s7;
	_ =	swait.ge [sflag:s25], $0x4000  }
0x108: {  	s9 =	sadd.s32 $0x10000, s9;
	s12 =	sshrl.u32 s12, $0x2;
	[sflag:s25] =	ssyncset.done $0x0  }
0x109: {  	s11 =	sadd.s32 $0x80, s11;
	s12 =	sor.u32 $0x2B00, s12;
	[sflag:s25] =	ssyncadd.s32 $0xFFFFC000  }
.LBB2_23:
0x10a: {  	[spmem:s2] =	stream.indirect.scatter.add.f32 [tilespmem:s12], [sflag:$0x2], $0x80, s4, s26, $0xb8;
	[tilespmem:$0x1FF80] =	vst v63  }
.LBB2_24:
0x10b: {  	_ =	swait.ge [sflag:s29], $0x4000  }
0x10c: {  	[sflag:s29] =	ssyncset.done $0x0  }
0x10d: {  	[sflag:s29] =	ssyncadd.s32 $0xFFFFC000  }
.LBB2_25:
0x10e: {  	p0 =	seq.s32 s30, $0x8  }
.Ltmp19:
0x10f: {  	_ = 	snop;
	(pc) =	sbr.rel @p0 .LBB2_27-.Ltmp19, $4  }
0x110: {  	_ = 	snop  }
0x111: {  	s0 =	stileid.u32  }
0x112: {  	[bflag:$0x0] =	sbarrier.arrive $0xFFFF;
	s0 =	sshll.u32 s0, $0x6  }
0x113: {  	s0 =	sor.u32 $0x1C03, s0  }
0x114: {  	s3 =	rddreg [dreg:$0x7]  }
0x115: {  	s3 =	sadd.s32 s3, s31  }
0x116: {  	s4 =	rddreg [dreg:$0x6];
	s3 =	sshll.u32 s3, $0x4  }
0x117: {  	s31 =	sshrl.u32 s10, $0x3;
	s3 =	sadd.s32 s4, s3  }
0x118: {  	[hbm:s3], [sflag:s0] =	dma.local [spmem:s31], $0x2580  }
.Ltmp20:
0x119: {  	_ =	swait.ge [sflag:s21], $0x2580;
	(pc) =	sbr.rel .LBB2_4-.Ltmp20, $4  }
0x11a: {  	[sflag:s21] =	ssyncset.done $0x0  }
0x11b: {  	[sflag:s21] =	ssyncadd.s32 $0xFFFFDA80  }
0x11c: {  	[bflag:$0x0] =	sbarrier.arrive $0xFFFF  }
0x11d: {  	s30 =	sadd.s32 $0x1, s30  }
.LBB2_28:
0x11e: {  	_ =	sfence.sel $0x180000  }
0x11f: {  	[bflag:$0x0] =	sbarrier.arrive $0xFFFF  }
0x120: {  	_ =	strace $0x9000004A  }
0x121: {  	s0 =	stileid.u32;
	[bflag:$0x2] =	sbarrier.arrive $0xFFFF  }
0x122: {  	p0 =	sne.s32 s0, $0x0;
	s0 =	rddreg [dreg:$0x3]  }
0x123: {  	s0 =	sadd.s32 @!p0 $0x100000, s0  }
0x124: {  	[sflag:s0] =	ssyncadd.tile.s32 @!p0 $0x1;
	_ =	shalt  }
.Lfunc_end2:
_tile_overlayer_lowered:
.L_overlay_start_2:
0x125: {  	(tag) =	ssettag $0x2  }
0x126: {  	s0 =	rddreg [dreg:$0x0];
	s2 =	stileid.u32  }
0x127: {  	s1 =	rddreg [dreg:$0x1];
	p0 =	sne.s32 s2, $0x0  }
0x128: {  	s3 =	rddreg [dreg:$0x2];
	[bflag:$0x3] =	sbarrier.arrive $0xFFFF;
	s2 =	simm.s32 @!p0 $0x1C03  }
0x129: {  	[timem:s3], [sflag:s2] =	dma.local @!p0 [hbm:s0], s1  }
0x12a: {  	s0 =	simm.s32 @!p0 $0x3  }
0x12b: {  	_ =	swait.ge @!p0 [sflag:s0], s1  }
0x12c: {  	s1 =	ssub.s32 @!p0 $0x0, s1;
	[sflag:s0] =	ssyncset.done @!p0 $0x0  }
0x12d: {  	[sflag:s0] =	ssyncadd.s32 @!p0 s1  }
0x12e: {  	[bflag:$0x3] =	sbarrier.arrive $0xFFFF  }
0x12f: {  	_ =	shalt  }

// kernel: kernel.7.cloned.1.call-start
scs
__scs_entry_jumppad:
0x0: {  	(pc) =	sbr.rel $0x88, $3  }
0x1: {  	(tag) =	ssettag $0x0;
	lr =	simm.s32 $0x1  }
0x2: {  	[smem:$0x3F87] =	sst lr;
	_ =	strace $0xD0000000  }
0x3: {  	_ = 	snop  }
0x4: {  	_ = 	snop  }
0x5: {  	_ = 	snop  }
0x6: {  	_ = 	snop  }
0x7: {  	_ = 	snop  }
__scs_overlays_trampoline_lowered:
0x8: {  	[smem:$0x3F96] =	sst s0  }
0x9: {  	[smem:$0x3F97] =	sst s1  }
0xa: {  	[smem:$0x3F98] =	sst s2  }
0xb: {  	[smem:$0x3F99] =	sst s3  }
0xc: {  	[smem:$0x3F9A] =	sst s4  }
0xd: {  	[smem:$0x3F9B] =	sst s5  }
0xe: {  	[smem:$0x3F9C] =	sst s6  }
0xf: {  	[smem:$0x3F9D] =	sst s7  }
0x10: {  	[smem:$0x3F9E] =	sst s8  }
0x11: {  	[smem:$0x3F9F] =	sst s9;
	s0 =	simm.s32 @!p0 $0x0  }
0x12: {  	s1 =	sld [smem:$0x3F85];
	s0 =	simm.s32 @p0 $0x1  }
0x13: {  	[smem:$0x3FA0] =	sst s0;
	s0 =	simm.s32 @!p1 $0x0  }
0x14: {  	s2 =	sld [smem:$0x3F84];
	s0 =	simm.s32 @p1 $0x1  }
0x15: {  	[smem:$0x3FA1] =	sst s0;
	s0 =	simm.s32 @!p2 $0x0  }
0x16: {  	s3 =	sld [smem:$0x3FDB];
	s0 =	simm.s32 @p2 $0x1  }
0x17: {  	s4 =	simm.s32 $0x1BF5;
	[smem:$0x3FA3] =	sst s0  }
0x18: {  	s0 =	sld [smem:$0x3F86];
	_ =	swait.ge [sflag:s4], $0x0  }
0x19: {  	s7 =	sld [smem:$0x3F87]  }
0x1a: {  	s8 =	sadd.s32 $0xFFFFE003, lr  }
0x1b: {  	s9 =	sadd.s32 $0xFFFFFEF7, lr;
	s5 =	simm.s32 $0xFFFFFFFF;
	p2 =	slt.u32 s8, $0xFFFFF086  }
0x1c: {  	p1 =	slt.u32 s9, $0xF7A;
	s5 =	simm.s32 @!p2 $0x0  }
0x1d: {  	s5 =	simm.s32 @p1 $0x1;
	p0 =	seq.s32 s7, s2  }
0x1e: {  	s7 =	smul.u32 @!p0 $0xF7A, s2;
	p2 =	seq.s32 @!p0 s5, $0x0  }
0x1f: {  	s9 =	smul.u32 $0xF7A, s1;
	s8 =	simm.s32 @!p0 $0x1BF5;
	p2 =	por !p2, p0  }
0x20: {  	[sflag:s8] =	ssyncset.s32 @!p0 $0xFFFFF086;
	s6 =	sadd.s32 @!p0 s3, s7;
	s7 =	simm.s32 @!p0 $0x108  }
0x21: {  	s3 =	sadd.s32 s3, s9;
	s6 =	sadd.s32 @!p0 $0x88, s6;
	s7 =	simm.s32 @p2 $0x1082  }
0x22: {  	[simem:s7], [sflag:s8] =	dma.local @!p0 [hbm:s6], $0xF7A  }
0x23: {  	s9 =	sor.u32 $0xD0000000, s2;
	s6 =	simm.s32 $0x108;
	_ =	swait.ge @!p0 [sflag:s8], $0x0  }
0x24: {  	s3 =	sadd.s32 $0x88, s3;
	s6 =	simm.s32 @!p1 $0x1082;
	[sflag:s4] =	ssyncset.s32 $0xFFFFF086  }
0x25: {  	[simem:s6], [sflag:s4] =	dma.local [hbm:s3], $0xF7A  }
0x26: {  	[smem:$0x3F87] =	sst s1;
	(tag) =	ssettag s2;
	_ =	strace s9  }
0x27: {  	s1 =	sld [smem:$0x3F97]  }
0x28: {  	s2 =	sld [smem:$0x3F98]  }
0x29: {  	s4 =	sld [smem:$0x3F9A]  }
0x2a: {  	p0 =	seq.s32 s5, $0x0;
	s5 =	sld [smem:$0x3F9B]  }
0x2b: {  	s6 =	sld [smem:$0x3F9C]  }
0x2c: {  	s7 =	sld [smem:$0x3F9D]  }
0x2d: {  	s3 =	simm.s32 $0x108;
	s8 =	sld [smem:$0x3F9E]  }
0x2e: {  	s3 =	simm.s32 @!p0 $0x1082;
	s9 =	sld [smem:$0x3F9F]  }
0x2f: {  	lr =	sadd.s32 s0, s3;
	s0 =	sld [smem:$0x3F96]  }
0x30: {  	s3 =	sld [smem:$0x3F99]  }
0x31: {  	[smem:$0x3FA2] =	sst s10  }
0x32: {  	s10 =	sld [smem:$0x3FA0];
	_ =	sdelay $0x3  }
0x33: {  	p0 =	seq.s32 s10, $0x1;
	s10 =	sld [smem:$0x3FA2];
	_ =	sdelay $0x3  }
0x34: {  	[smem:$0x3FA2] =	sst s10  }
0x35: {  	s10 =	sld [smem:$0x3FA1];
	_ =	sdelay $0x3  }
0x36: {  	p1 =	seq.s32 s10, $0x1;
	s10 =	sld [smem:$0x3FA2];
	_ =	sdelay $0x3  }
0x37: {  	[smem:$0x3FA2] =	sst s10  }
0x38: {  	s10 =	sld [smem:$0x3FA3]  }
0x39: {  	_ = 	snop;
	(pc) =	sbr.ind lr, $3  }
0x3a: {  	_ = 	snop  }
0x3b: {  	_ = 	snop  }
0x3c: {  	p2 =	seq.s32 s10, $0x1;
	s10 =	sld [smem:$0x3FA2]  }
0x3d: {  	_ =	shalt  }
0x3e: {  	_ =	shalt  }
0x3f: {  	_ =	shalt  }
0x40: {  	_ =	shalt  }
0x41: {  	_ =	shalt  }
0x42: {  	_ =	shalt  }
0x43: {  	_ =	shalt  }
0x44: {  	_ =	shalt  }
0x45: {  	_ =	shalt  }
0x46: {  	_ =	shalt  }
0x47: {  	_ =	shalt  }
0x48: {  	_ =	shalt  }
0x49: {  	_ =	shalt  }
0x4a: {  	_ =	shalt  }
0x4b: {  	_ =	shalt  }
0x4c: {  	_ =	shalt  }
0x4d: {  	_ =	shalt  }
0x4e: {  	_ =	shalt  }
0x4f: {  	_ =	shalt  }
0x50: {  	_ =	shalt  }
0x51: {  	_ =	shalt  }
0x52: {  	_ =	shalt  }
0x53: {  	_ =	shalt  }
0x54: {  	_ =	shalt  }
0x55: {  	_ =	shalt  }
0x56: {  	_ =	shalt  }
0x57: {  	_ =	shalt  }
0x58: {  	_ =	shalt  }
0x59: {  	_ =	shalt  }
0x5a: {  	_ =	shalt  }
0x5b: {  	_ =	shalt  }
0x5c: {  	_ =	shalt  }
0x5d: {  	_ =	shalt  }
0x5e: {  	_ =	shalt  }
0x5f: {  	_ =	shalt  }
0x60: {  	_ =	shalt  }
0x61: {  	_ =	shalt  }
0x62: {  	_ =	shalt  }
0x63: {  	_ =	shalt  }
0x64: {  	_ =	shalt  }
0x65: {  	_ =	shalt  }
0x66: {  	_ =	shalt  }
0x67: {  	_ =	shalt  }
0x68: {  	_ =	shalt  }
0x69: {  	_ =	shalt  }
0x6a: {  	_ =	shalt  }
0x6b: {  	_ =	shalt  }
0x6c: {  	_ =	shalt  }
0x6d: {  	_ =	shalt  }
0x6e: {  	_ =	shalt  }
0x6f: {  	_ =	shalt  }
0x70: {  	_ =	shalt  }
0x71: {  	_ =	shalt  }
0x72: {  	_ =	shalt  }
0x73: {  	_ =	shalt  }
0x74: {  	_ =	shalt  }
0x75: {  	_ =	shalt  }
0x76: {  	_ =	shalt  }
0x77: {  	_ =	shalt  }
0x78: {  	_ =	shalt  }
0x79: {  	_ =	shalt  }
0x7a: {  	_ =	shalt  }
0x7b: {  	_ =	shalt  }
0x7c: {  	_ =	shalt  }
0x7d: {  	_ =	shalt  }
0x7e: {  	_ =	shalt  }
0x7f: {  	_ =	shalt  }
0x80: {  	_ =	shalt  }
0x81: {  	_ =	shalt  }
0x82: {  	_ =	shalt  }
0x83: {  	_ =	shalt  }
0x84: {  	_ =	shalt  }
0x85: {  	_ =	shalt  }
0x86: {  	_ =	shalt  }
0x87: {  	_ =	shalt  }
.Lfunc_end0:
.L_simem_size_0:
called_computation_lowered:
.L_overlay_start_0:
0x88: {  	s2 =	sld [smem:$0x3FD9]  }
0x89: {  	s3 =	sld [smem:$0x3FFE];
	_ =	sdelay $0x1  }
0x8a: {  	s1 =	srdreg.scid  }
0x8b: {  	s0 =	sand.u32 $0x1, s1  }
0x8c: {  	s17 =	sshll.u32 s0, $0xA;
	s2 =	sadd.s32 s3, s2  }
0x8d: {  	s2 =	sadd.s32 s2, s17  }
0x8e: {  	[smem:$0x3FAE] =	sst s2  }
0x8f: {  	_ = 	snop  }
0x90: {  	s2 =	sld [smem:$0x3FC6];
	(tm) =	ssettm $0x1  }
0x91: {  	s18 =	sld [smem:$0x3FFB];
	_ =	sdelay $0x3  }
0x92: {  	_ =	strace s18  }
0x93: {  	s3 =	sld [smem:$0x3FFC];
	_ =	sdelay $0x3  }
0x94: {  	_ =	strace s3  }
0x95: {  	s3 =	sld [smem:$0x3FFD];
	_ =	sdelay $0x3  }
0x96: {  	_ =	strace s3  }
0x97: {  	_ =	strace $0x8FFFFFFF  }
0x98: {  	s19 =	sld [smem:$0x3FDB];
	_ =	sdelay $0x1  }
0x99: {  	s4 =	simm.s32 $_scs_section_size  }
0x9a: {  	s5 =	simm.s32 $_size__tile_overlayer_lowered;
	s6 =	simm.s32 $_tile_overlayer_lowered  }
0x9b: {  	s22 =	simm.s32 $0x1BFF;
	s21 =	sshll.u32 s6, $0x1;
	s3 =	sadd.s32 s4, s19  }
0x9c: {  	s7 =	simm.s32 $0x0;
	s20 =	sshll.u32 s5, $0x1;
	s5 =	sadd.s32 s21, s3  }
0x9d: {  	[timem:s7], [sflag:s22] =	dma.local [hbm:s5], s20  }
0x9e: {  	_ =	swait.ge [sflag:s22], s20  }
0x9f: {  	s4 =	ssub.s32 $0x0, s20;
	[sflag:s22] =	ssyncset.done $0x0  }
0xa0: {  	[sflag:s22] =	ssyncadd.s32 s4;
	_ =	sdelay $0x1  }
0xa1: {  	s23 =	simm.s32 $0x1B8B  }
0xa2: {  	_ =	swait.ge [sflag:s23], $0x1  }
0xa3: {  	[sflag:s23] =	ssyncset.done $0x0  }
0xa4: {  	s25 =	simm.s32 $0x1B8E;
	s24 =	sld [smem:$0x3FFE];
	[sflag:s23] =	ssyncadd.s32 $0xFFFFFFFF  }
0xa5: {  	s26 =	simm.s32 $execute0_lowered;
	[smem:$0x3FD2] =	sst s25  }
0xa6: {  	s5 =	sshll.u32 s26, $0x1;
	_ =	strace $0x80000046;
	[dreg:$0x1] =	wrdreg $0xFFFFFFFF  }
0xa7: {  	s28 =	simm.s32 $_size_execute0_lowered;
	s3 =	sadd.s32 s3, s5;
	[dreg:$0x0] =	wrdreg $0x0  }
0xa8: {  	s5 =	sshll.u32 s28, $0x1;
	[dreg:$0x2] =	wrdreg s3  }
0xa9: {  	[dreg:$0x3] =	wrdreg s5  }
0xaa: {  	[dreg:$0x4] =	wrdreg $0xC0  }
0xab: {  	_ =	task [dreg:s7], $0x5FFFF  }
0xac: {  	[dreg:$0x1] =	wrdreg $0xFFFFFFFF  }
0xad: {  	[dreg:$0x0] =	wrdreg $0x60  }
0xae: {  	[dreg:$0x2] =	wrdreg s24  }
0xaf: {  	[dreg:$0x3] =	wrdreg s2  }
0xb0: {  	[dreg:$0x4] =	wrdreg $0x9  }
0xb1: {  	_ =	task.clear_ibuf [dreg:s7], $0x5FFFF;
	_ =	strace $0x90000046  }
0xb2: {  	s29 =	simm.s32 $0x9;
	_ =	strace $0x80000048  }
0xb3: {  	_ =	swait.ge [sflag:s29], $0x1  }
0xb4: {  	[sflag:s29] =	ssyncadd.s32 $0xFFFFFFFF  }
0xb5: {  	_ =	strace $0x90000048  }
0xb6: {  	_ =	sfence  }
0xb7: {  	s30 =	sld [smem:$0x0];
	_ =	sdelay $0x2  }
0xb8: {  	s31 =	sshll.u32 s1, $0xD;
	s1 =	sshrl.u32 s1, $0x2  }
0xb9: {  	s3 =	sand.u32 $0x4000, s31;
	s1 =	sadd.s32 s1, s30  }
0xba: {  	s0 =	sor.u32 s3, s0;
	s1 =	sshll.u32 s1, $0x11  }
0xbb: {  	s0 =	sor.u32 s1, s0  }
0xbc: {  	s0 =	sadd.s32 $0x8F2B, s0  }
0xbd: {  	[sflag:s0] =	ssyncadd.remote.s32 $0x1  }
0xbe: {  	_ =	sfence.sel $0xFFFF  }
0xbf: {  	[dreg:$0x0] =	wrdreg $0xFFFFFFFF;
	(pc) =	sbr.abs _section_cstart, $3  }
0xc0: {  	[dreg:$0x1] =	wrdreg $0xFFFFFFFF  }
0xc1: {  	_ =	task.clear_ibuf [dreg:s7], $0x2FFFF;
	_ =	strace $0x9FFFFFFF  }
0xc2: {  	(tm) =	ssettm $0x7FFFFFFF  }
0xc3: {  	_ =	shalt  }
tec
execute0_lowered:
.L_overlay_start_1:
0x0: {  	(tag) =	ssettag $0x1  }
0x1: {  	s0 =	rddreg [dreg:$0x0]  }
0x2: {  	s1 =	srdreg.scid;
	s12 =	stileid.u32  }
0x3: {  	s6 =	rddreg [dreg:$0x1];
	s2 =	simm.s32 $0x0;
	s28 =	simm.s32 $0x8400  }
0x4: {  	s29 =	simm.s32 $0x180;
	s30 =	simm.s32 $0xC400;
	s20 =	smul.u32 $0x4E20, s12  }
0x5: {  	s1 =	sand.u32 $0x1, s1;
	s3 =	sshll.u32 s12, $0x1;
	s24 =	smul.u32 $0x271000, s12  }
0x6: {  	s31 =	simm.s32 $0x200;
	s7 =	sor.u32 s1, s3;
	s22 =	smul.u32 $0x2710, s1  }
0x7: {  	[smem:$0x7FF] =	sst s2;
	s5 =	sadd.s32 $0x274200, s0;
	s8 =	smul.u32 $0x2710, s7  }
0x8: {  	_ =	strace $0x80000047;
	s9 =	ssub.s32 $0x2, s1;
	s11 =	smul.u32 $0x138800, s7  }
0x9: {  	s3 =	sadd.s32 $0x3200, s0;
	s10 =	sshrl.u32 s9, $0x1;
	s7 =	smul.u32 $0x27100, s7  }
0xa: {  	s1 =	smul.u32 $0x138800, s1;
	s25 =	ssub.s32 s9, s10;
	s4 =	sshrl.u32 s8, $0x3  }
0xb: {  	s13 =	sshrl.u32 s11, $0x3;
	s7 =	sadd.s32 s5, s7;
	s8 =	sadd.s32 $0x2700, s8  }
0xc: {  	s0 =	smax.u32 s25, $0x1;
	s4 =	sadd.s32 s6, s4;
	[dreg:$0x7] =	wrdreg s7  }
0xd: {  	s25 =	sadd.s32 s1, s24;
	[dreg:$0x10] =	wrdreg s0;
	s26 =	sadd.s32 $0x10, s4  }
0xe: {  	s24 =	simm.s32 $0x400;
	s10 =	sadd.s32 $0x20, s4;
	[dreg:$0x3] =	wrdreg s26  }
0xf: {  	s1 =	simm.s32 $0x10400;
	s14 =	sadd.s32 $0x30, s4;
	[dreg:$0x4] =	wrdreg s10  }
0x10: {  	s9 =	sadd.s32 s5, s13;
	s15 =	sadd.s32 $0x40, s4;
	[dreg:$0x5] =	wrdreg s14  }
0x11: {  	s23 =	sshrl.u32 s8, $0x3;
	s16 =	sadd.s32 $0x50, s4;
	[dreg:$0x6] =	wrdreg s15  }
0x12: {  	s8 =	sshll.u32 s8, $0x4;
	s17 =	sadd.s32 $0x24800, s9;
	[dreg:$0x8] =	wrdreg s16  }
0x13: {  	s7 =	sadd.s32 s22, s20;
	s18 =	sadd.s32 $0x25000, s9;
	[dreg:$0x9] =	wrdreg s17  }
0x14: {  	s13 =	sadd.s32 $0x4000, s25;
	s19 =	sadd.s32 $0x25800, s9;
	[dreg:$0xa] =	wrdreg s18  }
0x15: {  	s22 =	simm.s32 $0x3;
	s21 =	sadd.s32 $0x26000, s9;
	[dreg:$0xb] =	wrdreg s19  }
0x16: {  	s25 =	simm.s32 $0x4400;
	s9 =	sadd.s32 $0x26800, s9;
	[dreg:$0xc] =	wrdreg s21  }
0x17: {  	s0 =	simm.s32 $0x1;
	s8 =	sadd.s32 s5, s8;
	[dreg:$0xd] =	wrdreg s9  }
0x18: {  	s7 =	sadd.s32 $0x300, s7;
	s9 =	sadd.s32 s6, s23;
	[dreg:$0xf] =	wrdreg s8  }
0x19: {  	s26 =	sshrl.u32 s7, $0x3;
	s23 =	simm.s32 $0x80;
	s7 =	simm.s32 $0x14400  }
0x1a: {  	s8 =	simm.s32 $0x2;
	[dreg:$0xe] =	wrdreg s9;
	s21 =	sadd.s32 s26, s6  }
0x1b: {  	s26 =	simm.s32 $0x100;
	s6 =	simm.s32 $0x280;
	s9 =	simm.s32 $0x0  }
.LBB2_1:
0x1c: {  	[tilespmem:s2], [sflag:$0x3] =	stream.linear.gather [hbm4b:s4+s2], $0x80, $0x38;
	[tilespmem:$0x18400] =	vst v63  }
0x1d: {  	_ =	swait.ge [sflag:s22], $0x80  }
0x1e: {  	[sflag:s22] =	ssyncset.done $0x0  }
0x1f: {  	[sflag:s22] =	ssyncadd.s32 $0xFFFFFF80  }
0x20: {  	[tilespmem:s24], [sflag:$0x1] =	stream.indirect.gather [hbm4b:s3+s23], $0x80, s2, s23, $0xb8;
	[tilespmem:$0x18400] =	vst v63  }
0x21: {  	s10 =	rddreg [dreg:$0x3]  }
0x22: {  	[tilespmem:s23], [sflag:$0x3] =	stream.linear.gather [hbm4b:s10+s2], $0x80, $0x38;
	[tilespmem:$0x18400] =	vst v63  }
0x23: {  	_ =	swait.ge [sflag:s22], $0x80  }
0x24: {  	[sflag:s22] =	ssyncset.done $0x0  }
0x25: {  	[sflag:s22] =	ssyncadd.s32 $0xFFFFFF80  }
0x26: {  	[tilespmem:s25], [sflag:$0x1] =	stream.indirect.gather [hbm4b:s3+s23], $0x80, s23, s23, $0xb8;
	[tilespmem:$0x18400] =	vst v63  }
0x27: {  	s11 =	rddreg [dreg:$0x4]  }
0x28: {  	[tilespmem:s26], [sflag:$0x3] =	stream.linear.gather [hbm4b:s11+s2], $0x80, $0x38;
	[tilespmem:$0x18400] =	vst v63  }
0x29: {  	_ =	swait.ge [sflag:s22], $0x80  }
0x2a: {  	[sflag:s22] =	ssyncset.done $0x0  }
0x2b: {  	[sflag:s22] =	ssyncadd.s32 $0xFFFFFF80  }
0x2c: {  	[tilespmem:s28], [sflag:$0x1] =	stream.indirect.gather [hbm4b:s3+s23], $0x80, s26, s23, $0xb8;
	[tilespmem:$0x18400] =	vst v63  }
0x2d: {  	s12 =	rddreg [dreg:$0x5]  }
0x2e: {  	[tilespmem:s29], [sflag:$0x3] =	stream.linear.gather [hbm4b:s12+s2], $0x80, $0x38;
	[tilespmem:$0x18400] =	vst v63  }
0x2f: {  	_ =	swait.ge [sflag:s22], $0x80  }
0x30: {  	[sflag:s22] =	ssyncset.done $0x0  }
0x31: {  	[sflag:s22] =	ssyncadd.s32 $0xFFFFFF80  }
0x32: {  	[tilespmem:s30], [sflag:$0x1] =	stream.indirect.gather [hbm4b:s3+s23], $0x80, s29, s23, $0xb8;
	[tilespmem:$0x18400] =	vst v63  }
0x33: {  	s14 =	rddreg [dreg:$0x6]  }
0x34: {  	[tilespmem:s31], [sflag:$0x3] =	stream.linear.gather [hbm4b:s14+s2], $0x80, $0x38;
	[tilespmem:$0x18400] =	vst v63  }
0x35: {  	_ =	swait.ge [sflag:s22], $0x80  }
0x36: {  	s17 =	simm.s32 $0x6;
	[sflag:s22] =	ssyncset.done $0x0  }
0x37: {  	s10 =	smul.u32 $0xAB, s17;
	[sflag:s22] =	ssyncadd.s32 $0xFFFFFF80  }
0x38: {  	[tilespmem:s1], [sflag:$0x1] =	stream.indirect.gather [hbm4b:s3+s23], $0x80, s31, s23, $0xb8;
	[tilespmem:$0x18400] =	vst v63  }
0x39: {  	s11 =	sadd.s32 $0xFFFFFCA9, s10;
	_ =	swait.ge [sflag:s0], $0x4000  }
0x3a: {  	s10 =	sshrl.u32 s10, $0xA;
	s11 =	sshrl.u32 s11, $0xA;
	[sflag:s0] =	ssyncset.done $0x0  }
0x3b: {  	s11 =	sand.u32 $0x3F, s11;
	s15 =	rddreg [dreg:$0x7];
	[sflag:s0] =	ssyncadd.s32 $0xFFFFC000  }
0x3c: {  	[hbm4b:s15+s2] =	stream.linear.scatter [tilespmem:s24], [sflag:$0x2], $0x4000, $0x38;
	[tilespmem:$0x18400] =	vst v63  }
0x3d: {  	s10 =	sand.u32 $0x3F, s10;
	s11 =	smul.u32 $0x6, s11;
	s16 =	rddreg [dreg:$0x8]  }
0x3e: {  	[tilespmem:s6], [sflag:$0x3] =	stream.linear.gather [hbm4b:s16+s2], $0x80, $0x38;
	[tilespmem:$0x18400] =	vst v63  }
0x3f: {  	s10 =	smul.u32 $0x6, s10;
	_ =	swait.ge [sflag:s22], $0x80  }
0x40: {  	s19 =	sshrl.u32 s13, $0x3;
	s11 =	ssub.s32 $0x6, s11;
	[sflag:s22] =	ssyncset.done $0x0  }
0x41: {  	s10 =	ssub.s32 $0x6, s10;
	s11 =	sadd.s32 $0xFFFFFFFB, s11;
	[sflag:s22] =	ssyncadd.s32 $0xFFFFFF80  }
0x42: {  	[tilespmem:s7], [sflag:$0x1] =	stream.indirect.gather [hbm4b:s3+s23], $0x80, s6, s23, $0xb8;
	[tilespmem:$0x18400] =	vst v63  }
0x43: {  	s18 =	sand.u32 $0xFF, s11;
	s11 =	sadd.s32 s5, s19;
	_ =	swait.ge [sflag:s0], $0x4000  }
0x44: {  	s14 =	sand.u32 $0xFF, s10;
	s10 =	sshll.u32 s18, $0xE;
	[sflag:s0] =	ssyncset.done $0x0  }
0x45: {  	s10 =	sor.u32 $0x400, s10;
	s20 =	sshll.u32 s14, $0xE;
	[sflag:s0] =	ssyncadd.s32 $0xFFFFC000  }
0x46: {  	[hbm4b:s11+s2] =	stream.linear.scatter [tilespmem:s10], [sflag:$0x2], $0x4000, $0x38;
	[tilespmem:$0x18400] =	vst v63  }
0x47: {  	s14 =	sshll.u32 s14, $0x7;
	s12 =	sor.u32 $0x400, s20;
	_ =	swait.ge [sflag:s8], $0x4000  }
0x48: {  	s16 =	simm.s32 $0x8;
	s10 =	simm.s32 $0x7;
	[sflag:s8] =	ssyncset.done $0x0  }
0x49: {  	s11 =	sadd.s32 $0x10, s21;
	s15 =	smul.u32 $0xAB, s10;
	[sflag:s8] =	ssyncadd.s32 $0xFFFFC000  }
0x4a: {  	[tilespmem:s14], [sflag:$0x3] =	stream.linear.gather [hbm4b:s21+s2], $0x80, $0x38;
	[tilespmem:$0x18400] =	vst v63  }
0x4b: {  	s17 =	sshrl.u32 s15, $0xA;
	s15 =	sadd.s32 $0xFFFFFCA9, s15;
	_ =	swait.ge [sflag:s22], $0x80  }
0x4c: {  	s20 =	sand.u32 $0x3F, s17;
	s17 =	sshrl.u32 s15, $0xA;
	[sflag:s22] =	ssyncset.done $0x0  }
0x4d: {  	s15 =	smul.u32 $0x6, s20;
	s20 =	smov.u32 s13;
	[sflag:s22] =	ssyncadd.s32 $0xFFFFFF80  }
.LBB2_2:
0x4e: {  	s17 =	sand.u32 $0x3F, s17  }
0x4f: {  	s20 =	sadd.s32 $0x4000, s20;
	s18 =	smov.u32 s16;
	s19 =	sadd.s32 $0x1, s16  }
0x50: {  	p0 =	sne.s32 s16, $0x4D;
	s16 =	smul.u32 $0x6, s17;
	s15 =	ssub.s32 s10, s15  }
0x51: {  	[tilespmem:s12], [sflag:$0x1] =	stream.indirect.gather [hbm4b:s3+s23], $0x80, s14, s23, $0xb8;
	[tilespmem:$0x18400] =	vst v63  }
0x52: {  	s14 =	sand.u32 $0xFF, s15;
	s12 =	ssub.s32 s10, s16;
	s10 =	smov.u32 s18  }
0x53: {  	s15 =	sshll.u32 s14, $0xE;
	s12 =	sadd.s32 $0xFFFFFFFB, s12  }
0x54: {  	_ =	swait.ge [sflag:s0], $0x4000;
	s16 =	sand.u32 $0xFF, s12;
	s12 =	sor.u32 $0x400, s15  }
0x55: {  	[sflag:s0] =	ssyncset.done $0x0;
	s15 =	sshll.u32 s16, $0xE;
	s16 =	sshrl.u32 s20, $0x3  }
0x56: {  	[sflag:s0] =	ssyncadd.s32 $0xFFFFC000;
	s15 =	sor.u32 $0x400, s15;
	s16 =	sadd.s32 s5, s16  }
0x57: {  	[hbm4b:s16+s2] =	stream.linear.scatter [tilespmem:s15], [sflag:$0x2], $0x4000, $0x38;
	[tilespmem:$0x18400] =	vst v63  }
0x58: {  	s15 =	smul.u32 $0xAB, s10;
	_ =	swait.ge [sflag:s8], $0x4000  }
0x59: {  	s14 =	sshll.u32 s14, $0x7;
	[sflag:s8] =	ssyncset.done $0x0  }
.Ltmp0:
0x5a: {  	s16 =	sshrl.u32 s15, $0xA;
	[sflag:s8] =	ssyncadd.s32 $0xFFFFC000;
	(pc) =	sbr.rel @p0 .LBB2_2-.Ltmp0, $4  }
0x5b: {  	[tilespmem:s14], [sflag:$0x3] =	stream.linear.gather [hbm4b:s11+s2], $0x80, $0x38;
	[tilespmem:$0x18400] =	vst v63  }
0x5c: {  	s15 =	sadd.s32 $0xFFFFFCA9, s15;
	s11 =	sadd.s32 $0x10, s11;
	_ =	swait.ge [sflag:s22], $0x80  }
0x5d: {  	s16 =	sand.u32 $0x3F, s16;
	s17 =	sshrl.u32 s15, $0xA;
	[sflag:s22] =	ssyncset.done $0x0  }
0x5e: {  	s15 =	smul.u32 $0x6, s16;
	s16 =	smov.u32 s19;
	[sflag:s22] =	ssyncadd.s32 $0xFFFFFF80  }
0x5f: {  	s16 =	sand.u32 $0x3F, s17  }
0x60: {  	s16 =	smul.u32 $0x6, s16  }
0x61: {  	[tilespmem:s12], [sflag:$0x1] =	stream.indirect.gather [hbm4b:s3+s23], $0x80, s14, s23, $0xb8;
	[tilespmem:$0x18400] =	vst v63  }
0x62: {  	s17 =	ssub.s32 s10, s16  }
0x63: {  	s12 =	sadd.s32 $0xFFFFFFFB, s17  }
0x64: {  	s18 =	sadd.s32 $0x4000, s20;
	_ =	swait.ge [sflag:s0], $0x4000;
	s12 =	sand.u32 $0xFF, s12  }
0x65: {  	s14 =	sshrl.u32 s18, $0x3;
	[sflag:s0] =	ssyncset.done $0x0;
	s12 =	sshll.u32 s12, $0xE  }
0x66: {  	s14 =	sadd.s32 s5, s14;
	[sflag:s0] =	ssyncadd.s32 $0xFFFFC000;
	s12 =	sor.u32 $0x400, s12  }
0x67: {  	[hbm4b:s14+s2] =	stream.linear.scatter [tilespmem:s12], [sflag:$0x2], $0x4000, $0x38;
	[tilespmem:$0x18400] =	vst v63  }
0x68: {  	s19 =	ssub.s32 s10, s15;
	_ =	swait.ge [sflag:s8], $0x4000  }
0x69: {  	s10 =	sand.u32 $0xFF, s19;
	[sflag:s8] =	ssyncset.done $0x0  }
0x6a: {  	s20 =	sshll.u32 s10, $0x7;
	[sflag:s8] =	ssyncadd.s32 $0xFFFFC000  }
0x6b: {  	[tilespmem:s20], [sflag:$0x3] =	stream.linear.gather [hbm4b:s11+s2], $0x80, $0x38;
	[tilespmem:$0x18400] =	vst v63  }
0x6c: {  	_ =	swait.ge [sflag:s22], $0x80  }
0x6d: {  	s10 =	sshll.u32 s10, $0xE;
	[sflag:s22] =	ssyncset.done $0x0  }
0x6e: {  	s10 =	sor.u32 $0x400, s10;
	[sflag:s22] =	ssyncadd.s32 $0xFFFFFF80  }
0x6f: {  	[tilespmem:s10], [sflag:$0x1] =	stream.indirect.gather [hbm4b:s3+s23], $0x80, s20, s23, $0xb8;
	[tilespmem:$0x18400] =	vst v63  }
0x70: {  	_ =	swait.ge [sflag:s0], $0x4000  }
0x71: {  	[sflag:s0] =	ssyncset.done $0x0  }
0x72: {  	s11 =	rddreg [dreg:$0x9];
	[sflag:s0] =	ssyncadd.s32 $0xFFFFC000  }
0x73: {  	[hbm4b:s11+s2] =	stream.linear.scatter [tilespmem:s25], [sflag:$0x2], $0x4000, $0x38;
	[tilespmem:$0x18400] =	vst v63  }
0x74: {  	_ =	swait.ge [sflag:s8], $0x4000  }
0x75: {  	[sflag:s8] =	ssyncset.done $0x0  }
0x76: {  	[sflag:s8] =	ssyncadd.s32 $0xFFFFC000  }
0x77: {  	_ =	swait.ge [sflag:s0], $0x4000  }
0x78: {  	[sflag:s0] =	ssyncset.done $0x0  }
0x79: {  	s12 =	rddreg [dreg:$0xa];
	[sflag:s0] =	ssyncadd.s32 $0xFFFFC000  }
0x7a: {  	[hbm4b:s12+s2] =	stream.linear.scatter [tilespmem:s28], [sflag:$0x2], $0x4000, $0x38;
	[tilespmem:$0x18400] =	vst v63  }
0x7b: {  	_ =	swait.ge [sflag:s8], $0x4000  }
0x7c: {  	[sflag:s8] =	ssyncset.done $0x0  }
0x7d: {  	[sflag:s8] =	ssyncadd.s32 $0xFFFFC000  }
0x7e: {  	_ =	swait.ge [sflag:s0], $0x4000  }
0x7f: {  	[sflag:s0] =	ssyncset.done $0x0  }
0x80: {  	s14 =	rddreg [dreg:$0xb];
	[sflag:s0] =	ssyncadd.s32 $0xFFFFC000  }
0x81: {  	[hbm4b:s14+s2] =	stream.linear.scatter [tilespmem:s30], [sflag:$0x2], $0x4000, $0x38;
	[tilespmem:$0x18400] =	vst v63  }
0x82: {  	_ =	swait.ge [sflag:s8], $0x4000  }
0x83: {  	[sflag:s8] =	ssyncset.done $0x0  }
0x84: {  	[sflag:s8] =	ssyncadd.s32 $0xFFFFC000  }
0x85: {  	_ =	swait.ge [sflag:s0], $0x4000  }
0x86: {  	[sflag:s0] =	ssyncset.done $0x0  }
0x87: {  	s15 =	rddreg [dreg:$0xc];
	[sflag:s0] =	ssyncadd.s32 $0xFFFFC000  }
0x88: {  	[hbm4b:s15+s2] =	stream.linear.scatter [tilespmem:s1], [sflag:$0x2], $0x4000, $0x38;
	[tilespmem:$0x18400] =	vst v63  }
0x89: {  	_ =	swait.ge [sflag:s8], $0x4000  }
0x8a: {  	[sflag:s8] =	ssyncset.done $0x0  }
0x8b: {  	[sflag:s8] =	ssyncadd.s32 $0xFFFFC000  }
0x8c: {  	_ =	swait.ge [sflag:s0], $0x4000  }
0x8d: {  	[sflag:s0] =	ssyncset.done $0x0  }
0x8e: {  	s16 =	rddreg [dreg:$0xd];
	[sflag:s0] =	ssyncadd.s32 $0xFFFFC000  }
0x8f: {  	[hbm4b:s16+s2] =	stream.linear.scatter [tilespmem:s7], [sflag:$0x2], $0x4000, $0x38;
	[tilespmem:$0x18400] =	vst v63  }
0x90: {  	_ =	swait.ge [sflag:s8], $0x4000  }
0x91: {  	[sflag:s8] =	ssyncset.done $0x0  }
0x92: {  	[sflag:s8] =	ssyncadd.s32 $0xFFFFC000  }
0x93: {  	_ =	swait.ge [sflag:s8], $0x4000  }
0x94: {  	[sflag:s8] =	ssyncset.done $0x0  }
0x95: {  	s17 =	rddreg [dreg:$0xe];
	[sflag:s8] =	ssyncadd.s32 $0xFFFFC000  }
0x96: {  	[tilespmem:s2], [sflag:$0x3] =	stream.linear.gather [hbm4b:s17+s2], $0x10, $0x38;
	[tilespmem:$0x18400] =	vst v63  }
0x97: {  	_ =	swait.ge [sflag:s22], $0x10  }
0x98: {  	[sflag:s22] =	ssyncset.done $0x0  }
0x99: {  	s18 =	simm.s32 $0x10;
	[sflag:s22] =	ssyncadd.s32 $0xFFFFFFF0  }
0x9a: {  	[tilespmem:s24], [sflag:$0x1] =	stream.indirect.gather [hbm4b:s3+s18], $0x80, s2, s18, $0xb8;
	[tilespmem:$0x18400] =	vst v63  }
0x9b: {  	_ =	swait.ge [sflag:s0], $0x800  }
0x9c: {  	[sflag:s0] =	ssyncset.done $0x0  }
0x9d: {  	s19 =	rddreg [dreg:$0xf];
	[sflag:s0] =	ssyncadd.s32 $0xFFFFF800  }
0x9e: {  	[hbm4b:s19+s2] =	stream.linear.scatter [tilespmem:s24], [sflag:$0x3], $0x800, $0x38;
	[tilespmem:$0x18400] =	vst v63  }
0x9f: {  	_ =	swait.ge [sflag:s22], $0x800  }
0xa0: {  	s9 =	sadd.s32 $0x1, s9;
	s20 =	rddreg [dreg:$0x10]  }
0xa1: {  	p0 =	sne.s32 s9, s20  }
.Ltmp1:
0xa2: {  	_ = 	snop;
	(pc) =	sbr.rel @p0 .LBB2_1-.Ltmp1, $3  }
0xa3: {  	_ =	sdelay $0x1  }
0xa4: {  	[sflag:s22] =	ssyncset.done $0x0  }
0xa5: {  	[sflag:s22] =	ssyncadd.s32 $0xFFFFF800  }
0xa6: {  	_ =	sfence.sel $0x180000  }
0xa7: {  	[bflag:$0x0] =	sbarrier.arrive $0xFFFF  }
0xa8: {  	_ =	strace $0x90000047  }
0xa9: {  	s0 =	stileid.u32;
	[bflag:$0x2] =	sbarrier.arrive $0xFFFF  }
0xaa: {  	p0 =	sne.s32 s0, $0x0;
	s0 =	rddreg [dreg:$0x2]  }
0xab: {  	s0 =	sadd.s32 @!p0 $0x100000, s0  }
0xac: {  	[sflag:s0] =	ssyncadd.tile.s32 @!p0 $0x1;
	_ =	shalt  }
.Lfunc_end2:
_tile_overlayer_lowered:
.L_overlay_start_2:
0xad: {  	(tag) =	ssettag $0x2  }
0xae: {  	s0 =	rddreg [dreg:$0x0];
	s2 =	stileid.u32  }
0xaf: {  	s1 =	rddreg [dreg:$0x1];
	p0 =	sne.s32 s2, $0x0  }
0xb0: {  	s3 =	rddreg [dreg:$0x2];
	[bflag:$0x3] =	sbarrier.arrive $0xFFFF;
	s2 =	simm.s32 @!p0 $0x1C03  }
0xb1: {  	[timem:s3], [sflag:s2] =	dma.local @!p0 [hbm:s0], s1  }
0xb2: {  	s0 =	simm.s32 @!p0 $0x3  }
0xb3: {  	_ =	swait.ge @!p0 [sflag:s0], s1  }
0xb4: {  	s1 =	ssub.s32 @!p0 $0x0, s1;
	[sflag:s0] =	ssyncset.done @!p0 $0x0  }
0xb5: {  	[sflag:s0] =	ssyncadd.s32 @!p0 s1  }
0xb6: {  	[bflag:$0x3] =	sbarrier.arrive $0xFFFF  }
0xb7: {  	_ =	shalt  }

</sc_bundles>
